<compile_context>
chip_gen: v7x
topology: tpu7x:2x2x1
jax: 0.10.2.dev20260603
libtpu: 0.0.44.dev20260713+nightly
codegen_flags: <defaults>
</compile_context>

<pallas_src>
import functools

import jax
import jax.numpy as jnp
from jax import lax
from jax.experimental import pallas as pl
from jax.experimental.pallas import tpu as pltpu
from jax.experimental.pallas import tpu_sc as plsc

B, C, H, W = 2, 96, 224, 224
F = 96
KH = KW = 3
OH = OW = 111
TH = 16
NT = 7
TAPS = KH * KW
WSZ = TAPS * F * C


def _sc_build_weights(nnz_pad):
    info = plsc.get_sparse_core_info()
    ns = info.num_subcores
    stripe = WSZ // ns
    chunk = nnz_pad // ns

    @functools.partial(
        pl.kernel,
        mesh=plsc.VectorSubcoreMesh(core_axis_name="c", subcore_axis_name="s"),
        out_type=jax.ShapeDtypeStruct((WSZ,), jnp.float32),
        scratch_types=[
            pltpu.VMEM((chunk,), jnp.float32),
            pltpu.VMEM((chunk,), jnp.int32),
            pltpu.VMEM((stripe,), jnp.float32),
            pltpu.VMEM_SHARED((WSZ,), jnp.float32),
        ],
    )
    def build(vals_hbm, fidx_hbm, w_hbm, vals_v, fidx_v, zbuf, shared):
        cid = lax.axis_index("c")
        sid = lax.axis_index("s")

        @pl.when(cid == 0)
        def _core0():
            def zero_body(k, carry):
                zbuf[pl.ds(k * 16, 16)] = jnp.zeros((16,), jnp.float32)
                return carry
            lax.fori_loop(0, stripe // 16, zero_body, 0)
            pltpu.sync_copy(zbuf, shared.at[pl.ds(sid * stripe, stripe)])

            pltpu.sync_copy(vals_hbm.at[pl.ds(sid * chunk, chunk)], vals_v)
            pltpu.sync_copy(fidx_hbm.at[pl.ds(sid * chunk, chunk)], fidx_v)
            plsc.subcore_barrier()

            pltpu.sync_copy(vals_v, shared.at[fidx_v], add=True)
            plsc.subcore_barrier()

            pltpu.sync_copy(shared.at[pl.ds(sid * stripe, stripe)], zbuf)
            pltpu.sync_copy(zbuf, w_hbm.at[pl.ds(sid * stripe, stripe)])

    return build


def _conv_kernel(w3_ref, x1_ref, x2_ref, out_ref, sel_ref):
    b = pl.program_id(0)
    t = pl.program_id(1)

    @pl.when(jnp.logical_and(b == 0, t == 0))
    def _build_sel():
        iw = jax.lax.broadcasted_iota(jnp.int32, (W, W), 0)
        iq = jax.lax.broadcasted_iota(jnp.int32, (W, W), 1)
        sel_ref[...] = jnp.where(
            iq < W // 2, (iw == 2 * iq).astype(jnp.float32),
            (iw == 2 * (iq - W // 2) + 1).astype(jnp.float32))

    def row(l):
        if l < 2 * TH:
            return x1_ref[0, :, l, :]
        return x2_ref[0, :, l - 2 * TH, :]

    sel = sel_ref[...]
    dei = [jnp.dot(row(l), sel, preferred_element_type=jnp.float32)
           for l in range(2 * TH + 1)]

    for r in range(TH):
        acc = jnp.zeros((F, OW), jnp.float32)
        for j in range(KH):
            d = dei[2 * r + j]
            ev = jax.lax.slice(d, (0, 0), (C, W // 2))
            od = jax.lax.slice(d, (0, W // 2), (C, W))
            acc = acc + jnp.dot(w3_ref[j], jax.lax.slice(ev, (0, 0), (C, OW)),
                                preferred_element_type=jnp.float32)
            acc = acc + jnp.dot(w3_ref[3 + j], jax.lax.slice(od, (0, 0), (C, OW)),
                                preferred_element_type=jnp.float32)
            acc = acc + jnp.dot(w3_ref[6 + j], jax.lax.slice(ev, (0, 1), (C, OW + 1)),
                                preferred_element_type=jnp.float32)
        out_ref[0, :, r, :] = acc


def kernel(inputs, values, row_ids, col_idx):
    nnz = values.shape[0]
    nnz_pad = -(-nnz // 128) * 128
    pad = nnz_pad - nnz
    tap = col_idx // C
    cc = col_idx - tap * C
    fidx = tap * (F * C) + row_ids * C + cc
    fidx = jnp.pad(fidx, (0, pad))
    vals_p = jnp.pad(values, (0, pad))

    w_flat = _sc_build_weights(nnz_pad)(vals_p, fidx)
    w3 = w_flat.reshape(TAPS, F, C)

    grid = (B, NT)
    outT = pl.pallas_call(
        _conv_kernel,
        grid=grid,
        in_specs=[
            pl.BlockSpec((TAPS, F, C), lambda b, t: (0, 0, 0)),
            pl.BlockSpec((1, C, 2 * TH, W), lambda b, t: (b, 0, t, 0)),
            pl.BlockSpec((1, C, 8, W),
                         lambda b, t: (b, 0, jnp.minimum(4 * t + 4, 27), 0)),
        ],
        out_specs=pl.BlockSpec((1, F, TH, OW), lambda b, t: (b, 0, t, 0)),
        out_shape=jax.ShapeDtypeStruct((B, F, OH, OW), jnp.float32),
        scratch_shapes=[pltpu.VMEM((W, W), jnp.float32)],
        compiler_params=pltpu.CompilerParams(
            dimension_semantics=("arbitrary", "arbitrary")),
    )(w3, inputs, inputs)
    return jnp.swapaxes(outT, 2, 3)

# --- scband reference (transcript-rebuilt; emitter-appended) ---
"""Pipeline reference for scband-sparse-conv2-d-26070451487302 (READ-ONLY COPY).

The authoritative reference and input builder live on the scoring server;
editing this copy changes nothing except your own understanding.
"""

import jax, jax.numpy as jnp
import numpy as np

B, C, H, W = 2, 96, 224, 224
F = 96
KH = KW = 3
SH = SW = 2
SPARSITY = 0.95
K = C * KH * KW


def _make_sparse_kernel():
    rng = np.random.default_rng(0)
    mask = rng.random((F, K)) < (1.0 - SPARSITY)
    # guarantee at least one nonzero per row so row structure is well-formed
    empty = mask.sum(axis=1) == 0
    if empty.any():
        mask[empty, 0] = True
    nnz = int(mask.sum())
    limit = float(np.sqrt(6.0 / (F + K)))  # GlorotUniform fan_in+fan_out of values vector approx
    values = rng.uniform(-limit, limit, size=nnz).astype(np.float32)
    row_counts = mask.sum(axis=1)
    row_ids = np.repeat(np.arange(F), row_counts).astype(np.int32)
    col_idx = np.nonzero(mask)[1].astype(np.int32)
    return values, row_ids, col_idx


def setup_inputs(seed: int = 0) -> dict:
    key = jax.random.key(seed)
    inputs = jax.random.normal(key, (B, C, H, W), dtype=jnp.float32)
    values, row_ids, col_idx = _make_sparse_kernel()
    return {
        "inputs": inputs,
        "values": jnp.asarray(values),
        "row_ids": jnp.asarray(row_ids),
        "col_idx": jnp.asarray(col_idx),
    }


def _extract_patches(x, kh, kw, sh, sw):
    # x: [B, R, Cc, D]; mirrors tf.image.extract_patches with rates=1, VALID padding.
    # Patch depth ordering: (kh, kw, D) row-major, matching TF.
    Bv, R, Cc, D = x.shape
    oR = (R - kh) // sh + 1
    oC = (Cc - kw) // sw + 1
    parts = []
    for i in range(kh):
        for j in range(kw):
            parts.append(x[:, i:i + sh * (oR - 1) + 1:sh, j:j + sw * (oC - 1) + 1:sw, :])
    return jnp.concatenate(parts, axis=-1)  # [B, oR, oC, kh*kw*D]


def reference(inputs, values, row_ids, col_idx):
    # inputs: NCHW [B, C, H, W]
    x = jnp.transpose(inputs, (0, 3, 2, 1))  # [B, W, H, C]
    patches = _extract_patches(x, KH, KW, SH, SW)  # [B, oW, oH, K]
    patches = jnp.transpose(patches, (3, 0, 1, 2))  # [K, B, oW, oH]
    shp = patches.shape
    flat = patches.reshape(shp[0], -1)  # [K, N]
    # CSR spmm: out[r, :] = sum_{nz in row r} values[nz] * flat[col_idx[nz], :]
    contrib = values[:, None] * jnp.take(flat, col_idx, axis=0)  # [nnz, N]
    flat_out = jax.ops.segment_sum(contrib, row_ids, num_segments=F)  # [F, N]
    out = flat_out.reshape(F, shp[1], shp[2], shp[3])  # [F, B, oW, oH]
    out = jnp.transpose(out, (1, 0, 2, 3))  # [B, F, oW, oH]
    return out

if __name__ == "__main__":
    import jax
    _d = setup_inputs()
    print(jax.jit(kernel)(*tuple(_d.values())))

</pallas_src>

<mosaic_0001>
#map = affine_map<(d0, d1) -> (0)>
module attributes {stable_mosaic.version = 14 : i64} {
  func.func @build(%arg0: i32, %arg1: i32, %arg2: memref<4096xf32, #tpu.memory_space<hbm>>, %arg3: memref<4096xi32, #tpu.memory_space<hbm>>, %arg4: memref<82944xf32, #tpu.memory_space<hbm>>, %arg5: memref<256xf32, #tpu.memory_space<vmem>>, %arg6: memref<256xi32, #tpu.memory_space<vmem>>, %arg7: memref<5184xf32, #tpu.memory_space<vmem>>, %arg8: memref<82944xf32, #tpu.memory_space<vmem_shared>>) attributes {dimension_semantics = [#tpu.dimension_semantics<core_parallel>, #tpu.dimension_semantics<subcore_parallel>], iteration_bounds = array<i64: 2, 16>, scalar_prefetch = 0 : i64, scratch_operands = 4 : i64, tpu.core_type = #tpu.core_type<sc_vector_subcore>, window_params = [{transform_indices = #map}, {transform_indices = #map}, {transform_indices = #map}]} {
    %eq3A = arith.constant 0 : i32
    %eq3A_0 = arith.cmpi eq, %arg0, %eq3A : i32
    %convert_element_type3A = arith.extui %eq3A_0 : i1 to i32
    %cond3A = arith.constant 0 : i32
    %cond3A_1 = arith.cmpi ne, %convert_element_type3A, %cond3A : i32
    scf.if %cond3A_1 {
      %scan3A = arith.constant 0 : i32
      %scan3A_2 = arith.constant 0 : i32
      %scan3A_3 = arith.constant 324 : i32
      %scan3A_4 = arith.addi %scan3A_2, %scan3A_3 : i32
      %scan3A_5 = arith.constant 1 : i32
      scf.for %scan3A_17 = %scan3A_2 to %scan3A_4 step %scan3A_5  : i32 {
        %broadcast_in_dim3A = arith.constant 0.000000e+00 : f32
        %broadcast_in_dim3A_18 = vector.broadcast %broadcast_in_dim3A : f32 to vector<16xf32>
        %mul3A_19 = arith.constant 16 : i32
        %mul3A_20 = arith.muli %scan3A_17, %mul3A_19 : i32
        %swap3A = arith.index_cast %mul3A_20 : i32 to index
        %swap3A_21 = tpu.vector_load %arg7[%swap3A] {strides = array<i32>} : memref<5184xf32, #tpu.memory_space<vmem>>, vector<16xf32>,
        %swap3A_22 = vector.shape_cast %swap3A_21 : vector<16xf32> to vector<16xf32>
        %swap3A_23 = vector.shape_cast %broadcast_in_dim3A_18 : vector<16xf32> to vector<16xf32>
        tpu.vector_store %arg7[%swap3A], %swap3A_23 {strides = array<i32>} : memref<5184xf32, #tpu.memory_space<vmem>>, vector<16xf32>,
      }
      %scan3A_6 = arith.constant 324 : i32
      %mul3A = arith.constant 5184 : i32
      %mul3A_7 = arith.muli %arg1, %mul3A : i32
      "tpu.region"() ({
        %run_scoped3A = tpu.sem_alloc : memref<!tpu.dma_semaphore, #tpu.memory_space<semaphore_mem>>
        %dma_start3A = tpu.memref_slice %arg8[%mul3A_7] : memref<82944xf32, #tpu.memory_space<vmem_shared>> -> memref<5184xf32, #tpu.memory_space<vmem_shared>>
        %dma_start3A_17 = tpu.memref_slice %arg8[%mul3A_7] : memref<82944xf32, #tpu.memory_space<vmem_shared>> -> memref<5184xf32, #tpu.memory_space<vmem_shared>>
        tpu.enqueue_dma source(%arg7 : memref<5184xf32, #tpu.memory_space<vmem>>) target(%dma_start3A_17 : memref<5184xf32, #tpu.memory_space<vmem_shared>>) target_semaphore(%run_scoped3A : memref<!tpu.dma_semaphore, #tpu.memory_space<semaphore_mem>>)
        %dma_wait3A = tpu.memref_slice %arg8[%mul3A_7] : memref<82944xf32, #tpu.memory_space<vmem_shared>> -> memref<5184xf32, #tpu.memory_space<vmem_shared>>
        %dma_wait3A_18 = tpu.memref_slice %arg8[%mul3A_7] : memref<82944xf32, #tpu.memory_space<vmem_shared>> -> memref<5184xf32, #tpu.memory_space<vmem_shared>>
        tpu.wait_dma2 semaphore(%run_scoped3A : memref<!tpu.dma_semaphore, #tpu.memory_space<semaphore_mem>>) src(%arg7 : memref<5184xf32, #tpu.memory_space<vmem>>) dst(%dma_wait3A_18 : memref<5184xf32, #tpu.memory_space<vmem_shared>>)
        tpu.yield
      }) : () -> ()
      %mul3A_8 = arith.constant 256 : i32
      %mul3A_9 = arith.muli %arg1, %mul3A_8 : i32
      "tpu.region"() ({
        %run_scoped3A = tpu.sem_alloc : memref<!tpu.dma_semaphore, #tpu.memory_space<semaphore_mem>>
        %dma_start3A = tpu.memref_slice %arg2[%mul3A_9] : memref<4096xf32, #tpu.memory_space<hbm>> -> memref<256xf32, #tpu.memory_space<hbm>>
        %dma_start3A_17 = tpu.memref_slice %arg2[%mul3A_9] : memref<4096xf32, #tpu.memory_space<hbm>> -> memref<256xf32, #tpu.memory_space<hbm>>
        tpu.enqueue_dma source(%dma_start3A_17 : memref<256xf32, #tpu.memory_space<hbm>>) target(%arg5 : memref<256xf32, #tpu.memory_space<vmem>>) target_semaphore(%run_scoped3A : memref<!tpu.dma_semaphore, #tpu.memory_space<semaphore_mem>>)
        %dma_wait3A = tpu.memref_slice %arg2[%mul3A_9] : memref<4096xf32, #tpu.memory_space<hbm>> -> memref<256xf32, #tpu.memory_space<hbm>>
        %dma_wait3A_18 = tpu.memref_slice %arg2[%mul3A_9] : memref<4096xf32, #tpu.memory_space<hbm>> -> memref<256xf32, #tpu.memory_space<hbm>>
        tpu.wait_dma2 semaphore(%run_scoped3A : memref<!tpu.dma_semaphore, #tpu.memory_space<semaphore_mem>>) src(%dma_wait3A_18 : memref<256xf32, #tpu.memory_space<hbm>>) dst(%arg5 : memref<256xf32, #tpu.memory_space<vmem>>)
        tpu.yield
      }) : () -> ()
      %mul3A_10 = arith.constant 256 : i32
      %mul3A_11 = arith.muli %arg1, %mul3A_10 : i32
      "tpu.region"() ({
        %run_scoped3A = tpu.sem_alloc : memref<!tpu.dma_semaphore, #tpu.memory_space<semaphore_mem>>
        %dma_start3A = tpu.memref_slice %arg3[%mul3A_11] : memref<4096xi32, #tpu.memory_space<hbm>> -> memref<256xi32, #tpu.memory_space<hbm>>
        %dma_start3A_17 = tpu.memref_slice %arg3[%mul3A_11] : memref<4096xi32, #tpu.memory_space<hbm>> -> memref<256xi32, #tpu.memory_space<hbm>>
        tpu.enqueue_dma source(%dma_start3A_17 : memref<256xi32, #tpu.memory_space<hbm>>) target(%arg6 : memref<256xi32, #tpu.memory_space<vmem>>) target_semaphore(%run_scoped3A : memref<!tpu.dma_semaphore, #tpu.memory_space<semaphore_mem>>)
        %dma_wait3A = tpu.memref_slice %arg3[%mul3A_11] : memref<4096xi32, #tpu.memory_space<hbm>> -> memref<256xi32, #tpu.memory_space<hbm>>
        %dma_wait3A_18 = tpu.memref_slice %arg3[%mul3A_11] : memref<4096xi32, #tpu.memory_space<hbm>> -> memref<256xi32, #tpu.memory_space<hbm>>
        tpu.wait_dma2 semaphore(%run_scoped3A : memref<!tpu.dma_semaphore, #tpu.memory_space<semaphore_mem>>) src(%dma_wait3A_18 : memref<256xi32, #tpu.memory_space<hbm>>) dst(%arg6 : memref<256xi32, #tpu.memory_space<vmem>>)
        tpu.yield
      }) : () -> ()
      %barrier3A = arith.constant 0 : index
      tpu.barrier barrier_id(%barrier3A)
      "tpu.region"() ({
        %run_scoped3A = tpu.sem_alloc : memref<!tpu.dma_semaphore, #tpu.memory_space<semaphore_mem>>
        %dma_start3A = arith.constant 0 : i32
        %dma_start3A_17 = tpu.memref_slice %arg8[%dma_start3A] : memref<82944xf32, #tpu.memory_space<vmem_shared>> -> memref<82944xf32, #tpu.memory_space<vmem_shared>>
        tpu.enqueue_indirect_dma source(%arg5 : memref<256xf32, #tpu.memory_space<vmem>>) target(%dma_start3A_17 : memref<82944xf32, #tpu.memory_space<vmem_shared>>) offsets(%arg6 : memref<256xi32, #tpu.memory_space<vmem>>) semaphore(%run_scoped3A : memref<!tpu.dma_semaphore, #tpu.memory_space<semaphore_mem>>) {add = true}
        %dma_wait3A = arith.constant 0 : i32
        %dma_wait3A_18 = tpu.memref_slice %arg8[%dma_wait3A] : memref<82944xf32, #tpu.memory_space<vmem_shared>> -> memref<82944xf32, #tpu.memory_space<vmem_shared>>
        tpu.wait_indirect_dma semaphore(%run_scoped3A : memref<!tpu.dma_semaphore, #tpu.memory_space<semaphore_mem>>) src(%arg5 : memref<256xf32, #tpu.memory_space<vmem>>) dst(%dma_wait3A_18 : memref<82944xf32, #tpu.memory_space<vmem_shared>>)
        tpu.yield
      }) : () -> ()
      %barrier3A_12 = arith.constant 0 : index
      tpu.barrier barrier_id(%barrier3A_12)
      %mul3A_13 = arith.constant 5184 : i32
      %mul3A_14 = arith.muli %arg1, %mul3A_13 : i32
      "tpu.region"() ({
        %run_scoped3A = tpu.sem_alloc : memref<!tpu.dma_semaphore, #tpu.memory_space<semaphore_mem>>
        %dma_start3A = tpu.memref_slice %arg8[%mul3A_14] : memref<82944xf32, #tpu.memory_space<vmem_shared>> -> memref<5184xf32, #tpu.memory_space<vmem_shared>>
        %dma_start3A_17 = tpu.memref_slice %arg8[%mul3A_14] : memref<82944xf32, #tpu.memory_space<vmem_shared>> -> memref<5184xf32, #tpu.memory_space<vmem_shared>>
        tpu.enqueue_dma source(%dma_start3A_17 : memref<5184xf32, #tpu.memory_space<vmem_shared>>) target(%arg7 : memref<5184xf32, #tpu.memory_space<vmem>>) target_semaphore(%run_scoped3A : memref<!tpu.dma_semaphore, #tpu.memory_space<semaphore_mem>>)
        %dma_wait3A = tpu.memref_slice %arg8[%mul3A_14] : memref<82944xf32, #tpu.memory_space<vmem_shared>> -> memref<5184xf32, #tpu.memory_space<vmem_shared>>
        %dma_wait3A_18 = tpu.memref_slice %arg8[%mul3A_14] : memref<82944xf32, #tpu.memory_space<vmem_shared>> -> memref<5184xf32, #tpu.memory_space<vmem_shared>>
        tpu.wait_dma2 semaphore(%run_scoped3A : memref<!tpu.dma_semaphore, #tpu.memory_space<semaphore_mem>>) src(%dma_wait3A_18 : memref<5184xf32, #tpu.memory_space<vmem_shared>>) dst(%arg7 : memref<5184xf32, #tpu.memory_space<vmem>>)
        tpu.yield
      }) : () -> ()
      %mul3A_15 = arith.constant 5184 : i32
      %mul3A_16 = arith.muli %arg1, %mul3A_15 : i32
      "tpu.region"() ({
        %run_scoped3A = tpu.sem_alloc : memref<!tpu.dma_semaphore, #tpu.memory_space<semaphore_mem>>
        %dma_start3A = tpu.memref_slice %arg4[%mul3A_16] : memref<82944xf32, #tpu.memory_space<hbm>> -> memref<5184xf32, #tpu.memory_space<hbm>>
        %dma_start3A_17 = tpu.memref_slice %arg4[%mul3A_16] : memref<82944xf32, #tpu.memory_space<hbm>> -> memref<5184xf32, #tpu.memory_space<hbm>>
        tpu.enqueue_dma source(%arg7 : memref<5184xf32, #tpu.memory_space<vmem>>) target(%dma_start3A_17 : memref<5184xf32, #tpu.memory_space<hbm>>) target_semaphore(%run_scoped3A : memref<!tpu.dma_semaphore, #tpu.memory_space<semaphore_mem>>)
        %dma_wait3A = tpu.memref_slice %arg4[%mul3A_16] : memref<82944xf32, #tpu.memory_space<hbm>> -> memref<5184xf32, #tpu.memory_space<hbm>>
        %dma_wait3A_18 = tpu.memref_slice %arg4[%mul3A_16] : memref<82944xf32, #tpu.memory_space<hbm>> -> memref<5184xf32, #tpu.memory_space<hbm>>
        tpu.wait_dma2 semaphore(%run_scoped3A : memref<!tpu.dma_semaphore, #tpu.memory_space<semaphore_mem>>) src(%arg7 : memref<5184xf32, #tpu.memory_space<vmem>>) dst(%dma_wait3A_18 : memref<5184xf32, #tpu.memory_space<hbm>>)
        tpu.yield
      }) : () -> ()
    } else {
    }
    return
  }
}

module attributes {stable_mosaic.version = 14 : i64} {
  func.func @_conv_kernel(%arg0: i32, %arg1: i32, %arg2: memref<9x96x96xf32, #tpu.memory_space<vmem>>, %arg3: memref<1x96x32x224xf32, #tpu.memory_space<vmem>>, %arg4: memref<1x96x8x224xf32, #tpu.memory_space<vmem>>, %arg5: memref<1x96x16x111xf32, #tpu.memory_space<vmem>>, %arg6: memref<224x224xf32, #tpu.memory_space<vmem>>) attributes {dimension_semantics = [#tpu.dimension_semantics<arbitrary>, #tpu.dimension_semantics<arbitrary>], iteration_bounds = array<i64: 2, 7>, scalar_prefetch = 0 : i64, scratch_operands = 1 : i64, tpu.core_type = #tpu.core_type<tc>, window_params = [{pipeline_mode = #tpu.pipeline_mode<synchronous>, transform_indices = @transform_0, window_bounds = array<i64: 9, 96, 96>}, {transform_indices = @transform_1, window_bounds = array<i64: 1, 96, 32, 224>}, {transform_indices = @transform_2, window_bounds = array<i64: 1, 96, 8, 224>}, {transform_indices = @transform_3, window_bounds = array<i64: 1, 96, 16, 111>}]} {
    %eq3A = arith.constant 0 : i32
    %eq3A_0 = arith.cmpi eq, %arg0, %eq3A : i32
    %eq3A_1 = arith.constant 0 : i32
    %eq3A_2 = arith.cmpi eq, %arg1, %eq3A_1 : i32
    %and3A = arith.andi %eq3A_0, %eq3A_2 : i1
    %convert_element_type3A = arith.extui %and3A : i1 to i32
    %cond3A = arith.constant 0 : i32
    %cond3A_3 = arith.cmpi ne, %convert_element_type3A, %cond3A : i32
    scf.if %cond3A_3 {
      %iota3A = tpu.iota {dimensions = array<i32: 0>} : vector<224x224xi32>
      %iota3A_1801 = tpu.iota {dimensions = array<i32: 1>} : vector<224x224xi32>
      %lt3A = arith.constant 112 : i32
      %lt3A_1802 = vector.broadcast %lt3A : i32 to vector<224x224xi32>
      %lt3A_1803 = arith.cmpi slt, %iota3A_1801, %lt3A_1802 : vector<224x224xi32>
      %mul3A = arith.constant 2 : i32
      %mul3A_1804 = vector.broadcast %mul3A : i32 to vector<224x224xi32>
      %mul3A_1805 = arith.muli %mul3A_1804, %iota3A_1801 : vector<224x224xi32>
      %eq3A_1806 = arith.cmpi eq, %iota3A, %mul3A_1805 : vector<224x224xi32>
      %convert_element_type3A_1807 = arith.extui %eq3A_1806 : vector<224x224xi1> to vector<224x224xi32>
      %convert_element_type3A_1808 = arith.sitofp %convert_element_type3A_1807 : vector<224x224xi32> to vector<224x224xf32>
      %sub3A = arith.constant 112 : i32
      %sub3A_1809 = vector.broadcast %sub3A : i32 to vector<224x224xi32>
      %sub3A_1810 = arith.subi %iota3A_1801, %sub3A_1809 : vector<224x224xi32>
      %mul3A_1811 = arith.constant 2 : i32
      %mul3A_1812 = vector.broadcast %mul3A_1811 : i32 to vector<224x224xi32>
      %mul3A_1813 = arith.muli %mul3A_1812, %sub3A_1810 : vector<224x224xi32>
      %add3A_1814 = arith.constant 1 : i32
      %add3A_1815 = vector.broadcast %add3A_1814 : i32 to vector<224x224xi32>
      %add3A_1816 = arith.addi %mul3A_1813, %add3A_1815 : vector<224x224xi32>
      %eq3A_1817 = arith.cmpi eq, %iota3A, %add3A_1816 : vector<224x224xi32>
      %convert_element_type3A_1818 = arith.extui %eq3A_1817 : vector<224x224xi1> to vector<224x224xi32>
      %convert_element_type3A_1819 = arith.sitofp %convert_element_type3A_1818 : vector<224x224xi32> to vector<224x224xf32>
      %select_n3A = arith.select %lt3A_1803, %convert_element_type3A_1808, %convert_element_type3A_1819 : vector<224x224xi1>, vector<224x224xf32>
      %swap3A_1820 = arith.constant 0 : index
      %swap3A_1821 = arith.constant 0 : index
      %swap3A_1822 = vector.load %arg6[%swap3A_1820, %swap3A_1821] : memref<224x224xf32, #tpu.memory_space<vmem>>, vector<224x224xf32>
      tpu.vector_store %arg6[%swap3A_1820, %swap3A_1821], %select_n3A {strides = array<i32>} : memref<224x224xf32, #tpu.memory_space<vmem>>, vector<224x224xf32>,
    } else {
    }
    %get3A = arith.constant 0 : index
    %get3A_4 = arith.constant 0 : index
    %get3A_5 = vector.load %arg6[%get3A, %get3A_4] : memref<224x224xf32, #tpu.memory_space<vmem>>, vector<224x224xf32>
    %get3A_6 = arith.constant 0 : index
    %get3A_7 = arith.constant 0 : index
    %get3A_8 = arith.constant 0 : index
    %get3A_9 = arith.constant 0 : index
    %get3A_10 = vector.load %arg3[%get3A_6, %get3A_7, %get3A_8, %get3A_9] : memref<1x96x32x224xf32, #tpu.memory_space<vmem>>, vector<1x96x1x224xf32>
    %get3A_11 = vector.shape_cast %get3A_10 : vector<1x96x1x224xf32> to vector<96x224xf32>
    %dot_general3A = arith.constant dense<0.000000e+00> : vector<96x224xf32>
    %dot_general3A_12 = tpu.matmul %get3A_11, %get3A_5, %dot_general3A {dimension_numbers = #tpu.dot_dimension_numbers<[1], [0], [0], [1], [0, 0, 1, 1], [], []>, transpose_lhs_hint = false} : vector<96x224xf32>, vector<224x224xf32>, vector<96x224xf32> -> vector<96x224xf32>
    %get3A_13 = arith.constant 0 : index
    %get3A_14 = arith.constant 0 : index
    %get3A_15 = arith.constant 1 : index
    %get3A_16 = arith.constant 0 : index
    %get3A_17 = vector.load %arg3[%get3A_13, %get3A_14, %get3A_15, %get3A_16] : memref<1x96x32x224xf32, #tpu.memory_space<vmem>>, vector<1x96x1x224xf32>
    %get3A_18 = vector.shape_cast %get3A_17 : vector<1x96x1x224xf32> to vector<96x224xf32>
    %dot_general3A_19 = arith.constant dense<0.000000e+00> : vector<96x224xf32>
    %dot_general3A_20 = tpu.matmul %get3A_18, %get3A_5, %dot_general3A_19 {dimension_numbers = #tpu.dot_dimension_numbers<[1], [0], [0], [1], [0, 0, 1, 1], [], []>, transpose_lhs_hint = false} : vector<96x224xf32>, vector<224x224xf32>, vector<96x224xf32> -> vector<96x224xf32>
    %get3A_21 = arith.constant 0 : index
    %get3A_22 = arith.constant 0 : index
    %get3A_23 = arith.constant 2 : index
    %get3A_24 = arith.constant 0 : index
    %get3A_25 = vector.load %arg3[%get3A_21, %get3A_22, %get3A_23, %get3A_24] : memref<1x96x32x224xf32, #tpu.memory_space<vmem>>, vector<1x96x1x224xf32>
    %get3A_26 = vector.shape_cast %get3A_25 : vector<1x96x1x224xf32> to vector<96x224xf32>
    %dot_general3A_27 = arith.constant dense<0.000000e+00> : vector<96x224xf32>
    %dot_general3A_28 = tpu.matmul %get3A_26, %get3A_5, %dot_general3A_27 {dimension_numbers = #tpu.dot_dimension_numbers<[1], [0], [0], [1], [0, 0, 1, 1], [], []>, transpose_lhs_hint = false} : vector<96x224xf32>, vector<224x224xf32>, vector<96x224xf32> -> vector<96x224xf32>
    %get3A_29 = arith.constant 0 : index
    %get3A_30 = arith.constant 0 : index
    %get3A_31 = arith.constant 3 : index
    %get3A_32 = arith.constant 0 : index
    %get3A_33 = vector.load %arg3[%get3A_29, %get3A_30, %get3A_31, %get3A_32] : memref<1x96x32x224xf32, #tpu.memory_space<vmem>>, vector<1x96x1x224xf32>
    %get3A_34 = vector.shape_cast %get3A_33 : vector<1x96x1x224xf32> to vector<96x224xf32>
    %dot_general3A_35 = arith.constant dense<0.000000e+00> : vector<96x224xf32>
    %dot_general3A_36 = tpu.matmul %get3A_34, %get3A_5, %dot_general3A_35 {dimension_numbers = #tpu.dot_dimension_numbers<[1], [0], [0], [1], [0, 0, 1, 1], [], []>, transpose_lhs_hint = false} : vector<96x224xf32>, vector<224x224xf32>, vector<96x224xf32> -> vector<96x224xf32>
    %get3A_37 = arith.constant 0 : index
    %get3A_38 = arith.constant 0 : index
    %get3A_39 = arith.constant 4 : index
    %get3A_40 = arith.constant 0 : index
    %get3A_41 = vector.load %arg3[%get3A_37, %get3A_38, %get3A_39, %get3A_40] : memref<1x96x32x224xf32, #tpu.memory_space<vmem>>, vector<1x96x1x224xf32>
    %get3A_42 = vector.shape_cast %get3A_41 : vector<1x96x1x224xf32> to vector<96x224xf32>
    %dot_general3A_43 = arith.constant dense<0.000000e+00> : vector<96x224xf32>
    %dot_general3A_44 = tpu.matmul %get3A_42, %get3A_5, %dot_general3A_43 {dimension_numbers = #tpu.dot_dimension_numbers<[1], [0], [0], [1], [0, 0, 1, 1], [], []>, transpose_lhs_hint = false} : vector<96x224xf32>, vector<224x224xf32>, vector<96x224xf32> -> vector<96x224xf32>
    %get3A_45 = arith.constant 0 : index
    %get3A_46 = arith.constant 0 : index
    %get3A_47 = arith.constant 5 : index
    %get3A_48 = arith.constant 0 : index
    %get3A_49 = vector.load %arg3[%get3A_45, %get3A_46, %get3A_47, %get3A_48] : memref<1x96x32x224xf32, #tpu.memory_space<vmem>>, vector<1x96x1x224xf32>
    %get3A_50 = vector.shape_cast %get3A_49 : vector<1x96x1x224xf32> to vector<96x224xf32>
    %dot_general3A_51 = arith.constant dense<0.000000e+00> : vector<96x224xf32>
    %dot_general3A_52 = tpu.matmul %get3A_50, %get3A_5, %dot_general3A_51 {dimension_numbers = #tpu.dot_dimension_numbers<[1], [0], [0], [1], [0, 0, 1, 1], [], []>, transpose_lhs_hint = false} : vector<96x224xf32>, vector<224x224xf32>, vector<96x224xf32> -> vector<96x224xf32>
    %get3A_53 = arith.constant 0 : index
    %get3A_54 = arith.constant 0 : index
    %get3A_55 = arith.constant 6 : index
    %get3A_56 = arith.constant 0 : index
    %get3A_57 = vector.load %arg3[%get3A_53, %get3A_54, %get3A_55, %get3A_56] : memref<1x96x32x224xf32, #tpu.memory_space<vmem>>, vector<1x96x1x224xf32>
    %get3A_58 = vector.shape_cast %get3A_57 : vector<1x96x1x224xf32> to vector<96x224xf32>
    %dot_general3A_59 = arith.constant dense<0.000000e+00> : vector<96x224xf32>
    %dot_general3A_60 = tpu.matmul %get3A_58, %get3A_5, %dot_general3A_59 {dimension_numbers = #tpu.dot_dimension_numbers<[1], [0], [0], [1], [0, 0, 1, 1], [], []>, transpose_lhs_hint = false} : vector<96x224xf32>, vector<224x224xf32>, vector<96x224xf32> -> vector<96x224xf32>
    %get3A_61 = arith.constant 0 : index
    %get3A_62 = arith.constant 0 : index
    %get3A_63 = arith.constant 7 : index
    %get3A_64 = arith.constant 0 : index
    %get3A_65 = vector.load %arg3[%get3A_61, %get3A_62, %get3A_63, %get3A_64] : memref<1x96x32x224xf32, #tpu.memory_space<vmem>>, vector<1x96x1x224xf32>
    %get3A_66 = vector.shape_cast %get3A_65 : vector<1x96x1x224xf32> to vector<96x224xf32>
    %dot_general3A_67 = arith.constant dense<0.000000e+00> : vector<96x224xf32>
    %dot_general3A_68 = tpu.matmul %get3A_66, %get3A_5, %dot_general3A_67 {dimension_numbers = #tpu.dot_dimension_numbers<[1], [0], [0], [1], [0, 0, 1, 1], [], []>, transpose_lhs_hint = false} : vector<96x224xf32>, vector<224x224xf32>, vector<96x224xf32> -> vector<96x224xf32>
    %get3A_69 = arith.constant 0 : index
    %get3A_70 = arith.constant 0 : index
    %get3A_71 = arith.constant 8 : index
    %get3A_72 = arith.constant 0 : index
    %get3A_73 = vector.load %arg3[%get3A_69, %get3A_70, %get3A_71, %get3A_72] : memref<1x96x32x224xf32, #tpu.memory_space<vmem>>, vector<1x96x1x224xf32>
    %get3A_74 = vector.shape_cast %get3A_73 : vector<1x96x1x224xf32> to vector<96x224xf32>
    %dot_general3A_75 = arith.constant dense<0.000000e+00> : vector<96x224xf32>
    %dot_general3A_76 = tpu.matmul %get3A_74, %get3A_5, %dot_general3A_75 {dimension_numbers = #tpu.dot_dimension_numbers<[1], [0], [0], [1], [0, 0, 1, 1], [], []>, transpose_lhs_hint = false} : vector<96x224xf32>, vector<224x224xf32>, vector<96x224xf32> -> vector<96x224xf32>
    %get3A_77 = arith.constant 0 : index
    %get3A_78 = arith.constant 0 : index
    %get3A_79 = arith.constant 9 : index
    %get3A_80 = arith.constant 0 : index
    %get3A_81 = vector.load %arg3[%get3A_77, %get3A_78, %get3A_79, %get3A_80] : memref<1x96x32x224xf32, #tpu.memory_space<vmem>>, vector<1x96x1x224xf32>
    %get3A_82 = vector.shape_cast %get3A_81 : vector<1x96x1x224xf32> to vector<96x224xf32>
    %dot_general3A_83 = arith.constant dense<0.000000e+00> : vector<96x224xf32>
    %dot_general3A_84 = tpu.matmul %get3A_82, %get3A_5, %dot_general3A_83 {dimension_numbers = #tpu.dot_dimension_numbers<[1], [0], [0], [1], [0, 0, 1, 1], [], []>, transpose_lhs_hint = false} : vector<96x224xf32>, vector<224x224xf32>, vector<96x224xf32> -> vector<96x224xf32>
    %get3A_85 = arith.constant 0 : index
    %get3A_86 = arith.constant 0 : index
    %get3A_87 = arith.constant 10 : index
    %get3A_88 = arith.constant 0 : index
    %get3A_89 = vector.load %arg3[%get3A_85, %get3A_86, %get3A_87, %get3A_88] : memref<1x96x32x224xf32, #tpu.memory_space<vmem>>, vector<1x96x1x224xf32>
    %get3A_90 = vector.shape_cast %get3A_89 : vector<1x96x1x224xf32> to vector<96x224xf32>
    %dot_general3A_91 = arith.constant dense<0.000000e+00> : vector<96x224xf32>
    %dot_general3A_92 = tpu.matmul %get3A_90, %get3A_5, %dot_general3A_91 {dimension_numbers = #tpu.dot_dimension_numbers<[1], [0], [0], [1], [0, 0, 1, 1], [], []>, transpose_lhs_hint = false} : vector<96x224xf32>, vector<224x224xf32>, vector<96x224xf32> -> vector<96x224xf32>
    %get3A_93 = arith.constant 0 : index
    %get3A_94 = arith.constant 0 : index
    %get3A_95 = arith.constant 11 : index
    %get3A_96 = arith.constant 0 : index
    %get3A_97 = vector.load %arg3[%get3A_93, %get3A_94, %get3A_95, %get3A_96] : memref<1x96x32x224xf32, #tpu.memory_space<vmem>>, vector<1x96x1x224xf32>
    %get3A_98 = vector.shape_cast %get3A_97 : vector<1x96x1x224xf32> to vector<96x224xf32>
    %dot_general3A_99 = arith.constant dense<0.000000e+00> : vector<96x224xf32>
    %dot_general3A_100 = tpu.matmul %get3A_98, %get3A_5, %dot_general3A_99 {dimension_numbers = #tpu.dot_dimension_numbers<[1], [0], [0], [1], [0, 0, 1, 1], [], []>, transpose_lhs_hint = false} : vector<96x224xf32>, vector<224x224xf32>, vector<96x224xf32> -> vector<96x224xf32>
    %get3A_101 = arith.constant 0 : index
    %get3A_102 = arith.constant 0 : index
    %get3A_103 = arith.constant 12 : index
    %get3A_104 = arith.constant 0 : index
    %get3A_105 = vector.load %arg3[%get3A_101, %get3A_102, %get3A_103, %get3A_104] : memref<1x96x32x224xf32, #tpu.memory_space<vmem>>, vector<1x96x1x224xf32>
    %get3A_106 = vector.shape_cast %get3A_105 : vector<1x96x1x224xf32> to vector<96x224xf32>
    %dot_general3A_107 = arith.constant dense<0.000000e+00> : vector<96x224xf32>
    %dot_general3A_108 = tpu.matmul %get3A_106, %get3A_5, %dot_general3A_107 {dimension_numbers = #tpu.dot_dimension_numbers<[1], [0], [0], [1], [0, 0, 1, 1], [], []>, transpose_lhs_hint = false} : vector<96x224xf32>, vector<224x224xf32>, vector<96x224xf32> -> vector<96x224xf32>
    %get3A_109 = arith.constant 0 : index
    %get3A_110 = arith.constant 0 : index
    %get3A_111 = arith.constant 13 : index
    %get3A_112 = arith.constant 0 : index
    %get3A_113 = vector.load %arg3[%get3A_109, %get3A_110, %get3A_111, %get3A_112] : memref<1x96x32x224xf32, #tpu.memory_space<vmem>>, vector<1x96x1x224xf32>
    %get3A_114 = vector.shape_cast %get3A_113 : vector<1x96x1x224xf32> to vector<96x224xf32>
    %dot_general3A_115 = arith.constant dense<0.000000e+00> : vector<96x224xf32>
    %dot_general3A_116 = tpu.matmul %get3A_114, %get3A_5, %dot_general3A_115 {dimension_numbers = #tpu.dot_dimension_numbers<[1], [0], [0], [1], [0, 0, 1, 1], [], []>, transpose_lhs_hint = false} : vector<96x224xf32>, vector<224x224xf32>, vector<96x224xf32> -> vector<96x224xf32>
    %get3A_117 = arith.constant 0 : index
    %get3A_118 = arith.constant 0 : index
    %get3A_119 = arith.constant 14 : index
    %get3A_120 = arith.constant 0 : index
    %get3A_121 = vector.load %arg3[%get3A_117, %get3A_118, %get3A_119, %get3A_120] : memref<1x96x32x224xf32, #tpu.memory_space<vmem>>, vector<1x96x1x224xf32>
    %get3A_122 = vector.shape_cast %get3A_121 : vector<1x96x1x224xf32> to vector<96x224xf32>
    %dot_general3A_123 = arith.constant dense<0.000000e+00> : vector<96x224xf32>
    %dot_general3A_124 = tpu.matmul %get3A_122, %get3A_5, %dot_general3A_123 {dimension_numbers = #tpu.dot_dimension_numbers<[1], [0], [0], [1], [0, 0, 1, 1], [], []>, transpose_lhs_hint = false} : vector<96x224xf32>, vector<224x224xf32>, vector<96x224xf32> -> vector<96x224xf32>
    %get3A_125 = arith.constant 0 : index
    %get3A_126 = arith.constant 0 : index
    %get3A_127 = arith.constant 15 : index
    %get3A_128 = arith.constant 0 : index
    %get3A_129 = vector.load %arg3[%get3A_125, %get3A_126, %get3A_127, %get3A_128] : memref<1x96x32x224xf32, #tpu.memory_space<vmem>>, vector<1x96x1x224xf32>
    %get3A_130 = vector.shape_cast %get3A_129 : vector<1x96x1x224xf32> to vector<96x224xf32>
    %dot_general3A_131 = arith.constant dense<0.000000e+00> : vector<96x224xf32>
    %dot_general3A_132 = tpu.matmul %get3A_130, %get3A_5, %dot_general3A_131 {dimension_numbers = #tpu.dot_dimension_numbers<[1], [0], [0], [1], [0, 0, 1, 1], [], []>, transpose_lhs_hint = false} : vector<96x224xf32>, vector<224x224xf32>, vector<96x224xf32> -> vector<96x224xf32>
    %get3A_133 = arith.constant 0 : index
    %get3A_134 = arith.constant 0 : index
    %get3A_135 = arith.constant 16 : index
    %get3A_136 = arith.constant 0 : index
    %get3A_137 = vector.load %arg3[%get3A_133, %get3A_134, %get3A_135, %get3A_136] : memref<1x96x32x224xf32, #tpu.memory_space<vmem>>, vector<1x96x1x224xf32>
    %get3A_138 = vector.shape_cast %get3A_137 : vector<1x96x1x224xf32> to vector<96x224xf32>
    %dot_general3A_139 = arith.constant dense<0.000000e+00> : vector<96x224xf32>
    %dot_general3A_140 = tpu.matmul %get3A_138, %get3A_5, %dot_general3A_139 {dimension_numbers = #tpu.dot_dimension_numbers<[1], [0], [0], [1], [0, 0, 1, 1], [], []>, transpose_lhs_hint = false} : vector<96x224xf32>, vector<224x224xf32>, vector<96x224xf32> -> vector<96x224xf32>
    %get3A_141 = arith.constant 0 : index
    %get3A_142 = arith.constant 0 : index
    %get3A_143 = arith.constant 17 : index
    %get3A_144 = arith.constant 0 : index
    %get3A_145 = vector.load %arg3[%get3A_141, %get3A_142, %get3A_143, %get3A_144] : memref<1x96x32x224xf32, #tpu.memory_space<vmem>>, vector<1x96x1x224xf32>
    %get3A_146 = vector.shape_cast %get3A_145 : vector<1x96x1x224xf32> to vector<96x224xf32>
    %dot_general3A_147 = arith.constant dense<0.000000e+00> : vector<96x224xf32>
    %dot_general3A_148 = tpu.matmul %get3A_146, %get3A_5, %dot_general3A_147 {dimension_numbers = #tpu.dot_dimension_numbers<[1], [0], [0], [1], [0, 0, 1, 1], [], []>, transpose_lhs_hint = false} : vector<96x224xf32>, vector<224x224xf32>, vector<96x224xf32> -> vector<96x224xf32>
    %get3A_149 = arith.constant 0 : index
    %get3A_150 = arith.constant 0 : index
    %get3A_151 = arith.constant 18 : index
    %get3A_152 = arith.constant 0 : index
    %get3A_153 = vector.load %arg3[%get3A_149, %get3A_150, %get3A_151, %get3A_152] : memref<1x96x32x224xf32, #tpu.memory_space<vmem>>, vector<1x96x1x224xf32>
    %get3A_154 = vector.shape_cast %get3A_153 : vector<1x96x1x224xf32> to vector<96x224xf32>
    %dot_general3A_155 = arith.constant dense<0.000000e+00> : vector<96x224xf32>
    %dot_general3A_156 = tpu.matmul %get3A_154, %get3A_5, %dot_general3A_155 {dimension_numbers = #tpu.dot_dimension_numbers<[1], [0], [0], [1], [0, 0, 1, 1], [], []>, transpose_lhs_hint = false} : vector<96x224xf32>, vector<224x224xf32>, vector<96x224xf32> -> vector<96x224xf32>
    %get3A_157 = arith.constant 0 : index
    %get3A_158 = arith.constant 0 : index
    %get3A_159 = arith.constant 19 : index
    %get3A_160 = arith.constant 0 : index
    %get3A_161 = vector.load %arg3[%get3A_157, %get3A_158, %get3A_159, %get3A_160] : memref<1x96x32x224xf32, #tpu.memory_space<vmem>>, vector<1x96x1x224xf32>
    %get3A_162 = vector.shape_cast %get3A_161 : vector<1x96x1x224xf32> to vector<96x224xf32>
    %dot_general3A_163 = arith.constant dense<0.000000e+00> : vector<96x224xf32>
    %dot_general3A_164 = tpu.matmul %get3A_162, %get3A_5, %dot_general3A_163 {dimension_numbers = #tpu.dot_dimension_numbers<[1], [0], [0], [1], [0, 0, 1, 1], [], []>, transpose_lhs_hint = false} : vector<96x224xf32>, vector<224x224xf32>, vector<96x224xf32> -> vector<96x224xf32>
    %get3A_165 = arith.constant 0 : index
    %get3A_166 = arith.constant 0 : index
    %get3A_167 = arith.constant 20 : index
    %get3A_168 = arith.constant 0 : index
    %get3A_169 = vector.load %arg3[%get3A_165, %get3A_166, %get3A_167, %get3A_168] : memref<1x96x32x224xf32, #tpu.memory_space<vmem>>, vector<1x96x1x224xf32>
    %get3A_170 = vector.shape_cast %get3A_169 : vector<1x96x1x224xf32> to vector<96x224xf32>
    %dot_general3A_171 = arith.constant dense<0.000000e+00> : vector<96x224xf32>
    %dot_general3A_172 = tpu.matmul %get3A_170, %get3A_5, %dot_general3A_171 {dimension_numbers = #tpu.dot_dimension_numbers<[1], [0], [0], [1], [0, 0, 1, 1], [], []>, transpose_lhs_hint = false} : vector<96x224xf32>, vector<224x224xf32>, vector<96x224xf32> -> vector<96x224xf32>
    %get3A_173 = arith.constant 0 : index
    %get3A_174 = arith.constant 0 : index
    %get3A_175 = arith.constant 21 : index
    %get3A_176 = arith.constant 0 : index
    %get3A_177 = vector.load %arg3[%get3A_173, %get3A_174, %get3A_175, %get3A_176] : memref<1x96x32x224xf32, #tpu.memory_space<vmem>>, vector<1x96x1x224xf32>
    %get3A_178 = vector.shape_cast %get3A_177 : vector<1x96x1x224xf32> to vector<96x224xf32>
    %dot_general3A_179 = arith.constant dense<0.000000e+00> : vector<96x224xf32>
    %dot_general3A_180 = tpu.matmul %get3A_178, %get3A_5, %dot_general3A_179 {dimension_numbers = #tpu.dot_dimension_numbers<[1], [0], [0], [1], [0, 0, 1, 1], [], []>, transpose_lhs_hint = false} : vector<96x224xf32>, vector<224x224xf32>, vector<96x224xf32> -> vector<96x224xf32>
    %get3A_181 = arith.constant 0 : index
    %get3A_182 = arith.constant 0 : index
    %get3A_183 = arith.constant 22 : index
    %get3A_184 = arith.constant 0 : index
    %get3A_185 = vector.load %arg3[%get3A_181, %get3A_182, %get3A_183, %get3A_184] : memref<1x96x32x224xf32, #tpu.memory_space<vmem>>, vector<1x96x1x224xf32>
    %get3A_186 = vector.shape_cast %get3A_185 : vector<1x96x1x224xf32> to vector<96x224xf32>
    %dot_general3A_187 = arith.constant dense<0.000000e+00> : vector<96x224xf32>
    %dot_general3A_188 = tpu.matmul %get3A_186, %get3A_5, %dot_general3A_187 {dimension_numbers = #tpu.dot_dimension_numbers<[1], [0], [0], [1], [0, 0, 1, 1], [], []>, transpose_lhs_hint = false} : vector<96x224xf32>, vector<224x224xf32>, vector<96x224xf32> -> vector<96x224xf32>
    %get3A_189 = arith.constant 0 : index
    %get3A_190 = arith.constant 0 : index
    %get3A_191 = arith.constant 23 : index
    %get3A_192 = arith.constant 0 : index
    %get3A_193 = vector.load %arg3[%get3A_189, %get3A_190, %get3A_191, %get3A_192] : memref<1x96x32x224xf32, #tpu.memory_space<vmem>>, vector<1x96x1x224xf32>
    %get3A_194 = vector.shape_cast %get3A_193 : vector<1x96x1x224xf32> to vector<96x224xf32>
    %dot_general3A_195 = arith.constant dense<0.000000e+00> : vector<96x224xf32>
    %dot_general3A_196 = tpu.matmul %get3A_194, %get3A_5, %dot_general3A_195 {dimension_numbers = #tpu.dot_dimension_numbers<[1], [0], [0], [1], [0, 0, 1, 1], [], []>, transpose_lhs_hint = false} : vector<96x224xf32>, vector<224x224xf32>, vector<96x224xf32> -> vector<96x224xf32>
    %get3A_197 = arith.constant 0 : index
    %get3A_198 = arith.constant 0 : index
    %get3A_199 = arith.constant 24 : index
    %get3A_200 = arith.constant 0 : index
    %get3A_201 = vector.load %arg3[%get3A_197, %get3A_198, %get3A_199, %get3A_200] : memref<1x96x32x224xf32, #tpu.memory_space<vmem>>, vector<1x96x1x224xf32>
    %get3A_202 = vector.shape_cast %get3A_201 : vector<1x96x1x224xf32> to vector<96x224xf32>
    %dot_general3A_203 = arith.constant dense<0.000000e+00> : vector<96x224xf32>
    %dot_general3A_204 = tpu.matmul %get3A_202, %get3A_5, %dot_general3A_203 {dimension_numbers = #tpu.dot_dimension_numbers<[1], [0], [0], [1], [0, 0, 1, 1], [], []>, transpose_lhs_hint = false} : vector<96x224xf32>, vector<224x224xf32>, vector<96x224xf32> -> vector<96x224xf32>
    %get3A_205 = arith.constant 0 : index
    %get3A_206 = arith.constant 0 : index
    %get3A_207 = arith.constant 25 : index
    %get3A_208 = arith.constant 0 : index
    %get3A_209 = vector.load %arg3[%get3A_205, %get3A_206, %get3A_207, %get3A_208] : memref<1x96x32x224xf32, #tpu.memory_space<vmem>>, vector<1x96x1x224xf32>
    %get3A_210 = vector.shape_cast %get3A_209 : vector<1x96x1x224xf32> to vector<96x224xf32>
    %dot_general3A_211 = arith.constant dense<0.000000e+00> : vector<96x224xf32>
    %dot_general3A_212 = tpu.matmul %get3A_210, %get3A_5, %dot_general3A_211 {dimension_numbers = #tpu.dot_dimension_numbers<[1], [0], [0], [1], [0, 0, 1, 1], [], []>, transpose_lhs_hint = false} : vector<96x224xf32>, vector<224x224xf32>, vector<96x224xf32> -> vector<96x224xf32>
    %get3A_213 = arith.constant 0 : index
    %get3A_214 = arith.constant 0 : index
    %get3A_215 = arith.constant 26 : index
    %get3A_216 = arith.constant 0 : index
    %get3A_217 = vector.load %arg3[%get3A_213, %get3A_214, %get3A_215, %get3A_216] : memref<1x96x32x224xf32, #tpu.memory_space<vmem>>, vector<1x96x1x224xf32>
    %get3A_218 = vector.shape_cast %get3A_217 : vector<1x96x1x224xf32> to vector<96x224xf32>
    %dot_general3A_219 = arith.constant dense<0.000000e+00> : vector<96x224xf32>
    %dot_general3A_220 = tpu.matmul %get3A_218, %get3A_5, %dot_general3A_219 {dimension_numbers = #tpu.dot_dimension_numbers<[1], [0], [0], [1], [0, 0, 1, 1], [], []>, transpose_lhs_hint = false} : vector<96x224xf32>, vector<224x224xf32>, vector<96x224xf32> -> vector<96x224xf32>
    %get3A_221 = arith.constant 0 : index
    %get3A_222 = arith.constant 0 : index
    %get3A_223 = arith.constant 27 : index
    %get3A_224 = arith.constant 0 : index
    %get3A_225 = vector.load %arg3[%get3A_221, %get3A_222, %get3A_223, %get3A_224] : memref<1x96x32x224xf32, #tpu.memory_space<vmem>>, vector<1x96x1x224xf32>
    %get3A_226 = vector.shape_cast %get3A_225 : vector<1x96x1x224xf32> to vector<96x224xf32>
    %dot_general3A_227 = arith.constant dense<0.000000e+00> : vector<96x224xf32>
    %dot_general3A_228 = tpu.matmul %get3A_226, %get3A_5, %dot_general3A_227 {dimension_numbers = #tpu.dot_dimension_numbers<[1], [0], [0], [1], [0, 0, 1, 1], [], []>, transpose_lhs_hint = false} : vector<96x224xf32>, vector<224x224xf32>, vector<96x224xf32> -> vector<96x224xf32>
    %get3A_229 = arith.constant 0 : index
    %get3A_230 = arith.constant 0 : index
    %get3A_231 = arith.constant 28 : index
    %get3A_232 = arith.constant 0 : index
    %get3A_233 = vector.load %arg3[%get3A_229, %get3A_230, %get3A_231, %get3A_232] : memref<1x96x32x224xf32, #tpu.memory_space<vmem>>, vector<1x96x1x224xf32>
    %get3A_234 = vector.shape_cast %get3A_233 : vector<1x96x1x224xf32> to vector<96x224xf32>
    %dot_general3A_235 = arith.constant dense<0.000000e+00> : vector<96x224xf32>
    %dot_general3A_236 = tpu.matmul %get3A_234, %get3A_5, %dot_general3A_235 {dimension_numbers = #tpu.dot_dimension_numbers<[1], [0], [0], [1], [0, 0, 1, 1], [], []>, transpose_lhs_hint = false} : vector<96x224xf32>, vector<224x224xf32>, vector<96x224xf32> -> vector<96x224xf32>
    %get3A_237 = arith.constant 0 : index
    %get3A_238 = arith.constant 0 : index
    %get3A_239 = arith.constant 29 : index
    %get3A_240 = arith.constant 0 : index
    %get3A_241 = vector.load %arg3[%get3A_237, %get3A_238, %get3A_239, %get3A_240] : memref<1x96x32x224xf32, #tpu.memory_space<vmem>>, vector<1x96x1x224xf32>
    %get3A_242 = vector.shape_cast %get3A_241 : vector<1x96x1x224xf32> to vector<96x224xf32>
    %dot_general3A_243 = arith.constant dense<0.000000e+00> : vector<96x224xf32>
    %dot_general3A_244 = tpu.matmul %get3A_242, %get3A_5, %dot_general3A_243 {dimension_numbers = #tpu.dot_dimension_numbers<[1], [0], [0], [1], [0, 0, 1, 1], [], []>, transpose_lhs_hint = false} : vector<96x224xf32>, vector<224x224xf32>, vector<96x224xf32> -> vector<96x224xf32>
    %get3A_245 = arith.constant 0 : index
    %get3A_246 = arith.constant 0 : index
    %get3A_247 = arith.constant 30 : index
    %get3A_248 = arith.constant 0 : index
    %get3A_249 = vector.load %arg3[%get3A_245, %get3A_246, %get3A_247, %get3A_248] : memref<1x96x32x224xf32, #tpu.memory_space<vmem>>, vector<1x96x1x224xf32>
    %get3A_250 = vector.shape_cast %get3A_249 : vector<1x96x1x224xf32> to vector<96x224xf32>
    %dot_general3A_251 = arith.constant dense<0.000000e+00> : vector<96x224xf32>
    %dot_general3A_252 = tpu.matmul %get3A_250, %get3A_5, %dot_general3A_251 {dimension_numbers = #tpu.dot_dimension_numbers<[1], [0], [0], [1], [0, 0, 1, 1], [], []>, transpose_lhs_hint = false} : vector<96x224xf32>, vector<224x224xf32>, vector<96x224xf32> -> vector<96x224xf32>
    %get3A_253 = arith.constant 0 : index
    %get3A_254 = arith.constant 0 : index
    %get3A_255 = arith.constant 31 : index
    %get3A_256 = arith.constant 0 : index
    %get3A_257 = vector.load %arg3[%get3A_253, %get3A_254, %get3A_255, %get3A_256] : memref<1x96x32x224xf32, #tpu.memory_space<vmem>>, vector<1x96x1x224xf32>
    %get3A_258 = vector.shape_cast %get3A_257 : vector<1x96x1x224xf32> to vector<96x224xf32>
    %dot_general3A_259 = arith.constant dense<0.000000e+00> : vector<96x224xf32>
    %dot_general3A_260 = tpu.matmul %get3A_258, %get3A_5, %dot_general3A_259 {dimension_numbers = #tpu.dot_dimension_numbers<[1], [0], [0], [1], [0, 0, 1, 1], [], []>, transpose_lhs_hint = false} : vector<96x224xf32>, vector<224x224xf32>, vector<96x224xf32> -> vector<96x224xf32>
    %get3A_261 = arith.constant 0 : index
    %get3A_262 = arith.constant 0 : index
    %get3A_263 = arith.constant 0 : index
    %get3A_264 = arith.constant 0 : index
    %get3A_265 = vector.load %arg4[%get3A_261, %get3A_262, %get3A_263, %get3A_264] : memref<1x96x8x224xf32, #tpu.memory_space<vmem>>, vector<1x96x1x224xf32>
    %get3A_266 = vector.shape_cast %get3A_265 : vector<1x96x1x224xf32> to vector<96x224xf32>
    %dot_general3A_267 = arith.constant dense<0.000000e+00> : vector<96x224xf32>
    %dot_general3A_268 = tpu.matmul %get3A_266, %get3A_5, %dot_general3A_267 {dimension_numbers = #tpu.dot_dimension_numbers<[1], [0], [0], [1], [0, 0, 1, 1], [], []>, transpose_lhs_hint = false} : vector<96x224xf32>, vector<224x224xf32>, vector<96x224xf32> -> vector<96x224xf32>
    %broadcast_in_dim3A = arith.constant 0.000000e+00 : f32
    %broadcast_in_dim3A_269 = vector.broadcast %broadcast_in_dim3A : f32 to vector<96x111xf32>
    %slice3A = vector.extract_strided_slice %dot_general3A_12 {offsets = [0, 0], sizes = [96, 112], strides = [1, 1]} : vector<96x224xf32> to vector<96x112xf32>
    %slice3A_270 = vector.extract_strided_slice %dot_general3A_12 {offsets = [0, 112], sizes = [96, 112], strides = [1, 1]} : vector<96x224xf32> to vector<96x112xf32>
    %get3A_271 = arith.constant 0 : index
    %get3A_272 = arith.constant 0 : index
    %get3A_273 = arith.constant 0 : index
    %get3A_274 = vector.load %arg2[%get3A_271, %get3A_272, %get3A_273] : memref<9x96x96xf32, #tpu.memory_space<vmem>>, vector<1x96x96xf32>
    %get3A_275 = vector.shape_cast %get3A_274 : vector<1x96x96xf32> to vector<96x96xf32>
    %slice3A_276 = vector.extract_strided_slice %slice3A {offsets = [0, 0], sizes = [96, 111], strides = [1, 1]} : vector<96x112xf32> to vector<96x111xf32>
    %dot_general3A_277 = arith.constant dense<0.000000e+00> : vector<96x111xf32>
    %dot_general3A_278 = tpu.matmul %get3A_275, %slice3A_276, %dot_general3A_277 {dimension_numbers = #tpu.dot_dimension_numbers<[1], [0], [0], [1], [0, 0, 1, 1], [], []>, transpose_lhs_hint = false} : vector<96x96xf32>, vector<96x111xf32>, vector<96x111xf32> -> vector<96x111xf32>
    %add3A = arith.addf %broadcast_in_dim3A_269, %dot_general3A_278 : vector<96x111xf32>
    %get3A_279 = arith.constant 3 : index
    %get3A_280 = arith.constant 0 : index
    %get3A_281 = arith.constant 0 : index
    %get3A_282 = vector.load %arg2[%get3A_279, %get3A_280, %get3A_281] : memref<9x96x96xf32, #tpu.memory_space<vmem>>, vector<1x96x96xf32>
    %get3A_283 = vector.shape_cast %get3A_282 : vector<1x96x96xf32> to vector<96x96xf32>
    %slice3A_284 = vector.extract_strided_slice %slice3A_270 {offsets = [0, 0], sizes = [96, 111], strides = [1, 1]} : vector<96x112xf32> to vector<96x111xf32>
    %dot_general3A_285 = arith.constant dense<0.000000e+00> : vector<96x111xf32>
    %dot_general3A_286 = tpu.matmul %get3A_283, %slice3A_284, %dot_general3A_285 {dimension_numbers = #tpu.dot_dimension_numbers<[1], [0], [0], [1], [0, 0, 1, 1], [], []>, transpose_lhs_hint = false} : vector<96x96xf32>, vector<96x111xf32>, vector<96x111xf32> -> vector<96x111xf32>
    %add3A_287 = arith.addf %add3A, %dot_general3A_286 : vector<96x111xf32>
    %get3A_288 = arith.constant 6 : index
    %get3A_289 = arith.constant 0 : index
    %get3A_290 = arith.constant 0 : index
    %get3A_291 = vector.load %arg2[%get3A_288, %get3A_289, %get3A_290] : memref<9x96x96xf32, #tpu.memory_space<vmem>>, vector<1x96x96xf32>
    %get3A_292 = vector.shape_cast %get3A_291 : vector<1x96x96xf32> to vector<96x96xf32>
    %slice3A_293 = vector.extract_strided_slice %slice3A {offsets = [0, 1], sizes = [96, 111], strides = [1, 1]} : vector<96x112xf32> to vector<96x111xf32>
    %dot_general3A_294 = arith.constant dense<0.000000e+00> : vector<96x111xf32>
    %dot_general3A_295 = tpu.matmul %get3A_292, %slice3A_293, %dot_general3A_294 {dimension_numbers = #tpu.dot_dimension_numbers<[1], [0], [0], [1], [0, 0, 1, 1], [], []>, transpose_lhs_hint = false} : vector<96x96xf32>, vector<96x111xf32>, vector<96x111xf32> -> vector<96x111xf32>
    %add3A_296 = arith.addf %add3A_287, %dot_general3A_295 : vector<96x111xf32>
    %slice3A_297 = vector.extract_strided_slice %dot_general3A_20 {offsets = [0, 0], sizes = [96, 112], strides = [1, 1]} : vector<96x224xf32> to vector<96x112xf32>
    %slice3A_298 = vector.extract_strided_slice %dot_general3A_20 {offsets = [0, 112], sizes = [96, 112], strides = [1, 1]} : vector<96x224xf32> to vector<96x112xf32>
    %get3A_299 = arith.constant 1 : index
    %get3A_300 = arith.constant 0 : index
    %get3A_301 = arith.constant 0 : index
    %get3A_302 = vector.load %arg2[%get3A_299, %get3A_300, %get3A_301] : memref<9x96x96xf32, #tpu.memory_space<vmem>>, vector<1x96x96xf32>
    %get3A_303 = vector.shape_cast %get3A_302 : vector<1x96x96xf32> to vector<96x96xf32>
    %slice3A_304 = vector.extract_strided_slice %slice3A_297 {offsets = [0, 0], sizes = [96, 111], strides = [1, 1]} : vector<96x112xf32> to vector<96x111xf32>
    %dot_general3A_305 = arith.constant dense<0.000000e+00> : vector<96x111xf32>
    %dot_general3A_306 = tpu.matmul %get3A_303, %slice3A_304, %dot_general3A_305 {dimension_numbers = #tpu.dot_dimension_numbers<[1], [0], [0], [1], [0, 0, 1, 1], [], []>, transpose_lhs_hint = false} : vector<96x96xf32>, vector<96x111xf32>, vector<96x111xf32> -> vector<96x111xf32>
    %add3A_307 = arith.addf %add3A_296, %dot_general3A_306 : vector<96x111xf32>
    %get3A_308 = arith.constant 4 : index
    %get3A_309 = arith.constant 0 : index
    %get3A_310 = arith.constant 0 : index
    %get3A_311 = vector.load %arg2[%get3A_308, %get3A_309, %get3A_310] : memref<9x96x96xf32, #tpu.memory_space<vmem>>, vector<1x96x96xf32>
    %get3A_312 = vector.shape_cast %get3A_311 : vector<1x96x96xf32> to vector<96x96xf32>
    %slice3A_313 = vector.extract_strided_slice %slice3A_298 {offsets = [0, 0], sizes = [96, 111], strides = [1, 1]} : vector<96x112xf32> to vector<96x111xf32>
    %dot_general3A_314 = arith.constant dense<0.000000e+00> : vector<96x111xf32>
    %dot_general3A_315 = tpu.matmul %get3A_312, %slice3A_313, %dot_general3A_314 {dimension_numbers = #tpu.dot_dimension_numbers<[1], [0], [0], [1], [0, 0, 1, 1], [], []>, transpose_lhs_hint = false} : vector<96x96xf32>, vector<96x111xf32>, vector<96x111xf32> -> vector<96x111xf32>
    %add3A_316 = arith.addf %add3A_307, %dot_general3A_315 : vector<96x111xf32>
    %get3A_317 = arith.constant 7 : index
    %get3A_318 = arith.constant 0 : index
    %get3A_319 = arith.constant 0 : index
    %get3A_320 = vector.load %arg2[%get3A_317, %get3A_318, %get3A_319] : memref<9x96x96xf32, #tpu.memory_space<vmem>>, vector<1x96x96xf32>
    %get3A_321 = vector.shape_cast %get3A_320 : vector<1x96x96xf32> to vector<96x96xf32>
    %slice3A_322 = vector.extract_strided_slice %slice3A_297 {offsets = [0, 1], sizes = [96, 111], strides = [1, 1]} : vector<96x112xf32> to vector<96x111xf32>
    %dot_general3A_323 = arith.constant dense<0.000000e+00> : vector<96x111xf32>
    %dot_general3A_324 = tpu.matmul %get3A_321, %slice3A_322, %dot_general3A_323 {dimension_numbers = #tpu.dot_dimension_numbers<[1], [0], [0], [1], [0, 0, 1, 1], [], []>, transpose_lhs_hint = false} : vector<96x96xf32>, vector<96x111xf32>, vector<96x111xf32> -> vector<96x111xf32>
    %add3A_325 = arith.addf %add3A_316, %dot_general3A_324 : vector<96x111xf32>
    %slice3A_326 = vector.extract_strided_slice %dot_general3A_28 {offsets = [0, 0], sizes = [96, 112], strides = [1, 1]} : vector<96x224xf32> to vector<96x112xf32>
    %slice3A_327 = vector.extract_strided_slice %dot_general3A_28 {offsets = [0, 112], sizes = [96, 112], strides = [1, 1]} : vector<96x224xf32> to vector<96x112xf32>
    %get3A_328 = arith.constant 2 : index
    %get3A_329 = arith.constant 0 : index
    %get3A_330 = arith.constant 0 : index
    %get3A_331 = vector.load %arg2[%get3A_328, %get3A_329, %get3A_330] : memref<9x96x96xf32, #tpu.memory_space<vmem>>, vector<1x96x96xf32>
    %get3A_332 = vector.shape_cast %get3A_331 : vector<1x96x96xf32> to vector<96x96xf32>
    %slice3A_333 = vector.extract_strided_slice %slice3A_326 {offsets = [0, 0], sizes = [96, 111], strides = [1, 1]} : vector<96x112xf32> to vector<96x111xf32>
    %dot_general3A_334 = arith.constant dense<0.000000e+00> : vector<96x111xf32>
    %dot_general3A_335 = tpu.matmul %get3A_332, %slice3A_333, %dot_general3A_334 {dimension_numbers = #tpu.dot_dimension_numbers<[1], [0], [0], [1], [0, 0, 1, 1], [], []>, transpose_lhs_hint = false} : vector<96x96xf32>, vector<96x111xf32>, vector<96x111xf32> -> vector<96x111xf32>
    %add3A_336 = arith.addf %add3A_325, %dot_general3A_335 : vector<96x111xf32>
    %get3A_337 = arith.constant 5 : index
    %get3A_338 = arith.constant 0 : index
    %get3A_339 = arith.constant 0 : index
    %get3A_340 = vector.load %arg2[%get3A_337, %get3A_338, %get3A_339] : memref<9x96x96xf32, #tpu.memory_space<vmem>>, vector<1x96x96xf32>
    %get3A_341 = vector.shape_cast %get3A_340 : vector<1x96x96xf32> to vector<96x96xf32>
    %slice3A_342 = vector.extract_strided_slice %slice3A_327 {offsets = [0, 0], sizes = [96, 111], strides = [1, 1]} : vector<96x112xf32> to vector<96x111xf32>
    %dot_general3A_343 = arith.constant dense<0.000000e+00> : vector<96x111xf32>
    %dot_general3A_344 = tpu.matmul %get3A_341, %slice3A_342, %dot_general3A_343 {dimension_numbers = #tpu.dot_dimension_numbers<[1], [0], [0], [1], [0, 0, 1, 1], [], []>, transpose_lhs_hint = false} : vector<96x96xf32>, vector<96x111xf32>, vector<96x111xf32> -> vector<96x111xf32>
    %add3A_345 = arith.addf %add3A_336, %dot_general3A_344 : vector<96x111xf32>
    %get3A_346 = arith.constant 8 : index
    %get3A_347 = arith.constant 0 : index
    %get3A_348 = arith.constant 0 : index
    %get3A_349 = vector.load %arg2[%get3A_346, %get3A_347, %get3A_348] : memref<9x96x96xf32, #tpu.memory_space<vmem>>, vector<1x96x96xf32>
    %get3A_350 = vector.shape_cast %get3A_349 : vector<1x96x96xf32> to vector<96x96xf32>
    %slice3A_351 = vector.extract_strided_slice %slice3A_326 {offsets = [0, 1], sizes = [96, 111], strides = [1, 1]} : vector<96x112xf32> to vector<96x111xf32>
    %dot_general3A_352 = arith.constant dense<0.000000e+00> : vector<96x111xf32>
    %dot_general3A_353 = tpu.matmul %get3A_350, %slice3A_351, %dot_general3A_352 {dimension_numbers = #tpu.dot_dimension_numbers<[1], [0], [0], [1], [0, 0, 1, 1], [], []>, transpose_lhs_hint = false} : vector<96x96xf32>, vector<96x111xf32>, vector<96x111xf32> -> vector<96x111xf32>
    %add3A_354 = arith.addf %add3A_345, %dot_general3A_353 : vector<96x111xf32>
    %swap3A = arith.constant 0 : index
    %swap3A_355 = arith.constant 0 : index
    %swap3A_356 = arith.constant 0 : index
    %swap3A_357 = arith.constant 0 : index
    %swap3A_358 = vector.load %arg5[%swap3A, %swap3A_355, %swap3A_356, %swap3A_357] : memref<1x96x16x111xf32, #tpu.memory_space<vmem>>, vector<1x96x1x111xf32>
    %swap3A_359 = vector.shape_cast %swap3A_358 : vector<1x96x1x111xf32> to vector<96x111xf32>
    %swap3A_360 = vector.shape_cast %add3A_354 : vector<96x111xf32> to vector<1x96x1x111xf32>
    tpu.vector_store %arg5[%swap3A, %swap3A_355, %swap3A_356, %swap3A_357], %swap3A_360 {strides = array<i32>} : memref<1x96x16x111xf32, #tpu.memory_space<vmem>>, vector<1x96x1x111xf32>,
    %broadcast_in_dim3A_361 = arith.constant 0.000000e+00 : f32
    %broadcast_in_dim3A_362 = vector.broadcast %broadcast_in_dim3A_361 : f32 to vector<96x111xf32>
    %slice3A_363 = vector.extract_strided_slice %dot_general3A_28 {offsets = [0, 0], sizes = [96, 112], strides = [1, 1]} : vector<96x224xf32> to vector<96x112xf32>
    %slice3A_364 = vector.extract_strided_slice %dot_general3A_28 {offsets = [0, 112], sizes = [96, 112], strides = [1, 1]} : vector<96x224xf32> to vector<96x112xf32>
    %get3A_365 = arith.constant 0 : index
    %get3A_366 = arith.constant 0 : index
    %get3A_367 = arith.constant 0 : index
    %get3A_368 = vector.load %arg2[%get3A_365, %get3A_366, %get3A_367] : memref<9x96x96xf32, #tpu.memory_space<vmem>>, vector<1x96x96xf32>
    %get3A_369 = vector.shape_cast %get3A_368 : vector<1x96x96xf32> to vector<96x96xf32>
    %slice3A_370 = vector.extract_strided_slice %slice3A_363 {offsets = [0, 0], sizes = [96, 111], strides = [1, 1]} : vector<96x112xf32> to vector<96x111xf32>
    %dot_general3A_371 = arith.constant dense<0.000000e+00> : vector<96x111xf32>
    %dot_general3A_372 = tpu.matmul %get3A_369, %slice3A_370, %dot_general3A_371 {dimension_numbers = #tpu.dot_dimension_numbers<[1], [0], [0], [1], [0, 0, 1, 1], [], []>, transpose_lhs_hint = false} : vector<96x96xf32>, vector<96x111xf32>, vector<96x111xf32> -> vector<96x111xf32>
    %add3A_373 = arith.addf %broadcast_in_dim3A_362, %dot_general3A_372 : vector<96x111xf32>
    %get3A_374 = arith.constant 3 : index
    %get3A_375 = arith.constant 0 : index
    %get3A_376 = arith.constant 0 : index
    %get3A_377 = vector.load %arg2[%get3A_374, %get3A_375, %get3A_376] : memref<9x96x96xf32, #tpu.memory_space<vmem>>, vector<1x96x96xf32>
    %get3A_378 = vector.shape_cast %get3A_377 : vector<1x96x96xf32> to vector<96x96xf32>
    %slice3A_379 = vector.extract_strided_slice %slice3A_364 {offsets = [0, 0], sizes = [96, 111], strides = [1, 1]} : vector<96x112xf32> to vector<96x111xf32>
    %dot_general3A_380 = arith.constant dense<0.000000e+00> : vector<96x111xf32>
    %dot_general3A_381 = tpu.matmul %get3A_378, %slice3A_379, %dot_general3A_380 {dimension_numbers = #tpu.dot_dimension_numbers<[1], [0], [0], [1], [0, 0, 1, 1], [], []>, transpose_lhs_hint = false} : vector<96x96xf32>, vector<96x111xf32>, vector<96x111xf32> -> vector<96x111xf32>
    %add3A_382 = arith.addf %add3A_373, %dot_general3A_381 : vector<96x111xf32>
    %get3A_383 = arith.constant 6 : index
    %get3A_384 = arith.constant 0 : index
    %get3A_385 = arith.constant 0 : index
    %get3A_386 = vector.load %arg2[%get3A_383, %get3A_384, %get3A_385] : memref<9x96x96xf32, #tpu.memory_space<vmem>>, vector<1x96x96xf32>
    %get3A_387 = vector.shape_cast %get3A_386 : vector<1x96x96xf32> to vector<96x96xf32>
    %slice3A_388 = vector.extract_strided_slice %slice3A_363 {offsets = [0, 1], sizes = [96, 111], strides = [1, 1]} : vector<96x112xf32> to vector<96x111xf32>
    %dot_general3A_389 = arith.constant dense<0.000000e+00> : vector<96x111xf32>
    %dot_general3A_390 = tpu.matmul %get3A_387, %slice3A_388, %dot_general3A_389 {dimension_numbers = #tpu.dot_dimension_numbers<[1], [0], [0], [1], [0, 0, 1, 1], [], []>, transpose_lhs_hint = false} : vector<96x96xf32>, vector<96x111xf32>, vector<96x111xf32> -> vector<96x111xf32>
    %add3A_391 = arith.addf %add3A_382, %dot_general3A_390 : vector<96x111xf32>
    %slice3A_392 = vector.extract_strided_slice %dot_general3A_36 {offsets = [0, 0], sizes = [96, 112], strides = [1, 1]} : vector<96x224xf32> to vector<96x112xf32>
    %slice3A_393 = vector.extract_strided_slice %dot_general3A_36 {offsets = [0, 112], sizes = [96, 112], strides = [1, 1]} : vector<96x224xf32> to vector<96x112xf32>
    %get3A_394 = arith.constant 1 : index
    %get3A_395 = arith.constant 0 : index
    %get3A_396 = arith.constant 0 : index
    %get3A_397 = vector.load %arg2[%get3A_394, %get3A_395, %get3A_396] : memref<9x96x96xf32, #tpu.memory_space<vmem>>, vector<1x96x96xf32>
    %get3A_398 = vector.shape_cast %get3A_397 : vector<1x96x96xf32> to vector<96x96xf32>
    %slice3A_399 = vector.extract_strided_slice %slice3A_392 {offsets = [0, 0], sizes = [96, 111], strides = [1, 1]} : vector<96x112xf32> to vector<96x111xf32>
    %dot_general3A_400 = arith.constant dense<0.000000e+00> : vector<96x111xf32>
    %dot_general3A_401 = tpu.matmul %get3A_398, %slice3A_399, %dot_general3A_400 {dimension_numbers = #tpu.dot_dimension_numbers<[1], [0], [0], [1], [0, 0, 1, 1], [], []>, transpose_lhs_hint = false} : vector<96x96xf32>, vector<96x111xf32>, vector<96x111xf32> -> vector<96x111xf32>
    %add3A_402 = arith.addf %add3A_391, %dot_general3A_401 : vector<96x111xf32>
    %get3A_403 = arith.constant 4 : index
    %get3A_404 = arith.constant 0 : index
    %get3A_405 = arith.constant 0 : index
    %get3A_406 = vector.load %arg2[%get3A_403, %get3A_404, %get3A_405] : memref<9x96x96xf32, #tpu.memory_space<vmem>>, vector<1x96x96xf32>
    %get3A_407 = vector.shape_cast %get3A_406 : vector<1x96x96xf32> to vector<96x96xf32>
    %slice3A_408 = vector.extract_strided_slice %slice3A_393 {offsets = [0, 0], sizes = [96, 111], strides = [1, 1]} : vector<96x112xf32> to vector<96x111xf32>
    %dot_general3A_409 = arith.constant dense<0.000000e+00> : vector<96x111xf32>
    %dot_general3A_410 = tpu.matmul %get3A_407, %slice3A_408, %dot_general3A_409 {dimension_numbers = #tpu.dot_dimension_numbers<[1], [0], [0], [1], [0, 0, 1, 1], [], []>, transpose_lhs_hint = false} : vector<96x96xf32>, vector<96x111xf32>, vector<96x111xf32> -> vector<96x111xf32>
    %add3A_411 = arith.addf %add3A_402, %dot_general3A_410 : vector<96x111xf32>
    %get3A_412 = arith.constant 7 : index
    %get3A_413 = arith.constant 0 : index
    %get3A_414 = arith.constant 0 : index
    %get3A_415 = vector.load %arg2[%get3A_412, %get3A_413, %get3A_414] : memref<9x96x96xf32, #tpu.memory_space<vmem>>, vector<1x96x96xf32>
    %get3A_416 = vector.shape_cast %get3A_415 : vector<1x96x96xf32> to vector<96x96xf32>
    %slice3A_417 = vector.extract_strided_slice %slice3A_392 {offsets = [0, 1], sizes = [96, 111], strides = [1, 1]} : vector<96x112xf32> to vector<96x111xf32>
    %dot_general3A_418 = arith.constant dense<0.000000e+00> : vector<96x111xf32>
    %dot_general3A_419 = tpu.matmul %get3A_416, %slice3A_417, %dot_general3A_418 {dimension_numbers = #tpu.dot_dimension_numbers<[1], [0], [0], [1], [0, 0, 1, 1], [], []>, transpose_lhs_hint = false} : vector<96x96xf32>, vector<96x111xf32>, vector<96x111xf32> -> vector<96x111xf32>
    %add3A_420 = arith.addf %add3A_411, %dot_general3A_419 : vector<96x111xf32>
    %slice3A_421 = vector.extract_strided_slice %dot_general3A_44 {offsets = [0, 0], sizes = [96, 112], strides = [1, 1]} : vector<96x224xf32> to vector<96x112xf32>
    %slice3A_422 = vector.extract_strided_slice %dot_general3A_44 {offsets = [0, 112], sizes = [96, 112], strides = [1, 1]} : vector<96x224xf32> to vector<96x112xf32>
    %get3A_423 = arith.constant 2 : index
    %get3A_424 = arith.constant 0 : index
    %get3A_425 = arith.constant 0 : index
    %get3A_426 = vector.load %arg2[%get3A_423, %get3A_424, %get3A_425] : memref<9x96x96xf32, #tpu.memory_space<vmem>>, vector<1x96x96xf32>
    %get3A_427 = vector.shape_cast %get3A_426 : vector<1x96x96xf32> to vector<96x96xf32>
    %slice3A_428 = vector.extract_strided_slice %slice3A_421 {offsets = [0, 0], sizes = [96, 111], strides = [1, 1]} : vector<96x112xf32> to vector<96x111xf32>
    %dot_general3A_429 = arith.constant dense<0.000000e+00> : vector<96x111xf32>
    %dot_general3A_430 = tpu.matmul %get3A_427, %slice3A_428, %dot_general3A_429 {dimension_numbers = #tpu.dot_dimension_numbers<[1], [0], [0], [1], [0, 0, 1, 1], [], []>, transpose_lhs_hint = false} : vector<96x96xf32>, vector<96x111xf32>, vector<96x111xf32> -> vector<96x111xf32>
    %add3A_431 = arith.addf %add3A_420, %dot_general3A_430 : vector<96x111xf32>
    %get3A_432 = arith.constant 5 : index
    %get3A_433 = arith.constant 0 : index
    %get3A_434 = arith.constant 0 : index
    %get3A_435 = vector.load %arg2[%get3A_432, %get3A_433, %get3A_434] : memref<9x96x96xf32, #tpu.memory_space<vmem>>, vector<1x96x96xf32>
    %get3A_436 = vector.shape_cast %get3A_435 : vector<1x96x96xf32> to vector<96x96xf32>
    %slice3A_437 = vector.extract_strided_slice %slice3A_422 {offsets = [0, 0], sizes = [96, 111], strides = [1, 1]} : vector<96x112xf32> to vector<96x111xf32>
    %dot_general3A_438 = arith.constant dense<0.000000e+00> : vector<96x111xf32>
    %dot_general3A_439 = tpu.matmul %get3A_436, %slice3A_437, %dot_general3A_438 {dimension_numbers = #tpu.dot_dimension_numbers<[1], [0], [0], [1], [0, 0, 1, 1], [], []>, transpose_lhs_hint = false} : vector<96x96xf32>, vector<96x111xf32>, vector<96x111xf32> -> vector<96x111xf32>
    %add3A_440 = arith.addf %add3A_431, %dot_general3A_439 : vector<96x111xf32>
    %get3A_441 = arith.constant 8 : index
    %get3A_442 = arith.constant 0 : index
    %get3A_443 = arith.constant 0 : index
    %get3A_444 = vector.load %arg2[%get3A_441, %get3A_442, %get3A_443] : memref<9x96x96xf32, #tpu.memory_space<vmem>>, vector<1x96x96xf32>
    %get3A_445 = vector.shape_cast %get3A_444 : vector<1x96x96xf32> to vector<96x96xf32>
    %slice3A_446 = vector.extract_strided_slice %slice3A_421 {offsets = [0, 1], sizes = [96, 111], strides = [1, 1]} : vector<96x112xf32> to vector<96x111xf32>
    %dot_general3A_447 = arith.constant dense<0.000000e+00> : vector<96x111xf32>
    %dot_general3A_448 = tpu.matmul %get3A_445, %slice3A_446, %dot_general3A_447 {dimension_numbers = #tpu.dot_dimension_numbers<[1], [0], [0], [1], [0, 0, 1, 1], [], []>, transpose_lhs_hint = false} : vector<96x96xf32>, vector<96x111xf32>, vector<96x111xf32> -> vector<96x111xf32>
    %add3A_449 = arith.addf %add3A_440, %dot_general3A_448 : vector<96x111xf32>
    %swap3A_450 = arith.constant 0 : index
    %swap3A_451 = arith.constant 0 : index
    %swap3A_452 = arith.constant 1 : index
    %swap3A_453 = arith.constant 0 : index
    %swap3A_454 = vector.load %arg5[%swap3A_450, %swap3A_451, %swap3A_452, %swap3A_453] : memref<1x96x16x111xf32, #tpu.memory_space<vmem>>, vector<1x96x1x111xf32>
    %swap3A_455 = vector.shape_cast %swap3A_454 : vector<1x96x1x111xf32> to vector<96x111xf32>
    %swap3A_456 = vector.shape_cast %add3A_449 : vector<96x111xf32> to vector<1x96x1x111xf32>
    tpu.vector_store %arg5[%swap3A_450, %swap3A_451, %swap3A_452, %swap3A_453], %swap3A_456 {strides = array<i32>} : memref<1x96x16x111xf32, #tpu.memory_space<vmem>>, vector<1x96x1x111xf32>,
    %broadcast_in_dim3A_457 = arith.constant 0.000000e+00 : f32
    %broadcast_in_dim3A_458 = vector.broadcast %broadcast_in_dim3A_457 : f32 to vector<96x111xf32>
    %slice3A_459 = vector.extract_strided_slice %dot_general3A_44 {offsets = [0, 0], sizes = [96, 112], strides = [1, 1]} : vector<96x224xf32> to vector<96x112xf32>
    %slice3A_460 = vector.extract_strided_slice %dot_general3A_44 {offsets = [0, 112], sizes = [96, 112], strides = [1, 1]} : vector<96x224xf32> to vector<96x112xf32>
    %get3A_461 = arith.constant 0 : index
    %get3A_462 = arith.constant 0 : index
    %get3A_463 = arith.constant 0 : index
    %get3A_464 = vector.load %arg2[%get3A_461, %get3A_462, %get3A_463] : memref<9x96x96xf32, #tpu.memory_space<vmem>>, vector<1x96x96xf32>
    %get3A_465 = vector.shape_cast %get3A_464 : vector<1x96x96xf32> to vector<96x96xf32>
    %slice3A_466 = vector.extract_strided_slice %slice3A_459 {offsets = [0, 0], sizes = [96, 111], strides = [1, 1]} : vector<96x112xf32> to vector<96x111xf32>
    %dot_general3A_467 = arith.constant dense<0.000000e+00> : vector<96x111xf32>
    %dot_general3A_468 = tpu.matmul %get3A_465, %slice3A_466, %dot_general3A_467 {dimension_numbers = #tpu.dot_dimension_numbers<[1], [0], [0], [1], [0, 0, 1, 1], [], []>, transpose_lhs_hint = false} : vector<96x96xf32>, vector<96x111xf32>, vector<96x111xf32> -> vector<96x111xf32>
    %add3A_469 = arith.addf %broadcast_in_dim3A_458, %dot_general3A_468 : vector<96x111xf32>
    %get3A_470 = arith.constant 3 : index
    %get3A_471 = arith.constant 0 : index
    %get3A_472 = arith.constant 0 : index
    %get3A_473 = vector.load %arg2[%get3A_470, %get3A_471, %get3A_472] : memref<9x96x96xf32, #tpu.memory_space<vmem>>, vector<1x96x96xf32>
    %get3A_474 = vector.shape_cast %get3A_473 : vector<1x96x96xf32> to vector<96x96xf32>
    %slice3A_475 = vector.extract_strided_slice %slice3A_460 {offsets = [0, 0], sizes = [96, 111], strides = [1, 1]} : vector<96x112xf32> to vector<96x111xf32>
    %dot_general3A_476 = arith.constant dense<0.000000e+00> : vector<96x111xf32>
    %dot_general3A_477 = tpu.matmul %get3A_474, %slice3A_475, %dot_general3A_476 {dimension_numbers = #tpu.dot_dimension_numbers<[1], [0], [0], [1], [0, 0, 1, 1], [], []>, transpose_lhs_hint = false} : vector<96x96xf32>, vector<96x111xf32>, vector<96x111xf32> -> vector<96x111xf32>
    %add3A_478 = arith.addf %add3A_469, %dot_general3A_477 : vector<96x111xf32>
    %get3A_479 = arith.constant 6 : index
    %get3A_480 = arith.constant 0 : index
    %get3A_481 = arith.constant 0 : index
    %get3A_482 = vector.load %arg2[%get3A_479, %get3A_480, %get3A_481] : memref<9x96x96xf32, #tpu.memory_space<vmem>>, vector<1x96x96xf32>
    %get3A_483 = vector.shape_cast %get3A_482 : vector<1x96x96xf32> to vector<96x96xf32>
    %slice3A_484 = vector.extract_strided_slice %slice3A_459 {offsets = [0, 1], sizes = [96, 111], strides = [1, 1]} : vector<96x112xf32> to vector<96x111xf32>
    %dot_general3A_485 = arith.constant dense<0.000000e+00> : vector<96x111xf32>
    %dot_general3A_486 = tpu.matmul %get3A_483, %slice3A_484, %dot_general3A_485 {dimension_numbers = #tpu.dot_dimension_numbers<[1], [0], [0], [1], [0, 0, 1, 1], [], []>, transpose_lhs_hint = false} : vector<96x96xf32>, vector<96x111xf32>, vector<96x111xf32> -> vector<96x111xf32>
    %add3A_487 = arith.addf %add3A_478, %dot_general3A_486 : vector<96x111xf32>
    %slice3A_488 = vector.extract_strided_slice %dot_general3A_52 {offsets = [0, 0], sizes = [96, 112], strides = [1, 1]} : vector<96x224xf32> to vector<96x112xf32>
    %slice3A_489 = vector.extract_strided_slice %dot_general3A_52 {offsets = [0, 112], sizes = [96, 112], strides = [1, 1]} : vector<96x224xf32> to vector<96x112xf32>
    %get3A_490 = arith.constant 1 : index
    %get3A_491 = arith.constant 0 : index
    %get3A_492 = arith.constant 0 : index
    %get3A_493 = vector.load %arg2[%get3A_490, %get3A_491, %get3A_492] : memref<9x96x96xf32, #tpu.memory_space<vmem>>, vector<1x96x96xf32>
    %get3A_494 = vector.shape_cast %get3A_493 : vector<1x96x96xf32> to vector<96x96xf32>
    %slice3A_495 = vector.extract_strided_slice %slice3A_488 {offsets = [0, 0], sizes = [96, 111], strides = [1, 1]} : vector<96x112xf32> to vector<96x111xf32>
    %dot_general3A_496 = arith.constant dense<0.000000e+00> : vector<96x111xf32>
    %dot_general3A_497 = tpu.matmul %get3A_494, %slice3A_495, %dot_general3A_496 {dimension_numbers = #tpu.dot_dimension_numbers<[1], [0], [0], [1], [0, 0, 1, 1], [], []>, transpose_lhs_hint = false} : vector<96x96xf32>, vector<96x111xf32>, vector<96x111xf32> -> vector<96x111xf32>
    %add3A_498 = arith.addf %add3A_487, %dot_general3A_497 : vector<96x111xf32>
    %get3A_499 = arith.constant 4 : index
    %get3A_500 = arith.constant 0 : index
    %get3A_501 = arith.constant 0 : index
    %get3A_502 = vector.load %arg2[%get3A_499, %get3A_500, %get3A_501] : memref<9x96x96xf32, #tpu.memory_space<vmem>>, vector<1x96x96xf32>
    %get3A_503 = vector.shape_cast %get3A_502 : vector<1x96x96xf32> to vector<96x96xf32>
    %slice3A_504 = vector.extract_strided_slice %slice3A_489 {offsets = [0, 0], sizes = [96, 111], strides = [1, 1]} : vector<96x112xf32> to vector<96x111xf32>
    %dot_general3A_505 = arith.constant dense<0.000000e+00> : vector<96x111xf32>
    %dot_general3A_506 = tpu.matmul %get3A_503, %slice3A_504, %dot_general3A_505 {dimension_numbers = #tpu.dot_dimension_numbers<[1], [0], [0], [1], [0, 0, 1, 1], [], []>, transpose_lhs_hint = false} : vector<96x96xf32>, vector<96x111xf32>, vector<96x111xf32> -> vector<96x111xf32>
    %add3A_507 = arith.addf %add3A_498, %dot_general3A_506 : vector<96x111xf32>
    %get3A_508 = arith.constant 7 : index
    %get3A_509 = arith.constant 0 : index
    %get3A_510 = arith.constant 0 : index
    %get3A_511 = vector.load %arg2[%get3A_508, %get3A_509, %get3A_510] : memref<9x96x96xf32, #tpu.memory_space<vmem>>, vector<1x96x96xf32>
    %get3A_512 = vector.shape_cast %get3A_511 : vector<1x96x96xf32> to vector<96x96xf32>
    %slice3A_513 = vector.extract_strided_slice %slice3A_488 {offsets = [0, 1], sizes = [96, 111], strides = [1, 1]} : vector<96x112xf32> to vector<96x111xf32>
    %dot_general3A_514 = arith.constant dense<0.000000e+00> : vector<96x111xf32>
    %dot_general3A_515 = tpu.matmul %get3A_512, %slice3A_513, %dot_general3A_514 {dimension_numbers = #tpu.dot_dimension_numbers<[1], [0], [0], [1], [0, 0, 1, 1], [], []>, transpose_lhs_hint = false} : vector<96x96xf32>, vector<96x111xf32>, vector<96x111xf32> -> vector<96x111xf32>
    %add3A_516 = arith.addf %add3A_507, %dot_general3A_515 : vector<96x111xf32>
    %slice3A_517 = vector.extract_strided_slice %dot_general3A_60 {offsets = [0, 0], sizes = [96, 112], strides = [1, 1]} : vector<96x224xf32> to vector<96x112xf32>
    %slice3A_518 = vector.extract_strided_slice %dot_general3A_60 {offsets = [0, 112], sizes = [96, 112], strides = [1, 1]} : vector<96x224xf32> to vector<96x112xf32>
    %get3A_519 = arith.constant 2 : index
    %get3A_520 = arith.constant 0 : index
    %get3A_521 = arith.constant 0 : index
    %get3A_522 = vector.load %arg2[%get3A_519, %get3A_520, %get3A_521] : memref<9x96x96xf32, #tpu.memory_space<vmem>>, vector<1x96x96xf32>
    %get3A_523 = vector.shape_cast %get3A_522 : vector<1x96x96xf32> to vector<96x96xf32>
    %slice3A_524 = vector.extract_strided_slice %slice3A_517 {offsets = [0, 0], sizes = [96, 111], strides = [1, 1]} : vector<96x112xf32> to vector<96x111xf32>
    %dot_general3A_525 = arith.constant dense<0.000000e+00> : vector<96x111xf32>
    %dot_general3A_526 = tpu.matmul %get3A_523, %slice3A_524, %dot_general3A_525 {dimension_numbers = #tpu.dot_dimension_numbers<[1], [0], [0], [1], [0, 0, 1, 1], [], []>, transpose_lhs_hint = false} : vector<96x96xf32>, vector<96x111xf32>, vector<96x111xf32> -> vector<96x111xf32>
    %add3A_527 = arith.addf %add3A_516, %dot_general3A_526 : vector<96x111xf32>
    %get3A_528 = arith.constant 5 : index
    %get3A_529 = arith.constant 0 : index
    %get3A_530 = arith.constant 0 : index
    %get3A_531 = vector.load %arg2[%get3A_528, %get3A_529, %get3A_530] : memref<9x96x96xf32, #tpu.memory_space<vmem>>, vector<1x96x96xf32>
    %get3A_532 = vector.shape_cast %get3A_531 : vector<1x96x96xf32> to vector<96x96xf32>
    %slice3A_533 = vector.extract_strided_slice %slice3A_518 {offsets = [0, 0], sizes = [96, 111], strides = [1, 1]} : vector<96x112xf32> to vector<96x111xf32>
    %dot_general3A_534 = arith.constant dense<0.000000e+00> : vector<96x111xf32>
    %dot_general3A_535 = tpu.matmul %get3A_532, %slice3A_533, %dot_general3A_534 {dimension_numbers = #tpu.dot_dimension_numbers<[1], [0], [0], [1], [0, 0, 1, 1], [], []>, transpose_lhs_hint = false} : vector<96x96xf32>, vector<96x111xf32>, vector<96x111xf32> -> vector<96x111xf32>
    %add3A_536 = arith.addf %add3A_527, %dot_general3A_535 : vector<96x111xf32>
    %get3A_537 = arith.constant 8 : index
    %get3A_538 = arith.constant 0 : index
    %get3A_539 = arith.constant 0 : index
    %get3A_540 = vector.load %arg2[%get3A_537, %get3A_538, %get3A_539] : memref<9x96x96xf32, #tpu.memory_space<vmem>>, vector<1x96x96xf32>
    %get3A_541 = vector.shape_cast %get3A_540 : vector<1x96x96xf32> to vector<96x96xf32>
    %slice3A_542 = vector.extract_strided_slice %slice3A_517 {offsets = [0, 1], sizes = [96, 111], strides = [1, 1]} : vector<96x112xf32> to vector<96x111xf32>
    %dot_general3A_543 = arith.constant dense<0.000000e+00> : vector<96x111xf32>
    %dot_general3A_544 = tpu.matmul %get3A_541, %slice3A_542, %dot_general3A_543 {dimension_numbers = #tpu.dot_dimension_numbers<[1], [0], [0], [1], [0, 0, 1, 1], [], []>, transpose_lhs_hint = false} : vector<96x96xf32>, vector<96x111xf32>, vector<96x111xf32> -> vector<96x111xf32>
    %add3A_545 = arith.addf %add3A_536, %dot_general3A_544 : vector<96x111xf32>
    %swap3A_546 = arith.constant 0 : index
    %swap3A_547 = arith.constant 0 : index
    %swap3A_548 = arith.constant 2 : index
    %swap3A_549 = arith.constant 0 : index
    %swap3A_550 = vector.load %arg5[%swap3A_546, %swap3A_547, %swap3A_548, %swap3A_549] : memref<1x96x16x111xf32, #tpu.memory_space<vmem>>, vector<1x96x1x111xf32>
    %swap3A_551 = vector.shape_cast %swap3A_550 : vector<1x96x1x111xf32> to vector<96x111xf32>
    %swap3A_552 = vector.shape_cast %add3A_545 : vector<96x111xf32> to vector<1x96x1x111xf32>
    tpu.vector_store %arg5[%swap3A_546, %swap3A_547, %swap3A_548, %swap3A_549], %swap3A_552 {strides = array<i32>} : memref<1x96x16x111xf32, #tpu.memory_space<vmem>>, vector<1x96x1x111xf32>,
    %broadcast_in_dim3A_553 = arith.constant 0.000000e+00 : f32
    %broadcast_in_dim3A_554 = vector.broadcast %broadcast_in_dim3A_553 : f32 to vector<96x111xf32>
    %slice3A_555 = vector.extract_strided_slice %dot_general3A_60 {offsets = [0, 0], sizes = [96, 112], strides = [1, 1]} : vector<96x224xf32> to vector<96x112xf32>
    %slice3A_556 = vector.extract_strided_slice %dot_general3A_60 {offsets = [0, 112], sizes = [96, 112], strides = [1, 1]} : vector<96x224xf32> to vector<96x112xf32>
    %get3A_557 = arith.constant 0 : index
    %get3A_558 = arith.constant 0 : index
    %get3A_559 = arith.constant 0 : index
    %get3A_560 = vector.load %arg2[%get3A_557, %get3A_558, %get3A_559] : memref<9x96x96xf32, #tpu.memory_space<vmem>>, vector<1x96x96xf32>
    %get3A_561 = vector.shape_cast %get3A_560 : vector<1x96x96xf32> to vector<96x96xf32>
    %slice3A_562 = vector.extract_strided_slice %slice3A_555 {offsets = [0, 0], sizes = [96, 111], strides = [1, 1]} : vector<96x112xf32> to vector<96x111xf32>
    %dot_general3A_563 = arith.constant dense<0.000000e+00> : vector<96x111xf32>
    %dot_general3A_564 = tpu.matmul %get3A_561, %slice3A_562, %dot_general3A_563 {dimension_numbers = #tpu.dot_dimension_numbers<[1], [0], [0], [1], [0, 0, 1, 1], [], []>, transpose_lhs_hint = false} : vector<96x96xf32>, vector<96x111xf32>, vector<96x111xf32> -> vector<96x111xf32>
    %add3A_565 = arith.addf %broadcast_in_dim3A_554, %dot_general3A_564 : vector<96x111xf32>
    %get3A_566 = arith.constant 3 : index
    %get3A_567 = arith.constant 0 : index
    %get3A_568 = arith.constant 0 : index
    %get3A_569 = vector.load %arg2[%get3A_566, %get3A_567, %get3A_568] : memref<9x96x96xf32, #tpu.memory_space<vmem>>, vector<1x96x96xf32>
    %get3A_570 = vector.shape_cast %get3A_569 : vector<1x96x96xf32> to vector<96x96xf32>
    %slice3A_571 = vector.extract_strided_slice %slice3A_556 {offsets = [0, 0], sizes = [96, 111], strides = [1, 1]} : vector<96x112xf32> to vector<96x111xf32>
    %dot_general3A_572 = arith.constant dense<0.000000e+00> : vector<96x111xf32>
    %dot_general3A_573 = tpu.matmul %get3A_570, %slice3A_571, %dot_general3A_572 {dimension_numbers = #tpu.dot_dimension_numbers<[1], [0], [0], [1], [0, 0, 1, 1], [], []>, transpose_lhs_hint = false} : vector<96x96xf32>, vector<96x111xf32>, vector<96x111xf32> -> vector<96x111xf32>
    %add3A_574 = arith.addf %add3A_565, %dot_general3A_573 : vector<96x111xf32>
    %get3A_575 = arith.constant 6 : index
    %get3A_576 = arith.constant 0 : index
    %get3A_577 = arith.constant 0 : index
    %get3A_578 = vector.load %arg2[%get3A_575, %get3A_576, %get3A_577] : memref<9x96x96xf32, #tpu.memory_space<vmem>>, vector<1x96x96xf32>
    %get3A_579 = vector.shape_cast %get3A_578 : vector<1x96x96xf32> to vector<96x96xf32>
    %slice3A_580 = vector.extract_strided_slice %slice3A_555 {offsets = [0, 1], sizes = [96, 111], strides = [1, 1]} : vector<96x112xf32> to vector<96x111xf32>
    %dot_general3A_581 = arith.constant dense<0.000000e+00> : vector<96x111xf32>
    %dot_general3A_582 = tpu.matmul %get3A_579, %slice3A_580, %dot_general3A_581 {dimension_numbers = #tpu.dot_dimension_numbers<[1], [0], [0], [1], [0, 0, 1, 1], [], []>, transpose_lhs_hint = false} : vector<96x96xf32>, vector<96x111xf32>, vector<96x111xf32> -> vector<96x111xf32>
    %add3A_583 = arith.addf %add3A_574, %dot_general3A_582 : vector<96x111xf32>
    %slice3A_584 = vector.extract_strided_slice %dot_general3A_68 {offsets = [0, 0], sizes = [96, 112], strides = [1, 1]} : vector<96x224xf32> to vector<96x112xf32>
    %slice3A_585 = vector.extract_strided_slice %dot_general3A_68 {offsets = [0, 112], sizes = [96, 112], strides = [1, 1]} : vector<96x224xf32> to vector<96x112xf32>
    %get3A_586 = arith.constant 1 : index
    %get3A_587 = arith.constant 0 : index
    %get3A_588 = arith.constant 0 : index
    %get3A_589 = vector.load %arg2[%get3A_586, %get3A_587, %get3A_588] : memref<9x96x96xf32, #tpu.memory_space<vmem>>, vector<1x96x96xf32>
    %get3A_590 = vector.shape_cast %get3A_589 : vector<1x96x96xf32> to vector<96x96xf32>
    %slice3A_591 = vector.extract_strided_slice %slice3A_584 {offsets = [0, 0], sizes = [96, 111], strides = [1, 1]} : vector<96x112xf32> to vector<96x111xf32>
    %dot_general3A_592 = arith.constant dense<0.000000e+00> : vector<96x111xf32>
    %dot_general3A_593 = tpu.matmul %get3A_590, %slice3A_591, %dot_general3A_592 {dimension_numbers = #tpu.dot_dimension_numbers<[1], [0], [0], [1], [0, 0, 1, 1], [], []>, transpose_lhs_hint = false} : vector<96x96xf32>, vector<96x111xf32>, vector<96x111xf32> -> vector<96x111xf32>
    %add3A_594 = arith.addf %add3A_583, %dot_general3A_593 : vector<96x111xf32>
    %get3A_595 = arith.constant 4 : index
    %get3A_596 = arith.constant 0 : index
    %get3A_597 = arith.constant 0 : index
    %get3A_598 = vector.load %arg2[%get3A_595, %get3A_596, %get3A_597] : memref<9x96x96xf32, #tpu.memory_space<vmem>>, vector<1x96x96xf32>
    %get3A_599 = vector.shape_cast %get3A_598 : vector<1x96x96xf32> to vector<96x96xf32>
    %slice3A_600 = vector.extract_strided_slice %slice3A_585 {offsets = [0, 0], sizes = [96, 111], strides = [1, 1]} : vector<96x112xf32> to vector<96x111xf32>
    %dot_general3A_601 = arith.constant dense<0.000000e+00> : vector<96x111xf32>
    %dot_general3A_602 = tpu.matmul %get3A_599, %slice3A_600, %dot_general3A_601 {dimension_numbers = #tpu.dot_dimension_numbers<[1], [0], [0], [1], [0, 0, 1, 1], [], []>, transpose_lhs_hint = false} : vector<96x96xf32>, vector<96x111xf32>, vector<96x111xf32> -> vector<96x111xf32>
    %add3A_603 = arith.addf %add3A_594, %dot_general3A_602 : vector<96x111xf32>
    %get3A_604 = arith.constant 7 : index
    %get3A_605 = arith.constant 0 : index
    %get3A_606 = arith.constant 0 : index
    %get3A_607 = vector.load %arg2[%get3A_604, %get3A_605, %get3A_606] : memref<9x96x96xf32, #tpu.memory_space<vmem>>, vector<1x96x96xf32>
    %get3A_608 = vector.shape_cast %get3A_607 : vector<1x96x96xf32> to vector<96x96xf32>
    %slice3A_609 = vector.extract_strided_slice %slice3A_584 {offsets = [0, 1], sizes = [96, 111], strides = [1, 1]} : vector<96x112xf32> to vector<96x111xf32>
    %dot_general3A_610 = arith.constant dense<0.000000e+00> : vector<96x111xf32>
    %dot_general3A_611 = tpu.matmul %get3A_608, %slice3A_609, %dot_general3A_610 {dimension_numbers = #tpu.dot_dimension_numbers<[1], [0], [0], [1], [0, 0, 1, 1], [], []>, transpose_lhs_hint = false} : vector<96x96xf32>, vector<96x111xf32>, vector<96x111xf32> -> vector<96x111xf32>
    %add3A_612 = arith.addf %add3A_603, %dot_general3A_611 : vector<96x111xf32>
    %slice3A_613 = vector.extract_strided_slice %dot_general3A_76 {offsets = [0, 0], sizes = [96, 112], strides = [1, 1]} : vector<96x224xf32> to vector<96x112xf32>
    %slice3A_614 = vector.extract_strided_slice %dot_general3A_76 {offsets = [0, 112], sizes = [96, 112], strides = [1, 1]} : vector<96x224xf32> to vector<96x112xf32>
    %get3A_615 = arith.constant 2 : index
    %get3A_616 = arith.constant 0 : index
    %get3A_617 = arith.constant 0 : index
    %get3A_618 = vector.load %arg2[%get3A_615, %get3A_616, %get3A_617] : memref<9x96x96xf32, #tpu.memory_space<vmem>>, vector<1x96x96xf32>
    %get3A_619 = vector.shape_cast %get3A_618 : vector<1x96x96xf32> to vector<96x96xf32>
    %slice3A_620 = vector.extract_strided_slice %slice3A_613 {offsets = [0, 0], sizes = [96, 111], strides = [1, 1]} : vector<96x112xf32> to vector<96x111xf32>
    %dot_general3A_621 = arith.constant dense<0.000000e+00> : vector<96x111xf32>
    %dot_general3A_622 = tpu.matmul %get3A_619, %slice3A_620, %dot_general3A_621 {dimension_numbers = #tpu.dot_dimension_numbers<[1], [0], [0], [1], [0, 0, 1, 1], [], []>, transpose_lhs_hint = false} : vector<96x96xf32>, vector<96x111xf32>, vector<96x111xf32> -> vector<96x111xf32>
    %add3A_623 = arith.addf %add3A_612, %dot_general3A_622 : vector<96x111xf32>
    %get3A_624 = arith.constant 5 : index
    %get3A_625 = arith.constant 0 : index
    %get3A_626 = arith.constant 0 : index
    %get3A_627 = vector.load %arg2[%get3A_624, %get3A_625, %get3A_626] : memref<9x96x96xf32, #tpu.memory_space<vmem>>, vector<1x96x96xf32>
    %get3A_628 = vector.shape_cast %get3A_627 : vector<1x96x96xf32> to vector<96x96xf32>
    %slice3A_629 = vector.extract_strided_slice %slice3A_614 {offsets = [0, 0], sizes = [96, 111], strides = [1, 1]} : vector<96x112xf32> to vector<96x111xf32>
    %dot_general3A_630 = arith.constant dense<0.000000e+00> : vector<96x111xf32>
    %dot_general3A_631 = tpu.matmul %get3A_628, %slice3A_629, %dot_general3A_630 {dimension_numbers = #tpu.dot_dimension_numbers<[1], [0], [0], [1], [0, 0, 1, 1], [], []>, transpose_lhs_hint = false} : vector<96x96xf32>, vector<96x111xf32>, vector<96x111xf32> -> vector<96x111xf32>
    %add3A_632 = arith.addf %add3A_623, %dot_general3A_631 : vector<96x111xf32>
    %get3A_633 = arith.constant 8 : index
    %get3A_634 = arith.constant 0 : index
    %get3A_635 = arith.constant 0 : index
    %get3A_636 = vector.load %arg2[%get3A_633, %get3A_634, %get3A_635] : memref<9x96x96xf32, #tpu.memory_space<vmem>>, vector<1x96x96xf32>
    %get3A_637 = vector.shape_cast %get3A_636 : vector<1x96x96xf32> to vector<96x96xf32>
    %slice3A_638 = vector.extract_strided_slice %slice3A_613 {offsets = [0, 1], sizes = [96, 111], strides = [1, 1]} : vector<96x112xf32> to vector<96x111xf32>
    %dot_general3A_639 = arith.constant dense<0.000000e+00> : vector<96x111xf32>
    %dot_general3A_640 = tpu.matmul %get3A_637, %slice3A_638, %dot_general3A_639 {dimension_numbers = #tpu.dot_dimension_numbers<[1], [0], [0], [1], [0, 0, 1, 1], [], []>, transpose_lhs_hint = false} : vector<96x96xf32>, vector<96x111xf32>, vector<96x111xf32> -> vector<96x111xf32>
    %add3A_641 = arith.addf %add3A_632, %dot_general3A_640 : vector<96x111xf32>
    %swap3A_642 = arith.constant 0 : index
    %swap3A_643 = arith.constant 0 : index
    %swap3A_644 = arith.constant 3 : index
    %swap3A_645 = arith.constant 0 : index
    %swap3A_646 = vector.load %arg5[%swap3A_642, %swap3A_643, %swap3A_644, %swap3A_645] : memref<1x96x16x111xf32, #tpu.memory_space<vmem>>, vector<1x96x1x111xf32>
    %swap3A_647 = vector.shape_cast %swap3A_646 : vector<1x96x1x111xf32> to vector<96x111xf32>
    %swap3A_648 = vector.shape_cast %add3A_641 : vector<96x111xf32> to vector<1x96x1x111xf32>
    tpu.vector_store %arg5[%swap3A_642, %swap3A_643, %swap3A_644, %swap3A_645], %swap3A_648 {strides = array<i32>} : memref<1x96x16x111xf32, #tpu.memory_space<vmem>>, vector<1x96x1x111xf32>,
    %broadcast_in_dim3A_649 = arith.constant 0.000000e+00 : f32
    %broadcast_in_dim3A_650 = vector.broadcast %broadcast_in_dim3A_649 : f32 to vector<96x111xf32>
    %slice3A_651 = vector.extract_strided_slice %dot_general3A_76 {offsets = [0, 0], sizes = [96, 112], strides = [1, 1]} : vector<96x224xf32> to vector<96x112xf32>
    %slice3A_652 = vector.extract_strided_slice %dot_general3A_76 {offsets = [0, 112], sizes = [96, 112], strides = [1, 1]} : vector<96x224xf32> to vector<96x112xf32>
    %get3A_653 = arith.constant 0 : index
    %get3A_654 = arith.constant 0 : index
    %get3A_655 = arith.constant 0 : index
    %get3A_656 = vector.load %arg2[%get3A_653, %get3A_654, %get3A_655] : memref<9x96x96xf32, #tpu.memory_space<vmem>>, vector<1x96x96xf32>
    %get3A_657 = vector.shape_cast %get3A_656 : vector<1x96x96xf32> to vector<96x96xf32>
    %slice3A_658 = vector.extract_strided_slice %slice3A_651 {offsets = [0, 0], sizes = [96, 111], strides = [1, 1]} : vector<96x112xf32> to vector<96x111xf32>
    %dot_general3A_659 = arith.constant dense<0.000000e+00> : vector<96x111xf32>
    %dot_general3A_660 = tpu.matmul %get3A_657, %slice3A_658, %dot_general3A_659 {dimension_numbers = #tpu.dot_dimension_numbers<[1], [0], [0], [1], [0, 0, 1, 1], [], []>, transpose_lhs_hint = false} : vector<96x96xf32>, vector<96x111xf32>, vector<96x111xf32> -> vector<96x111xf32>
    %add3A_661 = arith.addf %broadcast_in_dim3A_650, %dot_general3A_660 : vector<96x111xf32>
    %get3A_662 = arith.constant 3 : index
    %get3A_663 = arith.constant 0 : index
    %get3A_664 = arith.constant 0 : index
    %get3A_665 = vector.load %arg2[%get3A_662, %get3A_663, %get3A_664] : memref<9x96x96xf32, #tpu.memory_space<vmem>>, vector<1x96x96xf32>
    %get3A_666 = vector.shape_cast %get3A_665 : vector<1x96x96xf32> to vector<96x96xf32>
    %slice3A_667 = vector.extract_strided_slice %slice3A_652 {offsets = [0, 0], sizes = [96, 111], strides = [1, 1]} : vector<96x112xf32> to vector<96x111xf32>
    %dot_general3A_668 = arith.constant dense<0.000000e+00> : vector<96x111xf32>
    %dot_general3A_669 = tpu.matmul %get3A_666, %slice3A_667, %dot_general3A_668 {dimension_numbers = #tpu.dot_dimension_numbers<[1], [0], [0], [1], [0, 0, 1, 1], [], []>, transpose_lhs_hint = false} : vector<96x96xf32>, vector<96x111xf32>, vector<96x111xf32> -> vector<96x111xf32>
    %add3A_670 = arith.addf %add3A_661, %dot_general3A_669 : vector<96x111xf32>
    %get3A_671 = arith.constant 6 : index
    %get3A_672 = arith.constant 0 : index
    %get3A_673 = arith.constant 0 : index
    %get3A_674 = vector.load %arg2[%get3A_671, %get3A_672, %get3A_673] : memref<9x96x96xf32, #tpu.memory_space<vmem>>, vector<1x96x96xf32>
    %get3A_675 = vector.shape_cast %get3A_674 : vector<1x96x96xf32> to vector<96x96xf32>
    %slice3A_676 = vector.extract_strided_slice %slice3A_651 {offsets = [0, 1], sizes = [96, 111], strides = [1, 1]} : vector<96x112xf32> to vector<96x111xf32>
    %dot_general3A_677 = arith.constant dense<0.000000e+00> : vector<96x111xf32>
    %dot_general3A_678 = tpu.matmul %get3A_675, %slice3A_676, %dot_general3A_677 {dimension_numbers = #tpu.dot_dimension_numbers<[1], [0], [0], [1], [0, 0, 1, 1], [], []>, transpose_lhs_hint = false} : vector<96x96xf32>, vector<96x111xf32>, vector<96x111xf32> -> vector<96x111xf32>
    %add3A_679 = arith.addf %add3A_670, %dot_general3A_678 : vector<96x111xf32>
    %slice3A_680 = vector.extract_strided_slice %dot_general3A_84 {offsets = [0, 0], sizes = [96, 112], strides = [1, 1]} : vector<96x224xf32> to vector<96x112xf32>
    %slice3A_681 = vector.extract_strided_slice %dot_general3A_84 {offsets = [0, 112], sizes = [96, 112], strides = [1, 1]} : vector<96x224xf32> to vector<96x112xf32>
    %get3A_682 = arith.constant 1 : index
    %get3A_683 = arith.constant 0 : index
    %get3A_684 = arith.constant 0 : index
    %get3A_685 = vector.load %arg2[%get3A_682, %get3A_683, %get3A_684] : memref<9x96x96xf32, #tpu.memory_space<vmem>>, vector<1x96x96xf32>
    %get3A_686 = vector.shape_cast %get3A_685 : vector<1x96x96xf32> to vector<96x96xf32>
    %slice3A_687 = vector.extract_strided_slice %slice3A_680 {offsets = [0, 0], sizes = [96, 111], strides = [1, 1]} : vector<96x112xf32> to vector<96x111xf32>
    %dot_general3A_688 = arith.constant dense<0.000000e+00> : vector<96x111xf32>
    %dot_general3A_689 = tpu.matmul %get3A_686, %slice3A_687, %dot_general3A_688 {dimension_numbers = #tpu.dot_dimension_numbers<[1], [0], [0], [1], [0, 0, 1, 1], [], []>, transpose_lhs_hint = false} : vector<96x96xf32>, vector<96x111xf32>, vector<96x111xf32> -> vector<96x111xf32>
    %add3A_690 = arith.addf %add3A_679, %dot_general3A_689 : vector<96x111xf32>
    %get3A_691 = arith.constant 4 : index
    %get3A_692 = arith.constant 0 : index
    %get3A_693 = arith.constant 0 : index
    %get3A_694 = vector.load %arg2[%get3A_691, %get3A_692, %get3A_693] : memref<9x96x96xf32, #tpu.memory_space<vmem>>, vector<1x96x96xf32>
    %get3A_695 = vector.shape_cast %get3A_694 : vector<1x96x96xf32> to vector<96x96xf32>
    %slice3A_696 = vector.extract_strided_slice %slice3A_681 {offsets = [0, 0], sizes = [96, 111], strides = [1, 1]} : vector<96x112xf32> to vector<96x111xf32>
    %dot_general3A_697 = arith.constant dense<0.000000e+00> : vector<96x111xf32>
    %dot_general3A_698 = tpu.matmul %get3A_695, %slice3A_696, %dot_general3A_697 {dimension_numbers = #tpu.dot_dimension_numbers<[1], [0], [0], [1], [0, 0, 1, 1], [], []>, transpose_lhs_hint = false} : vector<96x96xf32>, vector<96x111xf32>, vector<96x111xf32> -> vector<96x111xf32>
    %add3A_699 = arith.addf %add3A_690, %dot_general3A_698 : vector<96x111xf32>
    %get3A_700 = arith.constant 7 : index
    %get3A_701 = arith.constant 0 : index
    %get3A_702 = arith.constant 0 : index
    %get3A_703 = vector.load %arg2[%get3A_700, %get3A_701, %get3A_702] : memref<9x96x96xf32, #tpu.memory_space<vmem>>, vector<1x96x96xf32>
    %get3A_704 = vector.shape_cast %get3A_703 : vector<1x96x96xf32> to vector<96x96xf32>
    %slice3A_705 = vector.extract_strided_slice %slice3A_680 {offsets = [0, 1], sizes = [96, 111], strides = [1, 1]} : vector<96x112xf32> to vector<96x111xf32>
    %dot_general3A_706 = arith.constant dense<0.000000e+00> : vector<96x111xf32>
    %dot_general3A_707 = tpu.matmul %get3A_704, %slice3A_705, %dot_general3A_706 {dimension_numbers = #tpu.dot_dimension_numbers<[1], [0], [0], [1], [0, 0, 1, 1], [], []>, transpose_lhs_hint = false} : vector<96x96xf32>, vector<96x111xf32>, vector<96x111xf32> -> vector<96x111xf32>
    %add3A_708 = arith.addf %add3A_699, %dot_general3A_707 : vector<96x111xf32>
    %slice3A_709 = vector.extract_strided_slice %dot_general3A_92 {offsets = [0, 0], sizes = [96, 112], strides = [1, 1]} : vector<96x224xf32> to vector<96x112xf32>
    %slice3A_710 = vector.extract_strided_slice %dot_general3A_92 {offsets = [0, 112], sizes = [96, 112], strides = [1, 1]} : vector<96x224xf32> to vector<96x112xf32>
    %get3A_711 = arith.constant 2 : index
    %get3A_712 = arith.constant 0 : index
    %get3A_713 = arith.constant 0 : index
    %get3A_714 = vector.load %arg2[%get3A_711, %get3A_712, %get3A_713] : memref<9x96x96xf32, #tpu.memory_space<vmem>>, vector<1x96x96xf32>
    %get3A_715 = vector.shape_cast %get3A_714 : vector<1x96x96xf32> to vector<96x96xf32>
    %slice3A_716 = vector.extract_strided_slice %slice3A_709 {offsets = [0, 0], sizes = [96, 111], strides = [1, 1]} : vector<96x112xf32> to vector<96x111xf32>
    %dot_general3A_717 = arith.constant dense<0.000000e+00> : vector<96x111xf32>
    %dot_general3A_718 = tpu.matmul %get3A_715, %slice3A_716, %dot_general3A_717 {dimension_numbers = #tpu.dot_dimension_numbers<[1], [0], [0], [1], [0, 0, 1, 1], [], []>, transpose_lhs_hint = false} : vector<96x96xf32>, vector<96x111xf32>, vector<96x111xf32> -> vector<96x111xf32>
    %add3A_719 = arith.addf %add3A_708, %dot_general3A_718 : vector<96x111xf32>
    %get3A_720 = arith.constant 5 : index
    %get3A_721 = arith.constant 0 : index
    %get3A_722 = arith.constant 0 : index
    %get3A_723 = vector.load %arg2[%get3A_720, %get3A_721, %get3A_722] : memref<9x96x96xf32, #tpu.memory_space<vmem>>, vector<1x96x96xf32>
    %get3A_724 = vector.shape_cast %get3A_723 : vector<1x96x96xf32> to vector<96x96xf32>
    %slice3A_725 = vector.extract_strided_slice %slice3A_710 {offsets = [0, 0], sizes = [96, 111], strides = [1, 1]} : vector<96x112xf32> to vector<96x111xf32>
    %dot_general3A_726 = arith.constant dense<0.000000e+00> : vector<96x111xf32>
    %dot_general3A_727 = tpu.matmul %get3A_724, %slice3A_725, %dot_general3A_726 {dimension_numbers = #tpu.dot_dimension_numbers<[1], [0], [0], [1], [0, 0, 1, 1], [], []>, transpose_lhs_hint = false} : vector<96x96xf32>, vector<96x111xf32>, vector<96x111xf32> -> vector<96x111xf32>
    %add3A_728 = arith.addf %add3A_719, %dot_general3A_727 : vector<96x111xf32>
    %get3A_729 = arith.constant 8 : index
    %get3A_730 = arith.constant 0 : index
    %get3A_731 = arith.constant 0 : index
    %get3A_732 = vector.load %arg2[%get3A_729, %get3A_730, %get3A_731] : memref<9x96x96xf32, #tpu.memory_space<vmem>>, vector<1x96x96xf32>
    %get3A_733 = vector.shape_cast %get3A_732 : vector<1x96x96xf32> to vector<96x96xf32>
    %slice3A_734 = vector.extract_strided_slice %slice3A_709 {offsets = [0, 1], sizes = [96, 111], strides = [1, 1]} : vector<96x112xf32> to vector<96x111xf32>
    %dot_general3A_735 = arith.constant dense<0.000000e+00> : vector<96x111xf32>
    %dot_general3A_736 = tpu.matmul %get3A_733, %slice3A_734, %dot_general3A_735 {dimension_numbers = #tpu.dot_dimension_numbers<[1], [0], [0], [1], [0, 0, 1, 1], [], []>, transpose_lhs_hint = false} : vector<96x96xf32>, vector<96x111xf32>, vector<96x111xf32> -> vector<96x111xf32>
    %add3A_737 = arith.addf %add3A_728, %dot_general3A_736 : vector<96x111xf32>
    %swap3A_738 = arith.constant 0 : index
    %swap3A_739 = arith.constant 0 : index
    %swap3A_740 = arith.constant 4 : index
    %swap3A_741 = arith.constant 0 : index
    %swap3A_742 = vector.load %arg5[%swap3A_738, %swap3A_739, %swap3A_740, %swap3A_741] : memref<1x96x16x111xf32, #tpu.memory_space<vmem>>, vector<1x96x1x111xf32>
    %swap3A_743 = vector.shape_cast %swap3A_742 : vector<1x96x1x111xf32> to vector<96x111xf32>
    %swap3A_744 = vector.shape_cast %add3A_737 : vector<96x111xf32> to vector<1x96x1x111xf32>
    tpu.vector_store %arg5[%swap3A_738, %swap3A_739, %swap3A_740, %swap3A_741], %swap3A_744 {strides = array<i32>} : memref<1x96x16x111xf32, #tpu.memory_space<vmem>>, vector<1x96x1x111xf32>,
    %broadcast_in_dim3A_745 = arith.constant 0.000000e+00 : f32
    %broadcast_in_dim3A_746 = vector.broadcast %broadcast_in_dim3A_745 : f32 to vector<96x111xf32>
    %slice3A_747 = vector.extract_strided_slice %dot_general3A_92 {offsets = [0, 0], sizes = [96, 112], strides = [1, 1]} : vector<96x224xf32> to vector<96x112xf32>
    %slice3A_748 = vector.extract_strided_slice %dot_general3A_92 {offsets = [0, 112], sizes = [96, 112], strides = [1, 1]} : vector<96x224xf32> to vector<96x112xf32>
    %get3A_749 = arith.constant 0 : index
    %get3A_750 = arith.constant 0 : index
    %get3A_751 = arith.constant 0 : index
    %get3A_752 = vector.load %arg2[%get3A_749, %get3A_750, %get3A_751] : memref<9x96x96xf32, #tpu.memory_space<vmem>>, vector<1x96x96xf32>
    %get3A_753 = vector.shape_cast %get3A_752 : vector<1x96x96xf32> to vector<96x96xf32>
    %slice3A_754 = vector.extract_strided_slice %slice3A_747 {offsets = [0, 0], sizes = [96, 111], strides = [1, 1]} : vector<96x112xf32> to vector<96x111xf32>
    %dot_general3A_755 = arith.constant dense<0.000000e+00> : vector<96x111xf32>
    %dot_general3A_756 = tpu.matmul %get3A_753, %slice3A_754, %dot_general3A_755 {dimension_numbers = #tpu.dot_dimension_numbers<[1], [0], [0], [1], [0, 0, 1, 1], [], []>, transpose_lhs_hint = false} : vector<96x96xf32>, vector<96x111xf32>, vector<96x111xf32> -> vector<96x111xf32>
    %add3A_757 = arith.addf %broadcast_in_dim3A_746, %dot_general3A_756 : vector<96x111xf32>
    %get3A_758 = arith.constant 3 : index
    %get3A_759 = arith.constant 0 : index
    %get3A_760 = arith.constant 0 : index
    %get3A_761 = vector.load %arg2[%get3A_758, %get3A_759, %get3A_760] : memref<9x96x96xf32, #tpu.memory_space<vmem>>, vector<1x96x96xf32>
    %get3A_762 = vector.shape_cast %get3A_761 : vector<1x96x96xf32> to vector<96x96xf32>
    %slice3A_763 = vector.extract_strided_slice %slice3A_748 {offsets = [0, 0], sizes = [96, 111], strides = [1, 1]} : vector<96x112xf32> to vector<96x111xf32>
    %dot_general3A_764 = arith.constant dense<0.000000e+00> : vector<96x111xf32>
    %dot_general3A_765 = tpu.matmul %get3A_762, %slice3A_763, %dot_general3A_764 {dimension_numbers = #tpu.dot_dimension_numbers<[1], [0], [0], [1], [0, 0, 1, 1], [], []>, transpose_lhs_hint = false} : vector<96x96xf32>, vector<96x111xf32>, vector<96x111xf32> -> vector<96x111xf32>
    %add3A_766 = arith.addf %add3A_757, %dot_general3A_765 : vector<96x111xf32>
    %get3A_767 = arith.constant 6 : index
    %get3A_768 = arith.constant 0 : index
    %get3A_769 = arith.constant 0 : index
    %get3A_770 = vector.load %arg2[%get3A_767, %get3A_768, %get3A_769] : memref<9x96x96xf32, #tpu.memory_space<vmem>>, vector<1x96x96xf32>
    %get3A_771 = vector.shape_cast %get3A_770 : vector<1x96x96xf32> to vector<96x96xf32>
    %slice3A_772 = vector.extract_strided_slice %slice3A_747 {offsets = [0, 1], sizes = [96, 111], strides = [1, 1]} : vector<96x112xf32> to vector<96x111xf32>
    %dot_general3A_773 = arith.constant dense<0.000000e+00> : vector<96x111xf32>
    %dot_general3A_774 = tpu.matmul %get3A_771, %slice3A_772, %dot_general3A_773 {dimension_numbers = #tpu.dot_dimension_numbers<[1], [0], [0], [1], [0, 0, 1, 1], [], []>, transpose_lhs_hint = false} : vector<96x96xf32>, vector<96x111xf32>, vector<96x111xf32> -> vector<96x111xf32>
    %add3A_775 = arith.addf %add3A_766, %dot_general3A_774 : vector<96x111xf32>
    %slice3A_776 = vector.extract_strided_slice %dot_general3A_100 {offsets = [0, 0], sizes = [96, 112], strides = [1, 1]} : vector<96x224xf32> to vector<96x112xf32>
    %slice3A_777 = vector.extract_strided_slice %dot_general3A_100 {offsets = [0, 112], sizes = [96, 112], strides = [1, 1]} : vector<96x224xf32> to vector<96x112xf32>
    %get3A_778 = arith.constant 1 : index
    %get3A_779 = arith.constant 0 : index
    %get3A_780 = arith.constant 0 : index
    %get3A_781 = vector.load %arg2[%get3A_778, %get3A_779, %get3A_780] : memref<9x96x96xf32, #tpu.memory_space<vmem>>, vector<1x96x96xf32>
    %get3A_782 = vector.shape_cast %get3A_781 : vector<1x96x96xf32> to vector<96x96xf32>
    %slice3A_783 = vector.extract_strided_slice %slice3A_776 {offsets = [0, 0], sizes = [96, 111], strides = [1, 1]} : vector<96x112xf32> to vector<96x111xf32>
    %dot_general3A_784 = arith.constant dense<0.000000e+00> : vector<96x111xf32>
    %dot_general3A_785 = tpu.matmul %get3A_782, %slice3A_783, %dot_general3A_784 {dimension_numbers = #tpu.dot_dimension_numbers<[1], [0], [0], [1], [0, 0, 1, 1], [], []>, transpose_lhs_hint = false} : vector<96x96xf32>, vector<96x111xf32>, vector<96x111xf32> -> vector<96x111xf32>
    %add3A_786 = arith.addf %add3A_775, %dot_general3A_785 : vector<96x111xf32>
    %get3A_787 = arith.constant 4 : index
    %get3A_788 = arith.constant 0 : index
    %get3A_789 = arith.constant 0 : index
    %get3A_790 = vector.load %arg2[%get3A_787, %get3A_788, %get3A_789] : memref<9x96x96xf32, #tpu.memory_space<vmem>>, vector<1x96x96xf32>
    %get3A_791 = vector.shape_cast %get3A_790 : vector<1x96x96xf32> to vector<96x96xf32>
    %slice3A_792 = vector.extract_strided_slice %slice3A_777 {offsets = [0, 0], sizes = [96, 111], strides = [1, 1]} : vector<96x112xf32> to vector<96x111xf32>
    %dot_general3A_793 = arith.constant dense<0.000000e+00> : vector<96x111xf32>
    %dot_general3A_794 = tpu.matmul %get3A_791, %slice3A_792, %dot_general3A_793 {dimension_numbers = #tpu.dot_dimension_numbers<[1], [0], [0], [1], [0, 0, 1, 1], [], []>, transpose_lhs_hint = false} : vector<96x96xf32>, vector<96x111xf32>, vector<96x111xf32> -> vector<96x111xf32>
    %add3A_795 = arith.addf %add3A_786, %dot_general3A_794 : vector<96x111xf32>
    %get3A_796 = arith.constant 7 : index
    %get3A_797 = arith.constant 0 : index
    %get3A_798 = arith.constant 0 : index
    %get3A_799 = vector.load %arg2[%get3A_796, %get3A_797, %get3A_798] : memref<9x96x96xf32, #tpu.memory_space<vmem>>, vector<1x96x96xf32>
    %get3A_800 = vector.shape_cast %get3A_799 : vector<1x96x96xf32> to vector<96x96xf32>
    %slice3A_801 = vector.extract_strided_slice %slice3A_776 {offsets = [0, 1], sizes = [96, 111], strides = [1, 1]} : vector<96x112xf32> to vector<96x111xf32>
    %dot_general3A_802 = arith.constant dense<0.000000e+00> : vector<96x111xf32>
    %dot_general3A_803 = tpu.matmul %get3A_800, %slice3A_801, %dot_general3A_802 {dimension_numbers = #tpu.dot_dimension_numbers<[1], [0], [0], [1], [0, 0, 1, 1], [], []>, transpose_lhs_hint = false} : vector<96x96xf32>, vector<96x111xf32>, vector<96x111xf32> -> vector<96x111xf32>
    %add3A_804 = arith.addf %add3A_795, %dot_general3A_803 : vector<96x111xf32>
    %slice3A_805 = vector.extract_strided_slice %dot_general3A_108 {offsets = [0, 0], sizes = [96, 112], strides = [1, 1]} : vector<96x224xf32> to vector<96x112xf32>
    %slice3A_806 = vector.extract_strided_slice %dot_general3A_108 {offsets = [0, 112], sizes = [96, 112], strides = [1, 1]} : vector<96x224xf32> to vector<96x112xf32>
    %get3A_807 = arith.constant 2 : index
    %get3A_808 = arith.constant 0 : index
    %get3A_809 = arith.constant 0 : index
    %get3A_810 = vector.load %arg2[%get3A_807, %get3A_808, %get3A_809] : memref<9x96x96xf32, #tpu.memory_space<vmem>>, vector<1x96x96xf32>
    %get3A_811 = vector.shape_cast %get3A_810 : vector<1x96x96xf32> to vector<96x96xf32>
    %slice3A_812 = vector.extract_strided_slice %slice3A_805 {offsets = [0, 0], sizes = [96, 111], strides = [1, 1]} : vector<96x112xf32> to vector<96x111xf32>
    %dot_general3A_813 = arith.constant dense<0.000000e+00> : vector<96x111xf32>
    %dot_general3A_814 = tpu.matmul %get3A_811, %slice3A_812, %dot_general3A_813 {dimension_numbers = #tpu.dot_dimension_numbers<[1], [0], [0], [1], [0, 0, 1, 1], [], []>, transpose_lhs_hint = false} : vector<96x96xf32>, vector<96x111xf32>, vector<96x111xf32> -> vector<96x111xf32>
    %add3A_815 = arith.addf %add3A_804, %dot_general3A_814 : vector<96x111xf32>
    %get3A_816 = arith.constant 5 : index
    %get3A_817 = arith.constant 0 : index
    %get3A_818 = arith.constant 0 : index
    %get3A_819 = vector.load %arg2[%get3A_816, %get3A_817, %get3A_818] : memref<9x96x96xf32, #tpu.memory_space<vmem>>, vector<1x96x96xf32>
    %get3A_820 = vector.shape_cast %get3A_819 : vector<1x96x96xf32> to vector<96x96xf32>
    %slice3A_821 = vector.extract_strided_slice %slice3A_806 {offsets = [0, 0], sizes = [96, 111], strides = [1, 1]} : vector<96x112xf32> to vector<96x111xf32>
    %dot_general3A_822 = arith.constant dense<0.000000e+00> : vector<96x111xf32>
    %dot_general3A_823 = tpu.matmul %get3A_820, %slice3A_821, %dot_general3A_822 {dimension_numbers = #tpu.dot_dimension_numbers<[1], [0], [0], [1], [0, 0, 1, 1], [], []>, transpose_lhs_hint = false} : vector<96x96xf32>, vector<96x111xf32>, vector<96x111xf32> -> vector<96x111xf32>
    %add3A_824 = arith.addf %add3A_815, %dot_general3A_823 : vector<96x111xf32>
    %get3A_825 = arith.constant 8 : index
    %get3A_826 = arith.constant 0 : index
    %get3A_827 = arith.constant 0 : index
    %get3A_828 = vector.load %arg2[%get3A_825, %get3A_826, %get3A_827] : memref<9x96x96xf32, #tpu.memory_space<vmem>>, vector<1x96x96xf32>
    %get3A_829 = vector.shape_cast %get3A_828 : vector<1x96x96xf32> to vector<96x96xf32>
    %slice3A_830 = vector.extract_strided_slice %slice3A_805 {offsets = [0, 1], sizes = [96, 111], strides = [1, 1]} : vector<96x112xf32> to vector<96x111xf32>
    %dot_general3A_831 = arith.constant dense<0.000000e+00> : vector<96x111xf32>
    %dot_general3A_832 = tpu.matmul %get3A_829, %slice3A_830, %dot_general3A_831 {dimension_numbers = #tpu.dot_dimension_numbers<[1], [0], [0], [1], [0, 0, 1, 1], [], []>, transpose_lhs_hint = false} : vector<96x96xf32>, vector<96x111xf32>, vector<96x111xf32> -> vector<96x111xf32>
    %add3A_833 = arith.addf %add3A_824, %dot_general3A_832 : vector<96x111xf32>
    %swap3A_834 = arith.constant 0 : index
    %swap3A_835 = arith.constant 0 : index
    %swap3A_836 = arith.constant 5 : index
    %swap3A_837 = arith.constant 0 : index
    %swap3A_838 = vector.load %arg5[%swap3A_834, %swap3A_835, %swap3A_836, %swap3A_837] : memref<1x96x16x111xf32, #tpu.memory_space<vmem>>, vector<1x96x1x111xf32>
    %swap3A_839 = vector.shape_cast %swap3A_838 : vector<1x96x1x111xf32> to vector<96x111xf32>
    %swap3A_840 = vector.shape_cast %add3A_833 : vector<96x111xf32> to vector<1x96x1x111xf32>
    tpu.vector_store %arg5[%swap3A_834, %swap3A_835, %swap3A_836, %swap3A_837], %swap3A_840 {strides = array<i32>} : memref<1x96x16x111xf32, #tpu.memory_space<vmem>>, vector<1x96x1x111xf32>,
    %broadcast_in_dim3A_841 = arith.constant 0.000000e+00 : f32
    %broadcast_in_dim3A_842 = vector.broadcast %broadcast_in_dim3A_841 : f32 to vector<96x111xf32>
    %slice3A_843 = vector.extract_strided_slice %dot_general3A_108 {offsets = [0, 0], sizes = [96, 112], strides = [1, 1]} : vector<96x224xf32> to vector<96x112xf32>
    %slice3A_844 = vector.extract_strided_slice %dot_general3A_108 {offsets = [0, 112], sizes = [96, 112], strides = [1, 1]} : vector<96x224xf32> to vector<96x112xf32>
    %get3A_845 = arith.constant 0 : index
    %get3A_846 = arith.constant 0 : index
    %get3A_847 = arith.constant 0 : index
    %get3A_848 = vector.load %arg2[%get3A_845, %get3A_846, %get3A_847] : memref<9x96x96xf32, #tpu.memory_space<vmem>>, vector<1x96x96xf32>
    %get3A_849 = vector.shape_cast %get3A_848 : vector<1x96x96xf32> to vector<96x96xf32>
    %slice3A_850 = vector.extract_strided_slice %slice3A_843 {offsets = [0, 0], sizes = [96, 111], strides = [1, 1]} : vector<96x112xf32> to vector<96x111xf32>
    %dot_general3A_851 = arith.constant dense<0.000000e+00> : vector<96x111xf32>
    %dot_general3A_852 = tpu.matmul %get3A_849, %slice3A_850, %dot_general3A_851 {dimension_numbers = #tpu.dot_dimension_numbers<[1], [0], [0], [1], [0, 0, 1, 1], [], []>, transpose_lhs_hint = false} : vector<96x96xf32>, vector<96x111xf32>, vector<96x111xf32> -> vector<96x111xf32>
    %add3A_853 = arith.addf %broadcast_in_dim3A_842, %dot_general3A_852 : vector<96x111xf32>
    %get3A_854 = arith.constant 3 : index
    %get3A_855 = arith.constant 0 : index
    %get3A_856 = arith.constant 0 : index
    %get3A_857 = vector.load %arg2[%get3A_854, %get3A_855, %get3A_856] : memref<9x96x96xf32, #tpu.memory_space<vmem>>, vector<1x96x96xf32>
    %get3A_858 = vector.shape_cast %get3A_857 : vector<1x96x96xf32> to vector<96x96xf32>
    %slice3A_859 = vector.extract_strided_slice %slice3A_844 {offsets = [0, 0], sizes = [96, 111], strides = [1, 1]} : vector<96x112xf32> to vector<96x111xf32>
    %dot_general3A_860 = arith.constant dense<0.000000e+00> : vector<96x111xf32>
    %dot_general3A_861 = tpu.matmul %get3A_858, %slice3A_859, %dot_general3A_860 {dimension_numbers = #tpu.dot_dimension_numbers<[1], [0], [0], [1], [0, 0, 1, 1], [], []>, transpose_lhs_hint = false} : vector<96x96xf32>, vector<96x111xf32>, vector<96x111xf32> -> vector<96x111xf32>
    %add3A_862 = arith.addf %add3A_853, %dot_general3A_861 : vector<96x111xf32>
    %get3A_863 = arith.constant 6 : index
    %get3A_864 = arith.constant 0 : index
    %get3A_865 = arith.constant 0 : index
    %get3A_866 = vector.load %arg2[%get3A_863, %get3A_864, %get3A_865] : memref<9x96x96xf32, #tpu.memory_space<vmem>>, vector<1x96x96xf32>
    %get3A_867 = vector.shape_cast %get3A_866 : vector<1x96x96xf32> to vector<96x96xf32>
    %slice3A_868 = vector.extract_strided_slice %slice3A_843 {offsets = [0, 1], sizes = [96, 111], strides = [1, 1]} : vector<96x112xf32> to vector<96x111xf32>
    %dot_general3A_869 = arith.constant dense<0.000000e+00> : vector<96x111xf32>
    %dot_general3A_870 = tpu.matmul %get3A_867, %slice3A_868, %dot_general3A_869 {dimension_numbers = #tpu.dot_dimension_numbers<[1], [0], [0], [1], [0, 0, 1, 1], [], []>, transpose_lhs_hint = false} : vector<96x96xf32>, vector<96x111xf32>, vector<96x111xf32> -> vector<96x111xf32>
    %add3A_871 = arith.addf %add3A_862, %dot_general3A_870 : vector<96x111xf32>
    %slice3A_872 = vector.extract_strided_slice %dot_general3A_116 {offsets = [0, 0], sizes = [96, 112], strides = [1, 1]} : vector<96x224xf32> to vector<96x112xf32>
    %slice3A_873 = vector.extract_strided_slice %dot_general3A_116 {offsets = [0, 112], sizes = [96, 112], strides = [1, 1]} : vector<96x224xf32> to vector<96x112xf32>
    %get3A_874 = arith.constant 1 : index
    %get3A_875 = arith.constant 0 : index
    %get3A_876 = arith.constant 0 : index
    %get3A_877 = vector.load %arg2[%get3A_874, %get3A_875, %get3A_876] : memref<9x96x96xf32, #tpu.memory_space<vmem>>, vector<1x96x96xf32>
    %get3A_878 = vector.shape_cast %get3A_877 : vector<1x96x96xf32> to vector<96x96xf32>
    %slice3A_879 = vector.extract_strided_slice %slice3A_872 {offsets = [0, 0], sizes = [96, 111], strides = [1, 1]} : vector<96x112xf32> to vector<96x111xf32>
    %dot_general3A_880 = arith.constant dense<0.000000e+00> : vector<96x111xf32>
    %dot_general3A_881 = tpu.matmul %get3A_878, %slice3A_879, %dot_general3A_880 {dimension_numbers = #tpu.dot_dimension_numbers<[1], [0], [0], [1], [0, 0, 1, 1], [], []>, transpose_lhs_hint = false} : vector<96x96xf32>, vector<96x111xf32>, vector<96x111xf32> -> vector<96x111xf32>
    %add3A_882 = arith.addf %add3A_871, %dot_general3A_881 : vector<96x111xf32>
    %get3A_883 = arith.constant 4 : index
    %get3A_884 = arith.constant 0 : index
    %get3A_885 = arith.constant 0 : index
    %get3A_886 = vector.load %arg2[%get3A_883, %get3A_884, %get3A_885] : memref<9x96x96xf32, #tpu.memory_space<vmem>>, vector<1x96x96xf32>
    %get3A_887 = vector.shape_cast %get3A_886 : vector<1x96x96xf32> to vector<96x96xf32>
    %slice3A_888 = vector.extract_strided_slice %slice3A_873 {offsets = [0, 0], sizes = [96, 111], strides = [1, 1]} : vector<96x112xf32> to vector<96x111xf32>
    %dot_general3A_889 = arith.constant dense<0.000000e+00> : vector<96x111xf32>
    %dot_general3A_890 = tpu.matmul %get3A_887, %slice3A_888, %dot_general3A_889 {dimension_numbers = #tpu.dot_dimension_numbers<[1], [0], [0], [1], [0, 0, 1, 1], [], []>, transpose_lhs_hint = false} : vector<96x96xf32>, vector<96x111xf32>, vector<96x111xf32> -> vector<96x111xf32>
    %add3A_891 = arith.addf %add3A_882, %dot_general3A_890 : vector<96x111xf32>
    %get3A_892 = arith.constant 7 : index
    %get3A_893 = arith.constant 0 : index
    %get3A_894 = arith.constant 0 : index
    %get3A_895 = vector.load %arg2[%get3A_892, %get3A_893, %get3A_894] : memref<9x96x96xf32, #tpu.memory_space<vmem>>, vector<1x96x96xf32>
    %get3A_896 = vector.shape_cast %get3A_895 : vector<1x96x96xf32> to vector<96x96xf32>
    %slice3A_897 = vector.extract_strided_slice %slice3A_872 {offsets = [0, 1], sizes = [96, 111], strides = [1, 1]} : vector<96x112xf32> to vector<96x111xf32>
    %dot_general3A_898 = arith.constant dense<0.000000e+00> : vector<96x111xf32>
    %dot_general3A_899 = tpu.matmul %get3A_896, %slice3A_897, %dot_general3A_898 {dimension_numbers = #tpu.dot_dimension_numbers<[1], [0], [0], [1], [0, 0, 1, 1], [], []>, transpose_lhs_hint = false} : vector<96x96xf32>, vector<96x111xf32>, vector<96x111xf32> -> vector<96x111xf32>
    %add3A_900 = arith.addf %add3A_891, %dot_general3A_899 : vector<96x111xf32>
    %slice3A_901 = vector.extract_strided_slice %dot_general3A_124 {offsets = [0, 0], sizes = [96, 112], strides = [1, 1]} : vector<96x224xf32> to vector<96x112xf32>
    %slice3A_902 = vector.extract_strided_slice %dot_general3A_124 {offsets = [0, 112], sizes = [96, 112], strides = [1, 1]} : vector<96x224xf32> to vector<96x112xf32>
    %get3A_903 = arith.constant 2 : index
    %get3A_904 = arith.constant 0 : index
    %get3A_905 = arith.constant 0 : index
    %get3A_906 = vector.load %arg2[%get3A_903, %get3A_904, %get3A_905] : memref<9x96x96xf32, #tpu.memory_space<vmem>>, vector<1x96x96xf32>
    %get3A_907 = vector.shape_cast %get3A_906 : vector<1x96x96xf32> to vector<96x96xf32>
    %slice3A_908 = vector.extract_strided_slice %slice3A_901 {offsets = [0, 0], sizes = [96, 111], strides = [1, 1]} : vector<96x112xf32> to vector<96x111xf32>
    %dot_general3A_909 = arith.constant dense<0.000000e+00> : vector<96x111xf32>
    %dot_general3A_910 = tpu.matmul %get3A_907, %slice3A_908, %dot_general3A_909 {dimension_numbers = #tpu.dot_dimension_numbers<[1], [0], [0], [1], [0, 0, 1, 1], [], []>, transpose_lhs_hint = false} : vector<96x96xf32>, vector<96x111xf32>, vector<96x111xf32> -> vector<96x111xf32>
    %add3A_911 = arith.addf %add3A_900, %dot_general3A_910 : vector<96x111xf32>
    %get3A_912 = arith.constant 5 : index
    %get3A_913 = arith.constant 0 : index
    %get3A_914 = arith.constant 0 : index
    %get3A_915 = vector.load %arg2[%get3A_912, %get3A_913, %get3A_914] : memref<9x96x96xf32, #tpu.memory_space<vmem>>, vector<1x96x96xf32>
    %get3A_916 = vector.shape_cast %get3A_915 : vector<1x96x96xf32> to vector<96x96xf32>
    %slice3A_917 = vector.extract_strided_slice %slice3A_902 {offsets = [0, 0], sizes = [96, 111], strides = [1, 1]} : vector<96x112xf32> to vector<96x111xf32>
    %dot_general3A_918 = arith.constant dense<0.000000e+00> : vector<96x111xf32>
    %dot_general3A_919 = tpu.matmul %get3A_916, %slice3A_917, %dot_general3A_918 {dimension_numbers = #tpu.dot_dimension_numbers<[1], [0], [0], [1], [0, 0, 1, 1], [], []>, transpose_lhs_hint = false} : vector<96x96xf32>, vector<96x111xf32>, vector<96x111xf32> -> vector<96x111xf32>
    %add3A_920 = arith.addf %add3A_911, %dot_general3A_919 : vector<96x111xf32>
    %get3A_921 = arith.constant 8 : index
    %get3A_922 = arith.constant 0 : index
    %get3A_923 = arith.constant 0 : index
    %get3A_924 = vector.load %arg2[%get3A_921, %get3A_922, %get3A_923] : memref<9x96x96xf32, #tpu.memory_space<vmem>>, vector<1x96x96xf32>
    %get3A_925 = vector.shape_cast %get3A_924 : vector<1x96x96xf32> to vector<96x96xf32>
    %slice3A_926 = vector.extract_strided_slice %slice3A_901 {offsets = [0, 1], sizes = [96, 111], strides = [1, 1]} : vector<96x112xf32> to vector<96x111xf32>
    %dot_general3A_927 = arith.constant dense<0.000000e+00> : vector<96x111xf32>
    %dot_general3A_928 = tpu.matmul %get3A_925, %slice3A_926, %dot_general3A_927 {dimension_numbers = #tpu.dot_dimension_numbers<[1], [0], [0], [1], [0, 0, 1, 1], [], []>, transpose_lhs_hint = false} : vector<96x96xf32>, vector<96x111xf32>, vector<96x111xf32> -> vector<96x111xf32>
    %add3A_929 = arith.addf %add3A_920, %dot_general3A_928 : vector<96x111xf32>
    %swap3A_930 = arith.constant 0 : index
    %swap3A_931 = arith.constant 0 : index
    %swap3A_932 = arith.constant 6 : index
    %swap3A_933 = arith.constant 0 : index
    %swap3A_934 = vector.load %arg5[%swap3A_930, %swap3A_931, %swap3A_932, %swap3A_933] : memref<1x96x16x111xf32, #tpu.memory_space<vmem>>, vector<1x96x1x111xf32>
    %swap3A_935 = vector.shape_cast %swap3A_934 : vector<1x96x1x111xf32> to vector<96x111xf32>
    %swap3A_936 = vector.shape_cast %add3A_929 : vector<96x111xf32> to vector<1x96x1x111xf32>
    tpu.vector_store %arg5[%swap3A_930, %swap3A_931, %swap3A_932, %swap3A_933], %swap3A_936 {strides = array<i32>} : memref<1x96x16x111xf32, #tpu.memory_space<vmem>>, vector<1x96x1x111xf32>,
    %broadcast_in_dim3A_937 = arith.constant 0.000000e+00 : f32
    %broadcast_in_dim3A_938 = vector.broadcast %broadcast_in_dim3A_937 : f32 to vector<96x111xf32>
    %slice3A_939 = vector.extract_strided_slice %dot_general3A_124 {offsets = [0, 0], sizes = [96, 112], strides = [1, 1]} : vector<96x224xf32> to vector<96x112xf32>
    %slice3A_940 = vector.extract_strided_slice %dot_general3A_124 {offsets = [0, 112], sizes = [96, 112], strides = [1, 1]} : vector<96x224xf32> to vector<96x112xf32>
    %get3A_941 = arith.constant 0 : index
    %get3A_942 = arith.constant 0 : index
    %get3A_943 = arith.constant 0 : index
    %get3A_944 = vector.load %arg2[%get3A_941, %get3A_942, %get3A_943] : memref<9x96x96xf32, #tpu.memory_space<vmem>>, vector<1x96x96xf32>
    %get3A_945 = vector.shape_cast %get3A_944 : vector<1x96x96xf32> to vector<96x96xf32>
    %slice3A_946 = vector.extract_strided_slice %slice3A_939 {offsets = [0, 0], sizes = [96, 111], strides = [1, 1]} : vector<96x112xf32> to vector<96x111xf32>
    %dot_general3A_947 = arith.constant dense<0.000000e+00> : vector<96x111xf32>
    %dot_general3A_948 = tpu.matmul %get3A_945, %slice3A_946, %dot_general3A_947 {dimension_numbers = #tpu.dot_dimension_numbers<[1], [0], [0], [1], [0, 0, 1, 1], [], []>, transpose_lhs_hint = false} : vector<96x96xf32>, vector<96x111xf32>, vector<96x111xf32> -> vector<96x111xf32>
    %add3A_949 = arith.addf %broadcast_in_dim3A_938, %dot_general3A_948 : vector<96x111xf32>
    %get3A_950 = arith.constant 3 : index
    %get3A_951 = arith.constant 0 : index
    %get3A_952 = arith.constant 0 : index
    %get3A_953 = vector.load %arg2[%get3A_950, %get3A_951, %get3A_952] : memref<9x96x96xf32, #tpu.memory_space<vmem>>, vector<1x96x96xf32>
    %get3A_954 = vector.shape_cast %get3A_953 : vector<1x96x96xf32> to vector<96x96xf32>
    %slice3A_955 = vector.extract_strided_slice %slice3A_940 {offsets = [0, 0], sizes = [96, 111], strides = [1, 1]} : vector<96x112xf32> to vector<96x111xf32>
    %dot_general3A_956 = arith.constant dense<0.000000e+00> : vector<96x111xf32>
    %dot_general3A_957 = tpu.matmul %get3A_954, %slice3A_955, %dot_general3A_956 {dimension_numbers = #tpu.dot_dimension_numbers<[1], [0], [0], [1], [0, 0, 1, 1], [], []>, transpose_lhs_hint = false} : vector<96x96xf32>, vector<96x111xf32>, vector<96x111xf32> -> vector<96x111xf32>
    %add3A_958 = arith.addf %add3A_949, %dot_general3A_957 : vector<96x111xf32>
    %get3A_959 = arith.constant 6 : index
    %get3A_960 = arith.constant 0 : index
    %get3A_961 = arith.constant 0 : index
    %get3A_962 = vector.load %arg2[%get3A_959, %get3A_960, %get3A_961] : memref<9x96x96xf32, #tpu.memory_space<vmem>>, vector<1x96x96xf32>
    %get3A_963 = vector.shape_cast %get3A_962 : vector<1x96x96xf32> to vector<96x96xf32>
    %slice3A_964 = vector.extract_strided_slice %slice3A_939 {offsets = [0, 1], sizes = [96, 111], strides = [1, 1]} : vector<96x112xf32> to vector<96x111xf32>
    %dot_general3A_965 = arith.constant dense<0.000000e+00> : vector<96x111xf32>
    %dot_general3A_966 = tpu.matmul %get3A_963, %slice3A_964, %dot_general3A_965 {dimension_numbers = #tpu.dot_dimension_numbers<[1], [0], [0], [1], [0, 0, 1, 1], [], []>, transpose_lhs_hint = false} : vector<96x96xf32>, vector<96x111xf32>, vector<96x111xf32> -> vector<96x111xf32>
    %add3A_967 = arith.addf %add3A_958, %dot_general3A_966 : vector<96x111xf32>
    %slice3A_968 = vector.extract_strided_slice %dot_general3A_132 {offsets = [0, 0], sizes = [96, 112], strides = [1, 1]} : vector<96x224xf32> to vector<96x112xf32>
    %slice3A_969 = vector.extract_strided_slice %dot_general3A_132 {offsets = [0, 112], sizes = [96, 112], strides = [1, 1]} : vector<96x224xf32> to vector<96x112xf32>
    %get3A_970 = arith.constant 1 : index
    %get3A_971 = arith.constant 0 : index
    %get3A_972 = arith.constant 0 : index
    %get3A_973 = vector.load %arg2[%get3A_970, %get3A_971, %get3A_972] : memref<9x96x96xf32, #tpu.memory_space<vmem>>, vector<1x96x96xf32>
    %get3A_974 = vector.shape_cast %get3A_973 : vector<1x96x96xf32> to vector<96x96xf32>
    %slice3A_975 = vector.extract_strided_slice %slice3A_968 {offsets = [0, 0], sizes = [96, 111], strides = [1, 1]} : vector<96x112xf32> to vector<96x111xf32>
    %dot_general3A_976 = arith.constant dense<0.000000e+00> : vector<96x111xf32>
    %dot_general3A_977 = tpu.matmul %get3A_974, %slice3A_975, %dot_general3A_976 {dimension_numbers = #tpu.dot_dimension_numbers<[1], [0], [0], [1], [0, 0, 1, 1], [], []>, transpose_lhs_hint = false} : vector<96x96xf32>, vector<96x111xf32>, vector<96x111xf32> -> vector<96x111xf32>
    %add3A_978 = arith.addf %add3A_967, %dot_general3A_977 : vector<96x111xf32>
    %get3A_979 = arith.constant 4 : index
    %get3A_980 = arith.constant 0 : index
    %get3A_981 = arith.constant 0 : index
    %get3A_982 = vector.load %arg2[%get3A_979, %get3A_980, %get3A_981] : memref<9x96x96xf32, #tpu.memory_space<vmem>>, vector<1x96x96xf32>
    %get3A_983 = vector.shape_cast %get3A_982 : vector<1x96x96xf32> to vector<96x96xf32>
    %slice3A_984 = vector.extract_strided_slice %slice3A_969 {offsets = [0, 0], sizes = [96, 111], strides = [1, 1]} : vector<96x112xf32> to vector<96x111xf32>
    %dot_general3A_985 = arith.constant dense<0.000000e+00> : vector<96x111xf32>
    %dot_general3A_986 = tpu.matmul %get3A_983, %slice3A_984, %dot_general3A_985 {dimension_numbers = #tpu.dot_dimension_numbers<[1], [0], [0], [1], [0, 0, 1, 1], [], []>, transpose_lhs_hint = false} : vector<96x96xf32>, vector<96x111xf32>, vector<96x111xf32> -> vector<96x111xf32>
    %add3A_987 = arith.addf %add3A_978, %dot_general3A_986 : vector<96x111xf32>
    %get3A_988 = arith.constant 7 : index
    %get3A_989 = arith.constant 0 : index
    %get3A_990 = arith.constant 0 : index
    %get3A_991 = vector.load %arg2[%get3A_988, %get3A_989, %get3A_990] : memref<9x96x96xf32, #tpu.memory_space<vmem>>, vector<1x96x96xf32>
    %get3A_992 = vector.shape_cast %get3A_991 : vector<1x96x96xf32> to vector<96x96xf32>
    %slice3A_993 = vector.extract_strided_slice %slice3A_968 {offsets = [0, 1], sizes = [96, 111], strides = [1, 1]} : vector<96x112xf32> to vector<96x111xf32>
    %dot_general3A_994 = arith.constant dense<0.000000e+00> : vector<96x111xf32>
    %dot_general3A_995 = tpu.matmul %get3A_992, %slice3A_993, %dot_general3A_994 {dimension_numbers = #tpu.dot_dimension_numbers<[1], [0], [0], [1], [0, 0, 1, 1], [], []>, transpose_lhs_hint = false} : vector<96x96xf32>, vector<96x111xf32>, vector<96x111xf32> -> vector<96x111xf32>
    %add3A_996 = arith.addf %add3A_987, %dot_general3A_995 : vector<96x111xf32>
    %slice3A_997 = vector.extract_strided_slice %dot_general3A_140 {offsets = [0, 0], sizes = [96, 112], strides = [1, 1]} : vector<96x224xf32> to vector<96x112xf32>
    %slice3A_998 = vector.extract_strided_slice %dot_general3A_140 {offsets = [0, 112], sizes = [96, 112], strides = [1, 1]} : vector<96x224xf32> to vector<96x112xf32>
    %get3A_999 = arith.constant 2 : index
    %get3A_1000 = arith.constant 0 : index
    %get3A_1001 = arith.constant 0 : index
    %get3A_1002 = vector.load %arg2[%get3A_999, %get3A_1000, %get3A_1001] : memref<9x96x96xf32, #tpu.memory_space<vmem>>, vector<1x96x96xf32>
    %get3A_1003 = vector.shape_cast %get3A_1002 : vector<1x96x96xf32> to vector<96x96xf32>
    %slice3A_1004 = vector.extract_strided_slice %slice3A_997 {offsets = [0, 0], sizes = [96, 111], strides = [1, 1]} : vector<96x112xf32> to vector<96x111xf32>
    %dot_general3A_1005 = arith.constant dense<0.000000e+00> : vector<96x111xf32>
    %dot_general3A_1006 = tpu.matmul %get3A_1003, %slice3A_1004, %dot_general3A_1005 {dimension_numbers = #tpu.dot_dimension_numbers<[1], [0], [0], [1], [0, 0, 1, 1], [], []>, transpose_lhs_hint = false} : vector<96x96xf32>, vector<96x111xf32>, vector<96x111xf32> -> vector<96x111xf32>
    %add3A_1007 = arith.addf %add3A_996, %dot_general3A_1006 : vector<96x111xf32>
    %get3A_1008 = arith.constant 5 : index
    %get3A_1009 = arith.constant 0 : index
    %get3A_1010 = arith.constant 0 : index
    %get3A_1011 = vector.load %arg2[%get3A_1008, %get3A_1009, %get3A_1010] : memref<9x96x96xf32, #tpu.memory_space<vmem>>, vector<1x96x96xf32>
    %get3A_1012 = vector.shape_cast %get3A_1011 : vector<1x96x96xf32> to vector<96x96xf32>
    %slice3A_1013 = vector.extract_strided_slice %slice3A_998 {offsets = [0, 0], sizes = [96, 111], strides = [1, 1]} : vector<96x112xf32> to vector<96x111xf32>
    %dot_general3A_1014 = arith.constant dense<0.000000e+00> : vector<96x111xf32>
    %dot_general3A_1015 = tpu.matmul %get3A_1012, %slice3A_1013, %dot_general3A_1014 {dimension_numbers = #tpu.dot_dimension_numbers<[1], [0], [0], [1], [0, 0, 1, 1], [], []>, transpose_lhs_hint = false} : vector<96x96xf32>, vector<96x111xf32>, vector<96x111xf32> -> vector<96x111xf32>
    %add3A_1016 = arith.addf %add3A_1007, %dot_general3A_1015 : vector<96x111xf32>
    %get3A_1017 = arith.constant 8 : index
    %get3A_1018 = arith.constant 0 : index
    %get3A_1019 = arith.constant 0 : index
    %get3A_1020 = vector.load %arg2[%get3A_1017, %get3A_1018, %get3A_1019] : memref<9x96x96xf32, #tpu.memory_space<vmem>>, vector<1x96x96xf32>
    %get3A_1021 = vector.shape_cast %get3A_1020 : vector<1x96x96xf32> to vector<96x96xf32>
    %slice3A_1022 = vector.extract_strided_slice %slice3A_997 {offsets = [0, 1], sizes = [96, 111], strides = [1, 1]} : vector<96x112xf32> to vector<96x111xf32>
    %dot_general3A_1023 = arith.constant dense<0.000000e+00> : vector<96x111xf32>
    %dot_general3A_1024 = tpu.matmul %get3A_1021, %slice3A_1022, %dot_general3A_1023 {dimension_numbers = #tpu.dot_dimension_numbers<[1], [0], [0], [1], [0, 0, 1, 1], [], []>, transpose_lhs_hint = false} : vector<96x96xf32>, vector<96x111xf32>, vector<96x111xf32> -> vector<96x111xf32>
    %add3A_1025 = arith.addf %add3A_1016, %dot_general3A_1024 : vector<96x111xf32>
    %swap3A_1026 = arith.constant 0 : index
    %swap3A_1027 = arith.constant 0 : index
    %swap3A_1028 = arith.constant 7 : index
    %swap3A_1029 = arith.constant 0 : index
    %swap3A_1030 = vector.load %arg5[%swap3A_1026, %swap3A_1027, %swap3A_1028, %swap3A_1029] : memref<1x96x16x111xf32, #tpu.memory_space<vmem>>, vector<1x96x1x111xf32>
    %swap3A_1031 = vector.shape_cast %swap3A_1030 : vector<1x96x1x111xf32> to vector<96x111xf32>
    %swap3A_1032 = vector.shape_cast %add3A_1025 : vector<96x111xf32> to vector<1x96x1x111xf32>
    tpu.vector_store %arg5[%swap3A_1026, %swap3A_1027, %swap3A_1028, %swap3A_1029], %swap3A_1032 {strides = array<i32>} : memref<1x96x16x111xf32, #tpu.memory_space<vmem>>, vector<1x96x1x111xf32>,
    %broadcast_in_dim3A_1033 = arith.constant 0.000000e+00 : f32
    %broadcast_in_dim3A_1034 = vector.broadcast %broadcast_in_dim3A_1033 : f32 to vector<96x111xf32>
    %slice3A_1035 = vector.extract_strided_slice %dot_general3A_140 {offsets = [0, 0], sizes = [96, 112], strides = [1, 1]} : vector<96x224xf32> to vector<96x112xf32>
    %slice3A_1036 = vector.extract_strided_slice %dot_general3A_140 {offsets = [0, 112], sizes = [96, 112], strides = [1, 1]} : vector<96x224xf32> to vector<96x112xf32>
    %get3A_1037 = arith.constant 0 : index
    %get3A_1038 = arith.constant 0 : index
    %get3A_1039 = arith.constant 0 : index
    %get3A_1040 = vector.load %arg2[%get3A_1037, %get3A_1038, %get3A_1039] : memref<9x96x96xf32, #tpu.memory_space<vmem>>, vector<1x96x96xf32>
    %get3A_1041 = vector.shape_cast %get3A_1040 : vector<1x96x96xf32> to vector<96x96xf32>
    %slice3A_1042 = vector.extract_strided_slice %slice3A_1035 {offsets = [0, 0], sizes = [96, 111], strides = [1, 1]} : vector<96x112xf32> to vector<96x111xf32>
    %dot_general3A_1043 = arith.constant dense<0.000000e+00> : vector<96x111xf32>
    %dot_general3A_1044 = tpu.matmul %get3A_1041, %slice3A_1042, %dot_general3A_1043 {dimension_numbers = #tpu.dot_dimension_numbers<[1], [0], [0], [1], [0, 0, 1, 1], [], []>, transpose_lhs_hint = false} : vector<96x96xf32>, vector<96x111xf32>, vector<96x111xf32> -> vector<96x111xf32>
    %add3A_1045 = arith.addf %broadcast_in_dim3A_1034, %dot_general3A_1044 : vector<96x111xf32>
    %get3A_1046 = arith.constant 3 : index
    %get3A_1047 = arith.constant 0 : index
    %get3A_1048 = arith.constant 0 : index
    %get3A_1049 = vector.load %arg2[%get3A_1046, %get3A_1047, %get3A_1048] : memref<9x96x96xf32, #tpu.memory_space<vmem>>, vector<1x96x96xf32>
    %get3A_1050 = vector.shape_cast %get3A_1049 : vector<1x96x96xf32> to vector<96x96xf32>
    %slice3A_1051 = vector.extract_strided_slice %slice3A_1036 {offsets = [0, 0], sizes = [96, 111], strides = [1, 1]} : vector<96x112xf32> to vector<96x111xf32>
    %dot_general3A_1052 = arith.constant dense<0.000000e+00> : vector<96x111xf32>
    %dot_general3A_1053 = tpu.matmul %get3A_1050, %slice3A_1051, %dot_general3A_1052 {dimension_numbers = #tpu.dot_dimension_numbers<[1], [0], [0], [1], [0, 0, 1, 1], [], []>, transpose_lhs_hint = false} : vector<96x96xf32>, vector<96x111xf32>, vector<96x111xf32> -> vector<96x111xf32>
    %add3A_1054 = arith.addf %add3A_1045, %dot_general3A_1053 : vector<96x111xf32>
    %get3A_1055 = arith.constant 6 : index
    %get3A_1056 = arith.constant 0 : index
    %get3A_1057 = arith.constant 0 : index
    %get3A_1058 = vector.load %arg2[%get3A_1055, %get3A_1056, %get3A_1057] : memref<9x96x96xf32, #tpu.memory_space<vmem>>, vector<1x96x96xf32>
    %get3A_1059 = vector.shape_cast %get3A_1058 : vector<1x96x96xf32> to vector<96x96xf32>
    %slice3A_1060 = vector.extract_strided_slice %slice3A_1035 {offsets = [0, 1], sizes = [96, 111], strides = [1, 1]} : vector<96x112xf32> to vector<96x111xf32>
    %dot_general3A_1061 = arith.constant dense<0.000000e+00> : vector<96x111xf32>
    %dot_general3A_1062 = tpu.matmul %get3A_1059, %slice3A_1060, %dot_general3A_1061 {dimension_numbers = #tpu.dot_dimension_numbers<[1], [0], [0], [1], [0, 0, 1, 1], [], []>, transpose_lhs_hint = false} : vector<96x96xf32>, vector<96x111xf32>, vector<96x111xf32> -> vector<96x111xf32>
    %add3A_1063 = arith.addf %add3A_1054, %dot_general3A_1062 : vector<96x111xf32>
    %slice3A_1064 = vector.extract_strided_slice %dot_general3A_148 {offsets = [0, 0], sizes = [96, 112], strides = [1, 1]} : vector<96x224xf32> to vector<96x112xf32>
    %slice3A_1065 = vector.extract_strided_slice %dot_general3A_148 {offsets = [0, 112], sizes = [96, 112], strides = [1, 1]} : vector<96x224xf32> to vector<96x112xf32>
    %get3A_1066 = arith.constant 1 : index
    %get3A_1067 = arith.constant 0 : index
    %get3A_1068 = arith.constant 0 : index
    %get3A_1069 = vector.load %arg2[%get3A_1066, %get3A_1067, %get3A_1068] : memref<9x96x96xf32, #tpu.memory_space<vmem>>, vector<1x96x96xf32>
    %get3A_1070 = vector.shape_cast %get3A_1069 : vector<1x96x96xf32> to vector<96x96xf32>
    %slice3A_1071 = vector.extract_strided_slice %slice3A_1064 {offsets = [0, 0], sizes = [96, 111], strides = [1, 1]} : vector<96x112xf32> to vector<96x111xf32>
    %dot_general3A_1072 = arith.constant dense<0.000000e+00> : vector<96x111xf32>
    %dot_general3A_1073 = tpu.matmul %get3A_1070, %slice3A_1071, %dot_general3A_1072 {dimension_numbers = #tpu.dot_dimension_numbers<[1], [0], [0], [1], [0, 0, 1, 1], [], []>, transpose_lhs_hint = false} : vector<96x96xf32>, vector<96x111xf32>, vector<96x111xf32> -> vector<96x111xf32>
    %add3A_1074 = arith.addf %add3A_1063, %dot_general3A_1073 : vector<96x111xf32>
    %get3A_1075 = arith.constant 4 : index
    %get3A_1076 = arith.constant 0 : index
    %get3A_1077 = arith.constant 0 : index
    %get3A_1078 = vector.load %arg2[%get3A_1075, %get3A_1076, %get3A_1077] : memref<9x96x96xf32, #tpu.memory_space<vmem>>, vector<1x96x96xf32>
    %get3A_1079 = vector.shape_cast %get3A_1078 : vector<1x96x96xf32> to vector<96x96xf32>
    %slice3A_1080 = vector.extract_strided_slice %slice3A_1065 {offsets = [0, 0], sizes = [96, 111], strides = [1, 1]} : vector<96x112xf32> to vector<96x111xf32>
    %dot_general3A_1081 = arith.constant dense<0.000000e+00> : vector<96x111xf32>
    %dot_general3A_1082 = tpu.matmul %get3A_1079, %slice3A_1080, %dot_general3A_1081 {dimension_numbers = #tpu.dot_dimension_numbers<[1], [0], [0], [1], [0, 0, 1, 1], [], []>, transpose_lhs_hint = false} : vector<96x96xf32>, vector<96x111xf32>, vector<96x111xf32> -> vector<96x111xf32>
    %add3A_1083 = arith.addf %add3A_1074, %dot_general3A_1082 : vector<96x111xf32>
    %get3A_1084 = arith.constant 7 : index
    %get3A_1085 = arith.constant 0 : index
    %get3A_1086 = arith.constant 0 : index
    %get3A_1087 = vector.load %arg2[%get3A_1084, %get3A_1085, %get3A_1086] : memref<9x96x96xf32, #tpu.memory_space<vmem>>, vector<1x96x96xf32>
    %get3A_1088 = vector.shape_cast %get3A_1087 : vector<1x96x96xf32> to vector<96x96xf32>
    %slice3A_1089 = vector.extract_strided_slice %slice3A_1064 {offsets = [0, 1], sizes = [96, 111], strides = [1, 1]} : vector<96x112xf32> to vector<96x111xf32>
    %dot_general3A_1090 = arith.constant dense<0.000000e+00> : vector<96x111xf32>
    %dot_general3A_1091 = tpu.matmul %get3A_1088, %slice3A_1089, %dot_general3A_1090 {dimension_numbers = #tpu.dot_dimension_numbers<[1], [0], [0], [1], [0, 0, 1, 1], [], []>, transpose_lhs_hint = false} : vector<96x96xf32>, vector<96x111xf32>, vector<96x111xf32> -> vector<96x111xf32>
    %add3A_1092 = arith.addf %add3A_1083, %dot_general3A_1091 : vector<96x111xf32>
    %slice3A_1093 = vector.extract_strided_slice %dot_general3A_156 {offsets = [0, 0], sizes = [96, 112], strides = [1, 1]} : vector<96x224xf32> to vector<96x112xf32>
    %slice3A_1094 = vector.extract_strided_slice %dot_general3A_156 {offsets = [0, 112], sizes = [96, 112], strides = [1, 1]} : vector<96x224xf32> to vector<96x112xf32>
    %get3A_1095 = arith.constant 2 : index
    %get3A_1096 = arith.constant 0 : index
    %get3A_1097 = arith.constant 0 : index
    %get3A_1098 = vector.load %arg2[%get3A_1095, %get3A_1096, %get3A_1097] : memref<9x96x96xf32, #tpu.memory_space<vmem>>, vector<1x96x96xf32>
    %get3A_1099 = vector.shape_cast %get3A_1098 : vector<1x96x96xf32> to vector<96x96xf32>
    %slice3A_1100 = vector.extract_strided_slice %slice3A_1093 {offsets = [0, 0], sizes = [96, 111], strides = [1, 1]} : vector<96x112xf32> to vector<96x111xf32>
    %dot_general3A_1101 = arith.constant dense<0.000000e+00> : vector<96x111xf32>
    %dot_general3A_1102 = tpu.matmul %get3A_1099, %slice3A_1100, %dot_general3A_1101 {dimension_numbers = #tpu.dot_dimension_numbers<[1], [0], [0], [1], [0, 0, 1, 1], [], []>, transpose_lhs_hint = false} : vector<96x96xf32>, vector<96x111xf32>, vector<96x111xf32> -> vector<96x111xf32>
    %add3A_1103 = arith.addf %add3A_1092, %dot_general3A_1102 : vector<96x111xf32>
    %get3A_1104 = arith.constant 5 : index
    %get3A_1105 = arith.constant 0 : index
    %get3A_1106 = arith.constant 0 : index
    %get3A_1107 = vector.load %arg2[%get3A_1104, %get3A_1105, %get3A_1106] : memref<9x96x96xf32, #tpu.memory_space<vmem>>, vector<1x96x96xf32>
    %get3A_1108 = vector.shape_cast %get3A_1107 : vector<1x96x96xf32> to vector<96x96xf32>
    %slice3A_1109 = vector.extract_strided_slice %slice3A_1094 {offsets = [0, 0], sizes = [96, 111], strides = [1, 1]} : vector<96x112xf32> to vector<96x111xf32>
    %dot_general3A_1110 = arith.constant dense<0.000000e+00> : vector<96x111xf32>
    %dot_general3A_1111 = tpu.matmul %get3A_1108, %slice3A_1109, %dot_general3A_1110 {dimension_numbers = #tpu.dot_dimension_numbers<[1], [0], [0], [1], [0, 0, 1, 1], [], []>, transpose_lhs_hint = false} : vector<96x96xf32>, vector<96x111xf32>, vector<96x111xf32> -> vector<96x111xf32>
    %add3A_1112 = arith.addf %add3A_1103, %dot_general3A_1111 : vector<96x111xf32>
    %get3A_1113 = arith.constant 8 : index
    %get3A_1114 = arith.constant 0 : index
    %get3A_1115 = arith.constant 0 : index
    %get3A_1116 = vector.load %arg2[%get3A_1113, %get3A_1114, %get3A_1115] : memref<9x96x96xf32, #tpu.memory_space<vmem>>, vector<1x96x96xf32>
    %get3A_1117 = vector.shape_cast %get3A_1116 : vector<1x96x96xf32> to vector<96x96xf32>
    %slice3A_1118 = vector.extract_strided_slice %slice3A_1093 {offsets = [0, 1], sizes = [96, 111], strides = [1, 1]} : vector<96x112xf32> to vector<96x111xf32>
    %dot_general3A_1119 = arith.constant dense<0.000000e+00> : vector<96x111xf32>
    %dot_general3A_1120 = tpu.matmul %get3A_1117, %slice3A_1118, %dot_general3A_1119 {dimension_numbers = #tpu.dot_dimension_numbers<[1], [0], [0], [1], [0, 0, 1, 1], [], []>, transpose_lhs_hint = false} : vector<96x96xf32>, vector<96x111xf32>, vector<96x111xf32> -> vector<96x111xf32>
    %add3A_1121 = arith.addf %add3A_1112, %dot_general3A_1120 : vector<96x111xf32>
    %swap3A_1122 = arith.constant 0 : index
    %swap3A_1123 = arith.constant 0 : index
    %swap3A_1124 = arith.constant 8 : index
    %swap3A_1125 = arith.constant 0 : index
    %swap3A_1126 = vector.load %arg5[%swap3A_1122, %swap3A_1123, %swap3A_1124, %swap3A_1125] : memref<1x96x16x111xf32, #tpu.memory_space<vmem>>, vector<1x96x1x111xf32>
    %swap3A_1127 = vector.shape_cast %swap3A_1126 : vector<1x96x1x111xf32> to vector<96x111xf32>
    %swap3A_1128 = vector.shape_cast %add3A_1121 : vector<96x111xf32> to vector<1x96x1x111xf32>
    tpu.vector_store %arg5[%swap3A_1122, %swap3A_1123, %swap3A_1124, %swap3A_1125], %swap3A_1128 {strides = array<i32>} : memref<1x96x16x111xf32, #tpu.memory_space<vmem>>, vector<1x96x1x111xf32>,
    %broadcast_in_dim3A_1129 = arith.constant 0.000000e+00 : f32
    %broadcast_in_dim3A_1130 = vector.broadcast %broadcast_in_dim3A_1129 : f32 to vector<96x111xf32>
    %slice3A_1131 = vector.extract_strided_slice %dot_general3A_156 {offsets = [0, 0], sizes = [96, 112], strides = [1, 1]} : vector<96x224xf32> to vector<96x112xf32>
    %slice3A_1132 = vector.extract_strided_slice %dot_general3A_156 {offsets = [0, 112], sizes = [96, 112], strides = [1, 1]} : vector<96x224xf32> to vector<96x112xf32>
    %get3A_1133 = arith.constant 0 : index
    %get3A_1134 = arith.constant 0 : index
    %get3A_1135 = arith.constant 0 : index
    %get3A_1136 = vector.load %arg2[%get3A_1133, %get3A_1134, %get3A_1135] : memref<9x96x96xf32, #tpu.memory_space<vmem>>, vector<1x96x96xf32>
    %get3A_1137 = vector.shape_cast %get3A_1136 : vector<1x96x96xf32> to vector<96x96xf32>
    %slice3A_1138 = vector.extract_strided_slice %slice3A_1131 {offsets = [0, 0], sizes = [96, 111], strides = [1, 1]} : vector<96x112xf32> to vector<96x111xf32>
    %dot_general3A_1139 = arith.constant dense<0.000000e+00> : vector<96x111xf32>
    %dot_general3A_1140 = tpu.matmul %get3A_1137, %slice3A_1138, %dot_general3A_1139 {dimension_numbers = #tpu.dot_dimension_numbers<[1], [0], [0], [1], [0, 0, 1, 1], [], []>, transpose_lhs_hint = false} : vector<96x96xf32>, vector<96x111xf32>, vector<96x111xf32> -> vector<96x111xf32>
    %add3A_1141 = arith.addf %broadcast_in_dim3A_1130, %dot_general3A_1140 : vector<96x111xf32>
    %get3A_1142 = arith.constant 3 : index
    %get3A_1143 = arith.constant 0 : index
    %get3A_1144 = arith.constant 0 : index
    %get3A_1145 = vector.load %arg2[%get3A_1142, %get3A_1143, %get3A_1144] : memref<9x96x96xf32, #tpu.memory_space<vmem>>, vector<1x96x96xf32>
    %get3A_1146 = vector.shape_cast %get3A_1145 : vector<1x96x96xf32> to vector<96x96xf32>
    %slice3A_1147 = vector.extract_strided_slice %slice3A_1132 {offsets = [0, 0], sizes = [96, 111], strides = [1, 1]} : vector<96x112xf32> to vector<96x111xf32>
    %dot_general3A_1148 = arith.constant dense<0.000000e+00> : vector<96x111xf32>
    %dot_general3A_1149 = tpu.matmul %get3A_1146, %slice3A_1147, %dot_general3A_1148 {dimension_numbers = #tpu.dot_dimension_numbers<[1], [0], [0], [1], [0, 0, 1, 1], [], []>, transpose_lhs_hint = false} : vector<96x96xf32>, vector<96x111xf32>, vector<96x111xf32> -> vector<96x111xf32>
    %add3A_1150 = arith.addf %add3A_1141, %dot_general3A_1149 : vector<96x111xf32>
    %get3A_1151 = arith.constant 6 : index
    %get3A_1152 = arith.constant 0 : index
    %get3A_1153 = arith.constant 0 : index
    %get3A_1154 = vector.load %arg2[%get3A_1151, %get3A_1152, %get3A_1153] : memref<9x96x96xf32, #tpu.memory_space<vmem>>, vector<1x96x96xf32>
    %get3A_1155 = vector.shape_cast %get3A_1154 : vector<1x96x96xf32> to vector<96x96xf32>
    %slice3A_1156 = vector.extract_strided_slice %slice3A_1131 {offsets = [0, 1], sizes = [96, 111], strides = [1, 1]} : vector<96x112xf32> to vector<96x111xf32>
    %dot_general3A_1157 = arith.constant dense<0.000000e+00> : vector<96x111xf32>
    %dot_general3A_1158 = tpu.matmul %get3A_1155, %slice3A_1156, %dot_general3A_1157 {dimension_numbers = #tpu.dot_dimension_numbers<[1], [0], [0], [1], [0, 0, 1, 1], [], []>, transpose_lhs_hint = false} : vector<96x96xf32>, vector<96x111xf32>, vector<96x111xf32> -> vector<96x111xf32>
    %add3A_1159 = arith.addf %add3A_1150, %dot_general3A_1158 : vector<96x111xf32>
    %slice3A_1160 = vector.extract_strided_slice %dot_general3A_164 {offsets = [0, 0], sizes = [96, 112], strides = [1, 1]} : vector<96x224xf32> to vector<96x112xf32>
    %slice3A_1161 = vector.extract_strided_slice %dot_general3A_164 {offsets = [0, 112], sizes = [96, 112], strides = [1, 1]} : vector<96x224xf32> to vector<96x112xf32>
    %get3A_1162 = arith.constant 1 : index
    %get3A_1163 = arith.constant 0 : index
    %get3A_1164 = arith.constant 0 : index
    %get3A_1165 = vector.load %arg2[%get3A_1162, %get3A_1163, %get3A_1164] : memref<9x96x96xf32, #tpu.memory_space<vmem>>, vector<1x96x96xf32>
    %get3A_1166 = vector.shape_cast %get3A_1165 : vector<1x96x96xf32> to vector<96x96xf32>
    %slice3A_1167 = vector.extract_strided_slice %slice3A_1160 {offsets = [0, 0], sizes = [96, 111], strides = [1, 1]} : vector<96x112xf32> to vector<96x111xf32>
    %dot_general3A_1168 = arith.constant dense<0.000000e+00> : vector<96x111xf32>
    %dot_general3A_1169 = tpu.matmul %get3A_1166, %slice3A_1167, %dot_general3A_1168 {dimension_numbers = #tpu.dot_dimension_numbers<[1], [0], [0], [1], [0, 0, 1, 1], [], []>, transpose_lhs_hint = false} : vector<96x96xf32>, vector<96x111xf32>, vector<96x111xf32> -> vector<96x111xf32>
    %add3A_1170 = arith.addf %add3A_1159, %dot_general3A_1169 : vector<96x111xf32>
    %get3A_1171 = arith.constant 4 : index
    %get3A_1172 = arith.constant 0 : index
    %get3A_1173 = arith.constant 0 : index
    %get3A_1174 = vector.load %arg2[%get3A_1171, %get3A_1172, %get3A_1173] : memref<9x96x96xf32, #tpu.memory_space<vmem>>, vector<1x96x96xf32>
    %get3A_1175 = vector.shape_cast %get3A_1174 : vector<1x96x96xf32> to vector<96x96xf32>
    %slice3A_1176 = vector.extract_strided_slice %slice3A_1161 {offsets = [0, 0], sizes = [96, 111], strides = [1, 1]} : vector<96x112xf32> to vector<96x111xf32>
    %dot_general3A_1177 = arith.constant dense<0.000000e+00> : vector<96x111xf32>
    %dot_general3A_1178 = tpu.matmul %get3A_1175, %slice3A_1176, %dot_general3A_1177 {dimension_numbers = #tpu.dot_dimension_numbers<[1], [0], [0], [1], [0, 0, 1, 1], [], []>, transpose_lhs_hint = false} : vector<96x96xf32>, vector<96x111xf32>, vector<96x111xf32> -> vector<96x111xf32>
    %add3A_1179 = arith.addf %add3A_1170, %dot_general3A_1178 : vector<96x111xf32>
    %get3A_1180 = arith.constant 7 : index
    %get3A_1181 = arith.constant 0 : index
    %get3A_1182 = arith.constant 0 : index
    %get3A_1183 = vector.load %arg2[%get3A_1180, %get3A_1181, %get3A_1182] : memref<9x96x96xf32, #tpu.memory_space<vmem>>, vector<1x96x96xf32>
    %get3A_1184 = vector.shape_cast %get3A_1183 : vector<1x96x96xf32> to vector<96x96xf32>
    %slice3A_1185 = vector.extract_strided_slice %slice3A_1160 {offsets = [0, 1], sizes = [96, 111], strides = [1, 1]} : vector<96x112xf32> to vector<96x111xf32>
    %dot_general3A_1186 = arith.constant dense<0.000000e+00> : vector<96x111xf32>
    %dot_general3A_1187 = tpu.matmul %get3A_1184, %slice3A_1185, %dot_general3A_1186 {dimension_numbers = #tpu.dot_dimension_numbers<[1], [0], [0], [1], [0, 0, 1, 1], [], []>, transpose_lhs_hint = false} : vector<96x96xf32>, vector<96x111xf32>, vector<96x111xf32> -> vector<96x111xf32>
    %add3A_1188 = arith.addf %add3A_1179, %dot_general3A_1187 : vector<96x111xf32>
    %slice3A_1189 = vector.extract_strided_slice %dot_general3A_172 {offsets = [0, 0], sizes = [96, 112], strides = [1, 1]} : vector<96x224xf32> to vector<96x112xf32>
    %slice3A_1190 = vector.extract_strided_slice %dot_general3A_172 {offsets = [0, 112], sizes = [96, 112], strides = [1, 1]} : vector<96x224xf32> to vector<96x112xf32>
    %get3A_1191 = arith.constant 2 : index
    %get3A_1192 = arith.constant 0 : index
    %get3A_1193 = arith.constant 0 : index
    %get3A_1194 = vector.load %arg2[%get3A_1191, %get3A_1192, %get3A_1193] : memref<9x96x96xf32, #tpu.memory_space<vmem>>, vector<1x96x96xf32>
    %get3A_1195 = vector.shape_cast %get3A_1194 : vector<1x96x96xf32> to vector<96x96xf32>
    %slice3A_1196 = vector.extract_strided_slice %slice3A_1189 {offsets = [0, 0], sizes = [96, 111], strides = [1, 1]} : vector<96x112xf32> to vector<96x111xf32>
    %dot_general3A_1197 = arith.constant dense<0.000000e+00> : vector<96x111xf32>
    %dot_general3A_1198 = tpu.matmul %get3A_1195, %slice3A_1196, %dot_general3A_1197 {dimension_numbers = #tpu.dot_dimension_numbers<[1], [0], [0], [1], [0, 0, 1, 1], [], []>, transpose_lhs_hint = false} : vector<96x96xf32>, vector<96x111xf32>, vector<96x111xf32> -> vector<96x111xf32>
    %add3A_1199 = arith.addf %add3A_1188, %dot_general3A_1198 : vector<96x111xf32>
    %get3A_1200 = arith.constant 5 : index
    %get3A_1201 = arith.constant 0 : index
    %get3A_1202 = arith.constant 0 : index
    %get3A_1203 = vector.load %arg2[%get3A_1200, %get3A_1201, %get3A_1202] : memref<9x96x96xf32, #tpu.memory_space<vmem>>, vector<1x96x96xf32>
    %get3A_1204 = vector.shape_cast %get3A_1203 : vector<1x96x96xf32> to vector<96x96xf32>
    %slice3A_1205 = vector.extract_strided_slice %slice3A_1190 {offsets = [0, 0], sizes = [96, 111], strides = [1, 1]} : vector<96x112xf32> to vector<96x111xf32>
    %dot_general3A_1206 = arith.constant dense<0.000000e+00> : vector<96x111xf32>
    %dot_general3A_1207 = tpu.matmul %get3A_1204, %slice3A_1205, %dot_general3A_1206 {dimension_numbers = #tpu.dot_dimension_numbers<[1], [0], [0], [1], [0, 0, 1, 1], [], []>, transpose_lhs_hint = false} : vector<96x96xf32>, vector<96x111xf32>, vector<96x111xf32> -> vector<96x111xf32>
    %add3A_1208 = arith.addf %add3A_1199, %dot_general3A_1207 : vector<96x111xf32>
    %get3A_1209 = arith.constant 8 : index
    %get3A_1210 = arith.constant 0 : index
    %get3A_1211 = arith.constant 0 : index
    %get3A_1212 = vector.load %arg2[%get3A_1209, %get3A_1210, %get3A_1211] : memref<9x96x96xf32, #tpu.memory_space<vmem>>, vector<1x96x96xf32>
    %get3A_1213 = vector.shape_cast %get3A_1212 : vector<1x96x96xf32> to vector<96x96xf32>
    %slice3A_1214 = vector.extract_strided_slice %slice3A_1189 {offsets = [0, 1], sizes = [96, 111], strides = [1, 1]} : vector<96x112xf32> to vector<96x111xf32>
    %dot_general3A_1215 = arith.constant dense<0.000000e+00> : vector<96x111xf32>
    %dot_general3A_1216 = tpu.matmul %get3A_1213, %slice3A_1214, %dot_general3A_1215 {dimension_numbers = #tpu.dot_dimension_numbers<[1], [0], [0], [1], [0, 0, 1, 1], [], []>, transpose_lhs_hint = false} : vector<96x96xf32>, vector<96x111xf32>, vector<96x111xf32> -> vector<96x111xf32>
    %add3A_1217 = arith.addf %add3A_1208, %dot_general3A_1216 : vector<96x111xf32>
    %swap3A_1218 = arith.constant 0 : index
    %swap3A_1219 = arith.constant 0 : index
    %swap3A_1220 = arith.constant 9 : index
    %swap3A_1221 = arith.constant 0 : index
    %swap3A_1222 = vector.load %arg5[%swap3A_1218, %swap3A_1219, %swap3A_1220, %swap3A_1221] : memref<1x96x16x111xf32, #tpu.memory_space<vmem>>, vector<1x96x1x111xf32>
    %swap3A_1223 = vector.shape_cast %swap3A_1222 : vector<1x96x1x111xf32> to vector<96x111xf32>
    %swap3A_1224 = vector.shape_cast %add3A_1217 : vector<96x111xf32> to vector<1x96x1x111xf32>
    tpu.vector_store %arg5[%swap3A_1218, %swap3A_1219, %swap3A_1220, %swap3A_1221], %swap3A_1224 {strides = array<i32>} : memref<1x96x16x111xf32, #tpu.memory_space<vmem>>, vector<1x96x1x111xf32>,
    %broadcast_in_dim3A_1225 = arith.constant 0.000000e+00 : f32
    %broadcast_in_dim3A_1226 = vector.broadcast %broadcast_in_dim3A_1225 : f32 to vector<96x111xf32>
    %slice3A_1227 = vector.extract_strided_slice %dot_general3A_172 {offsets = [0, 0], sizes = [96, 112], strides = [1, 1]} : vector<96x224xf32> to vector<96x112xf32>
    %slice3A_1228 = vector.extract_strided_slice %dot_general3A_172 {offsets = [0, 112], sizes = [96, 112], strides = [1, 1]} : vector<96x224xf32> to vector<96x112xf32>
    %get3A_1229 = arith.constant 0 : index
    %get3A_1230 = arith.constant 0 : index
    %get3A_1231 = arith.constant 0 : index
    %get3A_1232 = vector.load %arg2[%get3A_1229, %get3A_1230, %get3A_1231] : memref<9x96x96xf32, #tpu.memory_space<vmem>>, vector<1x96x96xf32>
    %get3A_1233 = vector.shape_cast %get3A_1232 : vector<1x96x96xf32> to vector<96x96xf32>
    %slice3A_1234 = vector.extract_strided_slice %slice3A_1227 {offsets = [0, 0], sizes = [96, 111], strides = [1, 1]} : vector<96x112xf32> to vector<96x111xf32>
    %dot_general3A_1235 = arith.constant dense<0.000000e+00> : vector<96x111xf32>
    %dot_general3A_1236 = tpu.matmul %get3A_1233, %slice3A_1234, %dot_general3A_1235 {dimension_numbers = #tpu.dot_dimension_numbers<[1], [0], [0], [1], [0, 0, 1, 1], [], []>, transpose_lhs_hint = false} : vector<96x96xf32>, vector<96x111xf32>, vector<96x111xf32> -> vector<96x111xf32>
    %add3A_1237 = arith.addf %broadcast_in_dim3A_1226, %dot_general3A_1236 : vector<96x111xf32>
    %get3A_1238 = arith.constant 3 : index
    %get3A_1239 = arith.constant 0 : index
    %get3A_1240 = arith.constant 0 : index
    %get3A_1241 = vector.load %arg2[%get3A_1238, %get3A_1239, %get3A_1240] : memref<9x96x96xf32, #tpu.memory_space<vmem>>, vector<1x96x96xf32>
    %get3A_1242 = vector.shape_cast %get3A_1241 : vector<1x96x96xf32> to vector<96x96xf32>
    %slice3A_1243 = vector.extract_strided_slice %slice3A_1228 {offsets = [0, 0], sizes = [96, 111], strides = [1, 1]} : vector<96x112xf32> to vector<96x111xf32>
    %dot_general3A_1244 = arith.constant dense<0.000000e+00> : vector<96x111xf32>
    %dot_general3A_1245 = tpu.matmul %get3A_1242, %slice3A_1243, %dot_general3A_1244 {dimension_numbers = #tpu.dot_dimension_numbers<[1], [0], [0], [1], [0, 0, 1, 1], [], []>, transpose_lhs_hint = false} : vector<96x96xf32>, vector<96x111xf32>, vector<96x111xf32> -> vector<96x111xf32>
    %add3A_1246 = arith.addf %add3A_1237, %dot_general3A_1245 : vector<96x111xf32>
    %get3A_1247 = arith.constant 6 : index
    %get3A_1248 = arith.constant 0 : index
    %get3A_1249 = arith.constant 0 : index
    %get3A_1250 = vector.load %arg2[%get3A_1247, %get3A_1248, %get3A_1249] : memref<9x96x96xf32, #tpu.memory_space<vmem>>, vector<1x96x96xf32>
    %get3A_1251 = vector.shape_cast %get3A_1250 : vector<1x96x96xf32> to vector<96x96xf32>
    %slice3A_1252 = vector.extract_strided_slice %slice3A_1227 {offsets = [0, 1], sizes = [96, 111], strides = [1, 1]} : vector<96x112xf32> to vector<96x111xf32>
    %dot_general3A_1253 = arith.constant dense<0.000000e+00> : vector<96x111xf32>
    %dot_general3A_1254 = tpu.matmul %get3A_1251, %slice3A_1252, %dot_general3A_1253 {dimension_numbers = #tpu.dot_dimension_numbers<[1], [0], [0], [1], [0, 0, 1, 1], [], []>, transpose_lhs_hint = false} : vector<96x96xf32>, vector<96x111xf32>, vector<96x111xf32> -> vector<96x111xf32>
    %add3A_1255 = arith.addf %add3A_1246, %dot_general3A_1254 : vector<96x111xf32>
    %slice3A_1256 = vector.extract_strided_slice %dot_general3A_180 {offsets = [0, 0], sizes = [96, 112], strides = [1, 1]} : vector<96x224xf32> to vector<96x112xf32>
    %slice3A_1257 = vector.extract_strided_slice %dot_general3A_180 {offsets = [0, 112], sizes = [96, 112], strides = [1, 1]} : vector<96x224xf32> to vector<96x112xf32>
    %get3A_1258 = arith.constant 1 : index
    %get3A_1259 = arith.constant 0 : index
    %get3A_1260 = arith.constant 0 : index
    %get3A_1261 = vector.load %arg2[%get3A_1258, %get3A_1259, %get3A_1260] : memref<9x96x96xf32, #tpu.memory_space<vmem>>, vector<1x96x96xf32>
    %get3A_1262 = vector.shape_cast %get3A_1261 : vector<1x96x96xf32> to vector<96x96xf32>
    %slice3A_1263 = vector.extract_strided_slice %slice3A_1256 {offsets = [0, 0], sizes = [96, 111], strides = [1, 1]} : vector<96x112xf32> to vector<96x111xf32>
    %dot_general3A_1264 = arith.constant dense<0.000000e+00> : vector<96x111xf32>
    %dot_general3A_1265 = tpu.matmul %get3A_1262, %slice3A_1263, %dot_general3A_1264 {dimension_numbers = #tpu.dot_dimension_numbers<[1], [0], [0], [1], [0, 0, 1, 1], [], []>, transpose_lhs_hint = false} : vector<96x96xf32>, vector<96x111xf32>, vector<96x111xf32> -> vector<96x111xf32>
    %add3A_1266 = arith.addf %add3A_1255, %dot_general3A_1265 : vector<96x111xf32>
    %get3A_1267 = arith.constant 4 : index
    %get3A_1268 = arith.constant 0 : index
    %get3A_1269 = arith.constant 0 : index
    %get3A_1270 = vector.load %arg2[%get3A_1267, %get3A_1268, %get3A_1269] : memref<9x96x96xf32, #tpu.memory_space<vmem>>, vector<1x96x96xf32>
    %get3A_1271 = vector.shape_cast %get3A_1270 : vector<1x96x96xf32> to vector<96x96xf32>
    %slice3A_1272 = vector.extract_strided_slice %slice3A_1257 {offsets = [0, 0], sizes = [96, 111], strides = [1, 1]} : vector<96x112xf32> to vector<96x111xf32>
    %dot_general3A_1273 = arith.constant dense<0.000000e+00> : vector<96x111xf32>
    %dot_general3A_1274 = tpu.matmul %get3A_1271, %slice3A_1272, %dot_general3A_1273 {dimension_numbers = #tpu.dot_dimension_numbers<[1], [0], [0], [1], [0, 0, 1, 1], [], []>, transpose_lhs_hint = false} : vector<96x96xf32>, vector<96x111xf32>, vector<96x111xf32> -> vector<96x111xf32>
    %add3A_1275 = arith.addf %add3A_1266, %dot_general3A_1274 : vector<96x111xf32>
    %get3A_1276 = arith.constant 7 : index
    %get3A_1277 = arith.constant 0 : index
    %get3A_1278 = arith.constant 0 : index
    %get3A_1279 = vector.load %arg2[%get3A_1276, %get3A_1277, %get3A_1278] : memref<9x96x96xf32, #tpu.memory_space<vmem>>, vector<1x96x96xf32>
    %get3A_1280 = vector.shape_cast %get3A_1279 : vector<1x96x96xf32> to vector<96x96xf32>
    %slice3A_1281 = vector.extract_strided_slice %slice3A_1256 {offsets = [0, 1], sizes = [96, 111], strides = [1, 1]} : vector<96x112xf32> to vector<96x111xf32>
    %dot_general3A_1282 = arith.constant dense<0.000000e+00> : vector<96x111xf32>
    %dot_general3A_1283 = tpu.matmul %get3A_1280, %slice3A_1281, %dot_general3A_1282 {dimension_numbers = #tpu.dot_dimension_numbers<[1], [0], [0], [1], [0, 0, 1, 1], [], []>, transpose_lhs_hint = false} : vector<96x96xf32>, vector<96x111xf32>, vector<96x111xf32> -> vector<96x111xf32>
    %add3A_1284 = arith.addf %add3A_1275, %dot_general3A_1283 : vector<96x111xf32>
    %slice3A_1285 = vector.extract_strided_slice %dot_general3A_188 {offsets = [0, 0], sizes = [96, 112], strides = [1, 1]} : vector<96x224xf32> to vector<96x112xf32>
    %slice3A_1286 = vector.extract_strided_slice %dot_general3A_188 {offsets = [0, 112], sizes = [96, 112], strides = [1, 1]} : vector<96x224xf32> to vector<96x112xf32>
    %get3A_1287 = arith.constant 2 : index
    %get3A_1288 = arith.constant 0 : index
    %get3A_1289 = arith.constant 0 : index
    %get3A_1290 = vector.load %arg2[%get3A_1287, %get3A_1288, %get3A_1289] : memref<9x96x96xf32, #tpu.memory_space<vmem>>, vector<1x96x96xf32>
    %get3A_1291 = vector.shape_cast %get3A_1290 : vector<1x96x96xf32> to vector<96x96xf32>
    %slice3A_1292 = vector.extract_strided_slice %slice3A_1285 {offsets = [0, 0], sizes = [96, 111], strides = [1, 1]} : vector<96x112xf32> to vector<96x111xf32>
    %dot_general3A_1293 = arith.constant dense<0.000000e+00> : vector<96x111xf32>
    %dot_general3A_1294 = tpu.matmul %get3A_1291, %slice3A_1292, %dot_general3A_1293 {dimension_numbers = #tpu.dot_dimension_numbers<[1], [0], [0], [1], [0, 0, 1, 1], [], []>, transpose_lhs_hint = false} : vector<96x96xf32>, vector<96x111xf32>, vector<96x111xf32> -> vector<96x111xf32>
    %add3A_1295 = arith.addf %add3A_1284, %dot_general3A_1294 : vector<96x111xf32>
    %get3A_1296 = arith.constant 5 : index
    %get3A_1297 = arith.constant 0 : index
    %get3A_1298 = arith.constant 0 : index
    %get3A_1299 = vector.load %arg2[%get3A_1296, %get3A_1297, %get3A_1298] : memref<9x96x96xf32, #tpu.memory_space<vmem>>, vector<1x96x96xf32>
    %get3A_1300 = vector.shape_cast %get3A_1299 : vector<1x96x96xf32> to vector<96x96xf32>
    %slice3A_1301 = vector.extract_strided_slice %slice3A_1286 {offsets = [0, 0], sizes = [96, 111], strides = [1, 1]} : vector<96x112xf32> to vector<96x111xf32>
    %dot_general3A_1302 = arith.constant dense<0.000000e+00> : vector<96x111xf32>
    %dot_general3A_1303 = tpu.matmul %get3A_1300, %slice3A_1301, %dot_general3A_1302 {dimension_numbers = #tpu.dot_dimension_numbers<[1], [0], [0], [1], [0, 0, 1, 1], [], []>, transpose_lhs_hint = false} : vector<96x96xf32>, vector<96x111xf32>, vector<96x111xf32> -> vector<96x111xf32>
    %add3A_1304 = arith.addf %add3A_1295, %dot_general3A_1303 : vector<96x111xf32>
    %get3A_1305 = arith.constant 8 : index
    %get3A_1306 = arith.constant 0 : index
    %get3A_1307 = arith.constant 0 : index
    %get3A_1308 = vector.load %arg2[%get3A_1305, %get3A_1306, %get3A_1307] : memref<9x96x96xf32, #tpu.memory_space<vmem>>, vector<1x96x96xf32>
    %get3A_1309 = vector.shape_cast %get3A_1308 : vector<1x96x96xf32> to vector<96x96xf32>
    %slice3A_1310 = vector.extract_strided_slice %slice3A_1285 {offsets = [0, 1], sizes = [96, 111], strides = [1, 1]} : vector<96x112xf32> to vector<96x111xf32>
    %dot_general3A_1311 = arith.constant dense<0.000000e+00> : vector<96x111xf32>
    %dot_general3A_1312 = tpu.matmul %get3A_1309, %slice3A_1310, %dot_general3A_1311 {dimension_numbers = #tpu.dot_dimension_numbers<[1], [0], [0], [1], [0, 0, 1, 1], [], []>, transpose_lhs_hint = false} : vector<96x96xf32>, vector<96x111xf32>, vector<96x111xf32> -> vector<96x111xf32>
    %add3A_1313 = arith.addf %add3A_1304, %dot_general3A_1312 : vector<96x111xf32>
    %swap3A_1314 = arith.constant 0 : index
    %swap3A_1315 = arith.constant 0 : index
    %swap3A_1316 = arith.constant 10 : index
    %swap3A_1317 = arith.constant 0 : index
    %swap3A_1318 = vector.load %arg5[%swap3A_1314, %swap3A_1315, %swap3A_1316, %swap3A_1317] : memref<1x96x16x111xf32, #tpu.memory_space<vmem>>, vector<1x96x1x111xf32>
    %swap3A_1319 = vector.shape_cast %swap3A_1318 : vector<1x96x1x111xf32> to vector<96x111xf32>
    %swap3A_1320 = vector.shape_cast %add3A_1313 : vector<96x111xf32> to vector<1x96x1x111xf32>
    tpu.vector_store %arg5[%swap3A_1314, %swap3A_1315, %swap3A_1316, %swap3A_1317], %swap3A_1320 {strides = array<i32>} : memref<1x96x16x111xf32, #tpu.memory_space<vmem>>, vector<1x96x1x111xf32>,
    %broadcast_in_dim3A_1321 = arith.constant 0.000000e+00 : f32
    %broadcast_in_dim3A_1322 = vector.broadcast %broadcast_in_dim3A_1321 : f32 to vector<96x111xf32>
    %slice3A_1323 = vector.extract_strided_slice %dot_general3A_188 {offsets = [0, 0], sizes = [96, 112], strides = [1, 1]} : vector<96x224xf32> to vector<96x112xf32>
    %slice3A_1324 = vector.extract_strided_slice %dot_general3A_188 {offsets = [0, 112], sizes = [96, 112], strides = [1, 1]} : vector<96x224xf32> to vector<96x112xf32>
    %get3A_1325 = arith.constant 0 : index
    %get3A_1326 = arith.constant 0 : index
    %get3A_1327 = arith.constant 0 : index
    %get3A_1328 = vector.load %arg2[%get3A_1325, %get3A_1326, %get3A_1327] : memref<9x96x96xf32, #tpu.memory_space<vmem>>, vector<1x96x96xf32>
    %get3A_1329 = vector.shape_cast %get3A_1328 : vector<1x96x96xf32> to vector<96x96xf32>
    %slice3A_1330 = vector.extract_strided_slice %slice3A_1323 {offsets = [0, 0], sizes = [96, 111], strides = [1, 1]} : vector<96x112xf32> to vector<96x111xf32>
    %dot_general3A_1331 = arith.constant dense<0.000000e+00> : vector<96x111xf32>
    %dot_general3A_1332 = tpu.matmul %get3A_1329, %slice3A_1330, %dot_general3A_1331 {dimension_numbers = #tpu.dot_dimension_numbers<[1], [0], [0], [1], [0, 0, 1, 1], [], []>, transpose_lhs_hint = false} : vector<96x96xf32>, vector<96x111xf32>, vector<96x111xf32> -> vector<96x111xf32>
    %add3A_1333 = arith.addf %broadcast_in_dim3A_1322, %dot_general3A_1332 : vector<96x111xf32>
    %get3A_1334 = arith.constant 3 : index
    %get3A_1335 = arith.constant 0 : index
    %get3A_1336 = arith.constant 0 : index
    %get3A_1337 = vector.load %arg2[%get3A_1334, %get3A_1335, %get3A_1336] : memref<9x96x96xf32, #tpu.memory_space<vmem>>, vector<1x96x96xf32>
    %get3A_1338 = vector.shape_cast %get3A_1337 : vector<1x96x96xf32> to vector<96x96xf32>
    %slice3A_1339 = vector.extract_strided_slice %slice3A_1324 {offsets = [0, 0], sizes = [96, 111], strides = [1, 1]} : vector<96x112xf32> to vector<96x111xf32>
    %dot_general3A_1340 = arith.constant dense<0.000000e+00> : vector<96x111xf32>
    %dot_general3A_1341 = tpu.matmul %get3A_1338, %slice3A_1339, %dot_general3A_1340 {dimension_numbers = #tpu.dot_dimension_numbers<[1], [0], [0], [1], [0, 0, 1, 1], [], []>, transpose_lhs_hint = false} : vector<96x96xf32>, vector<96x111xf32>, vector<96x111xf32> -> vector<96x111xf32>
    %add3A_1342 = arith.addf %add3A_1333, %dot_general3A_1341 : vector<96x111xf32>
    %get3A_1343 = arith.constant 6 : index
    %get3A_1344 = arith.constant 0 : index
    %get3A_1345 = arith.constant 0 : index
    %get3A_1346 = vector.load %arg2[%get3A_1343, %get3A_1344, %get3A_1345] : memref<9x96x96xf32, #tpu.memory_space<vmem>>, vector<1x96x96xf32>
    %get3A_1347 = vector.shape_cast %get3A_1346 : vector<1x96x96xf32> to vector<96x96xf32>
    %slice3A_1348 = vector.extract_strided_slice %slice3A_1323 {offsets = [0, 1], sizes = [96, 111], strides = [1, 1]} : vector<96x112xf32> to vector<96x111xf32>
    %dot_general3A_1349 = arith.constant dense<0.000000e+00> : vector<96x111xf32>
    %dot_general3A_1350 = tpu.matmul %get3A_1347, %slice3A_1348, %dot_general3A_1349 {dimension_numbers = #tpu.dot_dimension_numbers<[1], [0], [0], [1], [0, 0, 1, 1], [], []>, transpose_lhs_hint = false} : vector<96x96xf32>, vector<96x111xf32>, vector<96x111xf32> -> vector<96x111xf32>
    %add3A_1351 = arith.addf %add3A_1342, %dot_general3A_1350 : vector<96x111xf32>
    %slice3A_1352 = vector.extract_strided_slice %dot_general3A_196 {offsets = [0, 0], sizes = [96, 112], strides = [1, 1]} : vector<96x224xf32> to vector<96x112xf32>
    %slice3A_1353 = vector.extract_strided_slice %dot_general3A_196 {offsets = [0, 112], sizes = [96, 112], strides = [1, 1]} : vector<96x224xf32> to vector<96x112xf32>
    %get3A_1354 = arith.constant 1 : index
    %get3A_1355 = arith.constant 0 : index
    %get3A_1356 = arith.constant 0 : index
    %get3A_1357 = vector.load %arg2[%get3A_1354, %get3A_1355, %get3A_1356] : memref<9x96x96xf32, #tpu.memory_space<vmem>>, vector<1x96x96xf32>
    %get3A_1358 = vector.shape_cast %get3A_1357 : vector<1x96x96xf32> to vector<96x96xf32>
    %slice3A_1359 = vector.extract_strided_slice %slice3A_1352 {offsets = [0, 0], sizes = [96, 111], strides = [1, 1]} : vector<96x112xf32> to vector<96x111xf32>
    %dot_general3A_1360 = arith.constant dense<0.000000e+00> : vector<96x111xf32>
    %dot_general3A_1361 = tpu.matmul %get3A_1358, %slice3A_1359, %dot_general3A_1360 {dimension_numbers = #tpu.dot_dimension_numbers<[1], [0], [0], [1], [0, 0, 1, 1], [], []>, transpose_lhs_hint = false} : vector<96x96xf32>, vector<96x111xf32>, vector<96x111xf32> -> vector<96x111xf32>
    %add3A_1362 = arith.addf %add3A_1351, %dot_general3A_1361 : vector<96x111xf32>
    %get3A_1363 = arith.constant 4 : index
    %get3A_1364 = arith.constant 0 : index
    %get3A_1365 = arith.constant 0 : index
    %get3A_1366 = vector.load %arg2[%get3A_1363, %get3A_1364, %get3A_1365] : memref<9x96x96xf32, #tpu.memory_space<vmem>>, vector<1x96x96xf32>
    %get3A_1367 = vector.shape_cast %get3A_1366 : vector<1x96x96xf32> to vector<96x96xf32>
    %slice3A_1368 = vector.extract_strided_slice %slice3A_1353 {offsets = [0, 0], sizes = [96, 111], strides = [1, 1]} : vector<96x112xf32> to vector<96x111xf32>
    %dot_general3A_1369 = arith.constant dense<0.000000e+00> : vector<96x111xf32>
    %dot_general3A_1370 = tpu.matmul %get3A_1367, %slice3A_1368, %dot_general3A_1369 {dimension_numbers = #tpu.dot_dimension_numbers<[1], [0], [0], [1], [0, 0, 1, 1], [], []>, transpose_lhs_hint = false} : vector<96x96xf32>, vector<96x111xf32>, vector<96x111xf32> -> vector<96x111xf32>
    %add3A_1371 = arith.addf %add3A_1362, %dot_general3A_1370 : vector<96x111xf32>
    %get3A_1372 = arith.constant 7 : index
    %get3A_1373 = arith.constant 0 : index
    %get3A_1374 = arith.constant 0 : index
    %get3A_1375 = vector.load %arg2[%get3A_1372, %get3A_1373, %get3A_1374] : memref<9x96x96xf32, #tpu.memory_space<vmem>>, vector<1x96x96xf32>
    %get3A_1376 = vector.shape_cast %get3A_1375 : vector<1x96x96xf32> to vector<96x96xf32>
    %slice3A_1377 = vector.extract_strided_slice %slice3A_1352 {offsets = [0, 1], sizes = [96, 111], strides = [1, 1]} : vector<96x112xf32> to vector<96x111xf32>
    %dot_general3A_1378 = arith.constant dense<0.000000e+00> : vector<96x111xf32>
    %dot_general3A_1379 = tpu.matmul %get3A_1376, %slice3A_1377, %dot_general3A_1378 {dimension_numbers = #tpu.dot_dimension_numbers<[1], [0], [0], [1], [0, 0, 1, 1], [], []>, transpose_lhs_hint = false} : vector<96x96xf32>, vector<96x111xf32>, vector<96x111xf32> -> vector<96x111xf32>
    %add3A_1380 = arith.addf %add3A_1371, %dot_general3A_1379 : vector<96x111xf32>
    %slice3A_1381 = vector.extract_strided_slice %dot_general3A_204 {offsets = [0, 0], sizes = [96, 112], strides = [1, 1]} : vector<96x224xf32> to vector<96x112xf32>
    %slice3A_1382 = vector.extract_strided_slice %dot_general3A_204 {offsets = [0, 112], sizes = [96, 112], strides = [1, 1]} : vector<96x224xf32> to vector<96x112xf32>
    %get3A_1383 = arith.constant 2 : index
    %get3A_1384 = arith.constant 0 : index
    %get3A_1385 = arith.constant 0 : index
    %get3A_1386 = vector.load %arg2[%get3A_1383, %get3A_1384, %get3A_1385] : memref<9x96x96xf32, #tpu.memory_space<vmem>>, vector<1x96x96xf32>
    %get3A_1387 = vector.shape_cast %get3A_1386 : vector<1x96x96xf32> to vector<96x96xf32>
    %slice3A_1388 = vector.extract_strided_slice %slice3A_1381 {offsets = [0, 0], sizes = [96, 111], strides = [1, 1]} : vector<96x112xf32> to vector<96x111xf32>
    %dot_general3A_1389 = arith.constant dense<0.000000e+00> : vector<96x111xf32>
    %dot_general3A_1390 = tpu.matmul %get3A_1387, %slice3A_1388, %dot_general3A_1389 {dimension_numbers = #tpu.dot_dimension_numbers<[1], [0], [0], [1], [0, 0, 1, 1], [], []>, transpose_lhs_hint = false} : vector<96x96xf32>, vector<96x111xf32>, vector<96x111xf32> -> vector<96x111xf32>
    %add3A_1391 = arith.addf %add3A_1380, %dot_general3A_1390 : vector<96x111xf32>
    %get3A_1392 = arith.constant 5 : index
    %get3A_1393 = arith.constant 0 : index
    %get3A_1394 = arith.constant 0 : index
    %get3A_1395 = vector.load %arg2[%get3A_1392, %get3A_1393, %get3A_1394] : memref<9x96x96xf32, #tpu.memory_space<vmem>>, vector<1x96x96xf32>
    %get3A_1396 = vector.shape_cast %get3A_1395 : vector<1x96x96xf32> to vector<96x96xf32>
    %slice3A_1397 = vector.extract_strided_slice %slice3A_1382 {offsets = [0, 0], sizes = [96, 111], strides = [1, 1]} : vector<96x112xf32> to vector<96x111xf32>
    %dot_general3A_1398 = arith.constant dense<0.000000e+00> : vector<96x111xf32>
    %dot_general3A_1399 = tpu.matmul %get3A_1396, %slice3A_1397, %dot_general3A_1398 {dimension_numbers = #tpu.dot_dimension_numbers<[1], [0], [0], [1], [0, 0, 1, 1], [], []>, transpose_lhs_hint = false} : vector<96x96xf32>, vector<96x111xf32>, vector<96x111xf32> -> vector<96x111xf32>
    %add3A_1400 = arith.addf %add3A_1391, %dot_general3A_1399 : vector<96x111xf32>
    %get3A_1401 = arith.constant 8 : index
    %get3A_1402 = arith.constant 0 : index
    %get3A_1403 = arith.constant 0 : index
    %get3A_1404 = vector.load %arg2[%get3A_1401, %get3A_1402, %get3A_1403] : memref<9x96x96xf32, #tpu.memory_space<vmem>>, vector<1x96x96xf32>
    %get3A_1405 = vector.shape_cast %get3A_1404 : vector<1x96x96xf32> to vector<96x96xf32>
    %slice3A_1406 = vector.extract_strided_slice %slice3A_1381 {offsets = [0, 1], sizes = [96, 111], strides = [1, 1]} : vector<96x112xf32> to vector<96x111xf32>
    %dot_general3A_1407 = arith.constant dense<0.000000e+00> : vector<96x111xf32>
    %dot_general3A_1408 = tpu.matmul %get3A_1405, %slice3A_1406, %dot_general3A_1407 {dimension_numbers = #tpu.dot_dimension_numbers<[1], [0], [0], [1], [0, 0, 1, 1], [], []>, transpose_lhs_hint = false} : vector<96x96xf32>, vector<96x111xf32>, vector<96x111xf32> -> vector<96x111xf32>
    %add3A_1409 = arith.addf %add3A_1400, %dot_general3A_1408 : vector<96x111xf32>
    %swap3A_1410 = arith.constant 0 : index
    %swap3A_1411 = arith.constant 0 : index
    %swap3A_1412 = arith.constant 11 : index
    %swap3A_1413 = arith.constant 0 : index
    %swap3A_1414 = vector.load %arg5[%swap3A_1410, %swap3A_1411, %swap3A_1412, %swap3A_1413] : memref<1x96x16x111xf32, #tpu.memory_space<vmem>>, vector<1x96x1x111xf32>
    %swap3A_1415 = vector.shape_cast %swap3A_1414 : vector<1x96x1x111xf32> to vector<96x111xf32>
    %swap3A_1416 = vector.shape_cast %add3A_1409 : vector<96x111xf32> to vector<1x96x1x111xf32>
    tpu.vector_store %arg5[%swap3A_1410, %swap3A_1411, %swap3A_1412, %swap3A_1413], %swap3A_1416 {strides = array<i32>} : memref<1x96x16x111xf32, #tpu.memory_space<vmem>>, vector<1x96x1x111xf32>,
    %broadcast_in_dim3A_1417 = arith.constant 0.000000e+00 : f32
    %broadcast_in_dim3A_1418 = vector.broadcast %broadcast_in_dim3A_1417 : f32 to vector<96x111xf32>
    %slice3A_1419 = vector.extract_strided_slice %dot_general3A_204 {offsets = [0, 0], sizes = [96, 112], strides = [1, 1]} : vector<96x224xf32> to vector<96x112xf32>
    %slice3A_1420 = vector.extract_strided_slice %dot_general3A_204 {offsets = [0, 112], sizes = [96, 112], strides = [1, 1]} : vector<96x224xf32> to vector<96x112xf32>
    %get3A_1421 = arith.constant 0 : index
    %get3A_1422 = arith.constant 0 : index
    %get3A_1423 = arith.constant 0 : index
    %get3A_1424 = vector.load %arg2[%get3A_1421, %get3A_1422, %get3A_1423] : memref<9x96x96xf32, #tpu.memory_space<vmem>>, vector<1x96x96xf32>
    %get3A_1425 = vector.shape_cast %get3A_1424 : vector<1x96x96xf32> to vector<96x96xf32>
    %slice3A_1426 = vector.extract_strided_slice %slice3A_1419 {offsets = [0, 0], sizes = [96, 111], strides = [1, 1]} : vector<96x112xf32> to vector<96x111xf32>
    %dot_general3A_1427 = arith.constant dense<0.000000e+00> : vector<96x111xf32>
    %dot_general3A_1428 = tpu.matmul %get3A_1425, %slice3A_1426, %dot_general3A_1427 {dimension_numbers = #tpu.dot_dimension_numbers<[1], [0], [0], [1], [0, 0, 1, 1], [], []>, transpose_lhs_hint = false} : vector<96x96xf32>, vector<96x111xf32>, vector<96x111xf32> -> vector<96x111xf32>
    %add3A_1429 = arith.addf %broadcast_in_dim3A_1418, %dot_general3A_1428 : vector<96x111xf32>
    %get3A_1430 = arith.constant 3 : index
    %get3A_1431 = arith.constant 0 : index
    %get3A_1432 = arith.constant 0 : index
    %get3A_1433 = vector.load %arg2[%get3A_1430, %get3A_1431, %get3A_1432] : memref<9x96x96xf32, #tpu.memory_space<vmem>>, vector<1x96x96xf32>
    %get3A_1434 = vector.shape_cast %get3A_1433 : vector<1x96x96xf32> to vector<96x96xf32>
    %slice3A_1435 = vector.extract_strided_slice %slice3A_1420 {offsets = [0, 0], sizes = [96, 111], strides = [1, 1]} : vector<96x112xf32> to vector<96x111xf32>
    %dot_general3A_1436 = arith.constant dense<0.000000e+00> : vector<96x111xf32>
    %dot_general3A_1437 = tpu.matmul %get3A_1434, %slice3A_1435, %dot_general3A_1436 {dimension_numbers = #tpu.dot_dimension_numbers<[1], [0], [0], [1], [0, 0, 1, 1], [], []>, transpose_lhs_hint = false} : vector<96x96xf32>, vector<96x111xf32>, vector<96x111xf32> -> vector<96x111xf32>
    %add3A_1438 = arith.addf %add3A_1429, %dot_general3A_1437 : vector<96x111xf32>
    %get3A_1439 = arith.constant 6 : index
    %get3A_1440 = arith.constant 0 : index
    %get3A_1441 = arith.constant 0 : index
    %get3A_1442 = vector.load %arg2[%get3A_1439, %get3A_1440, %get3A_1441] : memref<9x96x96xf32, #tpu.memory_space<vmem>>, vector<1x96x96xf32>
    %get3A_1443 = vector.shape_cast %get3A_1442 : vector<1x96x96xf32> to vector<96x96xf32>
    %slice3A_1444 = vector.extract_strided_slice %slice3A_1419 {offsets = [0, 1], sizes = [96, 111], strides = [1, 1]} : vector<96x112xf32> to vector<96x111xf32>
    %dot_general3A_1445 = arith.constant dense<0.000000e+00> : vector<96x111xf32>
    %dot_general3A_1446 = tpu.matmul %get3A_1443, %slice3A_1444, %dot_general3A_1445 {dimension_numbers = #tpu.dot_dimension_numbers<[1], [0], [0], [1], [0, 0, 1, 1], [], []>, transpose_lhs_hint = false} : vector<96x96xf32>, vector<96x111xf32>, vector<96x111xf32> -> vector<96x111xf32>
    %add3A_1447 = arith.addf %add3A_1438, %dot_general3A_1446 : vector<96x111xf32>
    %slice3A_1448 = vector.extract_strided_slice %dot_general3A_212 {offsets = [0, 0], sizes = [96, 112], strides = [1, 1]} : vector<96x224xf32> to vector<96x112xf32>
    %slice3A_1449 = vector.extract_strided_slice %dot_general3A_212 {offsets = [0, 112], sizes = [96, 112], strides = [1, 1]} : vector<96x224xf32> to vector<96x112xf32>
    %get3A_1450 = arith.constant 1 : index
    %get3A_1451 = arith.constant 0 : index
    %get3A_1452 = arith.constant 0 : index
    %get3A_1453 = vector.load %arg2[%get3A_1450, %get3A_1451, %get3A_1452] : memref<9x96x96xf32, #tpu.memory_space<vmem>>, vector<1x96x96xf32>
    %get3A_1454 = vector.shape_cast %get3A_1453 : vector<1x96x96xf32> to vector<96x96xf32>
    %slice3A_1455 = vector.extract_strided_slice %slice3A_1448 {offsets = [0, 0], sizes = [96, 111], strides = [1, 1]} : vector<96x112xf32> to vector<96x111xf32>
    %dot_general3A_1456 = arith.constant dense<0.000000e+00> : vector<96x111xf32>
    %dot_general3A_1457 = tpu.matmul %get3A_1454, %slice3A_1455, %dot_general3A_1456 {dimension_numbers = #tpu.dot_dimension_numbers<[1], [0], [0], [1], [0, 0, 1, 1], [], []>, transpose_lhs_hint = false} : vector<96x96xf32>, vector<96x111xf32>, vector<96x111xf32> -> vector<96x111xf32>
    %add3A_1458 = arith.addf %add3A_1447, %dot_general3A_1457 : vector<96x111xf32>
    %get3A_1459 = arith.constant 4 : index
    %get3A_1460 = arith.constant 0 : index
    %get3A_1461 = arith.constant 0 : index
    %get3A_1462 = vector.load %arg2[%get3A_1459, %get3A_1460, %get3A_1461] : memref<9x96x96xf32, #tpu.memory_space<vmem>>, vector<1x96x96xf32>
    %get3A_1463 = vector.shape_cast %get3A_1462 : vector<1x96x96xf32> to vector<96x96xf32>
    %slice3A_1464 = vector.extract_strided_slice %slice3A_1449 {offsets = [0, 0], sizes = [96, 111], strides = [1, 1]} : vector<96x112xf32> to vector<96x111xf32>
    %dot_general3A_1465 = arith.constant dense<0.000000e+00> : vector<96x111xf32>
    %dot_general3A_1466 = tpu.matmul %get3A_1463, %slice3A_1464, %dot_general3A_1465 {dimension_numbers = #tpu.dot_dimension_numbers<[1], [0], [0], [1], [0, 0, 1, 1], [], []>, transpose_lhs_hint = false} : vector<96x96xf32>, vector<96x111xf32>, vector<96x111xf32> -> vector<96x111xf32>
    %add3A_1467 = arith.addf %add3A_1458, %dot_general3A_1466 : vector<96x111xf32>
    %get3A_1468 = arith.constant 7 : index
    %get3A_1469 = arith.constant 0 : index
    %get3A_1470 = arith.constant 0 : index
    %get3A_1471 = vector.load %arg2[%get3A_1468, %get3A_1469, %get3A_1470] : memref<9x96x96xf32, #tpu.memory_space<vmem>>, vector<1x96x96xf32>
    %get3A_1472 = vector.shape_cast %get3A_1471 : vector<1x96x96xf32> to vector<96x96xf32>
    %slice3A_1473 = vector.extract_strided_slice %slice3A_1448 {offsets = [0, 1], sizes = [96, 111], strides = [1, 1]} : vector<96x112xf32> to vector<96x111xf32>
    %dot_general3A_1474 = arith.constant dense<0.000000e+00> : vector<96x111xf32>
    %dot_general3A_1475 = tpu.matmul %get3A_1472, %slice3A_1473, %dot_general3A_1474 {dimension_numbers = #tpu.dot_dimension_numbers<[1], [0], [0], [1], [0, 0, 1, 1], [], []>, transpose_lhs_hint = false} : vector<96x96xf32>, vector<96x111xf32>, vector<96x111xf32> -> vector<96x111xf32>
    %add3A_1476 = arith.addf %add3A_1467, %dot_general3A_1475 : vector<96x111xf32>
    %slice3A_1477 = vector.extract_strided_slice %dot_general3A_220 {offsets = [0, 0], sizes = [96, 112], strides = [1, 1]} : vector<96x224xf32> to vector<96x112xf32>
    %slice3A_1478 = vector.extract_strided_slice %dot_general3A_220 {offsets = [0, 112], sizes = [96, 112], strides = [1, 1]} : vector<96x224xf32> to vector<96x112xf32>
    %get3A_1479 = arith.constant 2 : index
    %get3A_1480 = arith.constant 0 : index
    %get3A_1481 = arith.constant 0 : index
    %get3A_1482 = vector.load %arg2[%get3A_1479, %get3A_1480, %get3A_1481] : memref<9x96x96xf32, #tpu.memory_space<vmem>>, vector<1x96x96xf32>
    %get3A_1483 = vector.shape_cast %get3A_1482 : vector<1x96x96xf32> to vector<96x96xf32>
    %slice3A_1484 = vector.extract_strided_slice %slice3A_1477 {offsets = [0, 0], sizes = [96, 111], strides = [1, 1]} : vector<96x112xf32> to vector<96x111xf32>
    %dot_general3A_1485 = arith.constant dense<0.000000e+00> : vector<96x111xf32>
    %dot_general3A_1486 = tpu.matmul %get3A_1483, %slice3A_1484, %dot_general3A_1485 {dimension_numbers = #tpu.dot_dimension_numbers<[1], [0], [0], [1], [0, 0, 1, 1], [], []>, transpose_lhs_hint = false} : vector<96x96xf32>, vector<96x111xf32>, vector<96x111xf32> -> vector<96x111xf32>
    %add3A_1487 = arith.addf %add3A_1476, %dot_general3A_1486 : vector<96x111xf32>
    %get3A_1488 = arith.constant 5 : index
    %get3A_1489 = arith.constant 0 : index
    %get3A_1490 = arith.constant 0 : index
    %get3A_1491 = vector.load %arg2[%get3A_1488, %get3A_1489, %get3A_1490] : memref<9x96x96xf32, #tpu.memory_space<vmem>>, vector<1x96x96xf32>
    %get3A_1492 = vector.shape_cast %get3A_1491 : vector<1x96x96xf32> to vector<96x96xf32>
    %slice3A_1493 = vector.extract_strided_slice %slice3A_1478 {offsets = [0, 0], sizes = [96, 111], strides = [1, 1]} : vector<96x112xf32> to vector<96x111xf32>
    %dot_general3A_1494 = arith.constant dense<0.000000e+00> : vector<96x111xf32>
    %dot_general3A_1495 = tpu.matmul %get3A_1492, %slice3A_1493, %dot_general3A_1494 {dimension_numbers = #tpu.dot_dimension_numbers<[1], [0], [0], [1], [0, 0, 1, 1], [], []>, transpose_lhs_hint = false} : vector<96x96xf32>, vector<96x111xf32>, vector<96x111xf32> -> vector<96x111xf32>
    %add3A_1496 = arith.addf %add3A_1487, %dot_general3A_1495 : vector<96x111xf32>
    %get3A_1497 = arith.constant 8 : index
    %get3A_1498 = arith.constant 0 : index
    %get3A_1499 = arith.constant 0 : index
    %get3A_1500 = vector.load %arg2[%get3A_1497, %get3A_1498, %get3A_1499] : memref<9x96x96xf32, #tpu.memory_space<vmem>>, vector<1x96x96xf32>
    %get3A_1501 = vector.shape_cast %get3A_1500 : vector<1x96x96xf32> to vector<96x96xf32>
    %slice3A_1502 = vector.extract_strided_slice %slice3A_1477 {offsets = [0, 1], sizes = [96, 111], strides = [1, 1]} : vector<96x112xf32> to vector<96x111xf32>
    %dot_general3A_1503 = arith.constant dense<0.000000e+00> : vector<96x111xf32>
    %dot_general3A_1504 = tpu.matmul %get3A_1501, %slice3A_1502, %dot_general3A_1503 {dimension_numbers = #tpu.dot_dimension_numbers<[1], [0], [0], [1], [0, 0, 1, 1], [], []>, transpose_lhs_hint = false} : vector<96x96xf32>, vector<96x111xf32>, vector<96x111xf32> -> vector<96x111xf32>
    %add3A_1505 = arith.addf %add3A_1496, %dot_general3A_1504 : vector<96x111xf32>
    %swap3A_1506 = arith.constant 0 : index
    %swap3A_1507 = arith.constant 0 : index
    %swap3A_1508 = arith.constant 12 : index
    %swap3A_1509 = arith.constant 0 : index
    %swap3A_1510 = vector.load %arg5[%swap3A_1506, %swap3A_1507, %swap3A_1508, %swap3A_1509] : memref<1x96x16x111xf32, #tpu.memory_space<vmem>>, vector<1x96x1x111xf32>
    %swap3A_1511 = vector.shape_cast %swap3A_1510 : vector<1x96x1x111xf32> to vector<96x111xf32>
    %swap3A_1512 = vector.shape_cast %add3A_1505 : vector<96x111xf32> to vector<1x96x1x111xf32>
    tpu.vector_store %arg5[%swap3A_1506, %swap3A_1507, %swap3A_1508, %swap3A_1509], %swap3A_1512 {strides = array<i32>} : memref<1x96x16x111xf32, #tpu.memory_space<vmem>>, vector<1x96x1x111xf32>,
    %broadcast_in_dim3A_1513 = arith.constant 0.000000e+00 : f32
    %broadcast_in_dim3A_1514 = vector.broadcast %broadcast_in_dim3A_1513 : f32 to vector<96x111xf32>
    %slice3A_1515 = vector.extract_strided_slice %dot_general3A_220 {offsets = [0, 0], sizes = [96, 112], strides = [1, 1]} : vector<96x224xf32> to vector<96x112xf32>
    %slice3A_1516 = vector.extract_strided_slice %dot_general3A_220 {offsets = [0, 112], sizes = [96, 112], strides = [1, 1]} : vector<96x224xf32> to vector<96x112xf32>
    %get3A_1517 = arith.constant 0 : index
    %get3A_1518 = arith.constant 0 : index
    %get3A_1519 = arith.constant 0 : index
    %get3A_1520 = vector.load %arg2[%get3A_1517, %get3A_1518, %get3A_1519] : memref<9x96x96xf32, #tpu.memory_space<vmem>>, vector<1x96x96xf32>
    %get3A_1521 = vector.shape_cast %get3A_1520 : vector<1x96x96xf32> to vector<96x96xf32>
    %slice3A_1522 = vector.extract_strided_slice %slice3A_1515 {offsets = [0, 0], sizes = [96, 111], strides = [1, 1]} : vector<96x112xf32> to vector<96x111xf32>
    %dot_general3A_1523 = arith.constant dense<0.000000e+00> : vector<96x111xf32>
    %dot_general3A_1524 = tpu.matmul %get3A_1521, %slice3A_1522, %dot_general3A_1523 {dimension_numbers = #tpu.dot_dimension_numbers<[1], [0], [0], [1], [0, 0, 1, 1], [], []>, transpose_lhs_hint = false} : vector<96x96xf32>, vector<96x111xf32>, vector<96x111xf32> -> vector<96x111xf32>
    %add3A_1525 = arith.addf %broadcast_in_dim3A_1514, %dot_general3A_1524 : vector<96x111xf32>
    %get3A_1526 = arith.constant 3 : index
    %get3A_1527 = arith.constant 0 : index
    %get3A_1528 = arith.constant 0 : index
    %get3A_1529 = vector.load %arg2[%get3A_1526, %get3A_1527, %get3A_1528] : memref<9x96x96xf32, #tpu.memory_space<vmem>>, vector<1x96x96xf32>
    %get3A_1530 = vector.shape_cast %get3A_1529 : vector<1x96x96xf32> to vector<96x96xf32>
    %slice3A_1531 = vector.extract_strided_slice %slice3A_1516 {offsets = [0, 0], sizes = [96, 111], strides = [1, 1]} : vector<96x112xf32> to vector<96x111xf32>
    %dot_general3A_1532 = arith.constant dense<0.000000e+00> : vector<96x111xf32>
    %dot_general3A_1533 = tpu.matmul %get3A_1530, %slice3A_1531, %dot_general3A_1532 {dimension_numbers = #tpu.dot_dimension_numbers<[1], [0], [0], [1], [0, 0, 1, 1], [], []>, transpose_lhs_hint = false} : vector<96x96xf32>, vector<96x111xf32>, vector<96x111xf32> -> vector<96x111xf32>
    %add3A_1534 = arith.addf %add3A_1525, %dot_general3A_1533 : vector<96x111xf32>
    %get3A_1535 = arith.constant 6 : index
    %get3A_1536 = arith.constant 0 : index
    %get3A_1537 = arith.constant 0 : index
    %get3A_1538 = vector.load %arg2[%get3A_1535, %get3A_1536, %get3A_1537] : memref<9x96x96xf32, #tpu.memory_space<vmem>>, vector<1x96x96xf32>
    %get3A_1539 = vector.shape_cast %get3A_1538 : vector<1x96x96xf32> to vector<96x96xf32>
    %slice3A_1540 = vector.extract_strided_slice %slice3A_1515 {offsets = [0, 1], sizes = [96, 111], strides = [1, 1]} : vector<96x112xf32> to vector<96x111xf32>
    %dot_general3A_1541 = arith.constant dense<0.000000e+00> : vector<96x111xf32>
    %dot_general3A_1542 = tpu.matmul %get3A_1539, %slice3A_1540, %dot_general3A_1541 {dimension_numbers = #tpu.dot_dimension_numbers<[1], [0], [0], [1], [0, 0, 1, 1], [], []>, transpose_lhs_hint = false} : vector<96x96xf32>, vector<96x111xf32>, vector<96x111xf32> -> vector<96x111xf32>
    %add3A_1543 = arith.addf %add3A_1534, %dot_general3A_1542 : vector<96x111xf32>
    %slice3A_1544 = vector.extract_strided_slice %dot_general3A_228 {offsets = [0, 0], sizes = [96, 112], strides = [1, 1]} : vector<96x224xf32> to vector<96x112xf32>
    %slice3A_1545 = vector.extract_strided_slice %dot_general3A_228 {offsets = [0, 112], sizes = [96, 112], strides = [1, 1]} : vector<96x224xf32> to vector<96x112xf32>
    %get3A_1546 = arith.constant 1 : index
    %get3A_1547 = arith.constant 0 : index
    %get3A_1548 = arith.constant 0 : index
    %get3A_1549 = vector.load %arg2[%get3A_1546, %get3A_1547, %get3A_1548] : memref<9x96x96xf32, #tpu.memory_space<vmem>>, vector<1x96x96xf32>
    %get3A_1550 = vector.shape_cast %get3A_1549 : vector<1x96x96xf32> to vector<96x96xf32>
    %slice3A_1551 = vector.extract_strided_slice %slice3A_1544 {offsets = [0, 0], sizes = [96, 111], strides = [1, 1]} : vector<96x112xf32> to vector<96x111xf32>
    %dot_general3A_1552 = arith.constant dense<0.000000e+00> : vector<96x111xf32>
    %dot_general3A_1553 = tpu.matmul %get3A_1550, %slice3A_1551, %dot_general3A_1552 {dimension_numbers = #tpu.dot_dimension_numbers<[1], [0], [0], [1], [0, 0, 1, 1], [], []>, transpose_lhs_hint = false} : vector<96x96xf32>, vector<96x111xf32>, vector<96x111xf32> -> vector<96x111xf32>
    %add3A_1554 = arith.addf %add3A_1543, %dot_general3A_1553 : vector<96x111xf32>
    %get3A_1555 = arith.constant 4 : index
    %get3A_1556 = arith.constant 0 : index
    %get3A_1557 = arith.constant 0 : index
    %get3A_1558 = vector.load %arg2[%get3A_1555, %get3A_1556, %get3A_1557] : memref<9x96x96xf32, #tpu.memory_space<vmem>>, vector<1x96x96xf32>
    %get3A_1559 = vector.shape_cast %get3A_1558 : vector<1x96x96xf32> to vector<96x96xf32>
    %slice3A_1560 = vector.extract_strided_slice %slice3A_1545 {offsets = [0, 0], sizes = [96, 111], strides = [1, 1]} : vector<96x112xf32> to vector<96x111xf32>
    %dot_general3A_1561 = arith.constant dense<0.000000e+00> : vector<96x111xf32>
    %dot_general3A_1562 = tpu.matmul %get3A_1559, %slice3A_1560, %dot_general3A_1561 {dimension_numbers = #tpu.dot_dimension_numbers<[1], [0], [0], [1], [0, 0, 1, 1], [], []>, transpose_lhs_hint = false} : vector<96x96xf32>, vector<96x111xf32>, vector<96x111xf32> -> vector<96x111xf32>
    %add3A_1563 = arith.addf %add3A_1554, %dot_general3A_1562 : vector<96x111xf32>
    %get3A_1564 = arith.constant 7 : index
    %get3A_1565 = arith.constant 0 : index
    %get3A_1566 = arith.constant 0 : index
    %get3A_1567 = vector.load %arg2[%get3A_1564, %get3A_1565, %get3A_1566] : memref<9x96x96xf32, #tpu.memory_space<vmem>>, vector<1x96x96xf32>
    %get3A_1568 = vector.shape_cast %get3A_1567 : vector<1x96x96xf32> to vector<96x96xf32>
    %slice3A_1569 = vector.extract_strided_slice %slice3A_1544 {offsets = [0, 1], sizes = [96, 111], strides = [1, 1]} : vector<96x112xf32> to vector<96x111xf32>
    %dot_general3A_1570 = arith.constant dense<0.000000e+00> : vector<96x111xf32>
    %dot_general3A_1571 = tpu.matmul %get3A_1568, %slice3A_1569, %dot_general3A_1570 {dimension_numbers = #tpu.dot_dimension_numbers<[1], [0], [0], [1], [0, 0, 1, 1], [], []>, transpose_lhs_hint = false} : vector<96x96xf32>, vector<96x111xf32>, vector<96x111xf32> -> vector<96x111xf32>
    %add3A_1572 = arith.addf %add3A_1563, %dot_general3A_1571 : vector<96x111xf32>
    %slice3A_1573 = vector.extract_strided_slice %dot_general3A_236 {offsets = [0, 0], sizes = [96, 112], strides = [1, 1]} : vector<96x224xf32> to vector<96x112xf32>
    %slice3A_1574 = vector.extract_strided_slice %dot_general3A_236 {offsets = [0, 112], sizes = [96, 112], strides = [1, 1]} : vector<96x224xf32> to vector<96x112xf32>
    %get3A_1575 = arith.constant 2 : index
    %get3A_1576 = arith.constant 0 : index
    %get3A_1577 = arith.constant 0 : index
    %get3A_1578 = vector.load %arg2[%get3A_1575, %get3A_1576, %get3A_1577] : memref<9x96x96xf32, #tpu.memory_space<vmem>>, vector<1x96x96xf32>
    %get3A_1579 = vector.shape_cast %get3A_1578 : vector<1x96x96xf32> to vector<96x96xf32>
    %slice3A_1580 = vector.extract_strided_slice %slice3A_1573 {offsets = [0, 0], sizes = [96, 111], strides = [1, 1]} : vector<96x112xf32> to vector<96x111xf32>
    %dot_general3A_1581 = arith.constant dense<0.000000e+00> : vector<96x111xf32>
    %dot_general3A_1582 = tpu.matmul %get3A_1579, %slice3A_1580, %dot_general3A_1581 {dimension_numbers = #tpu.dot_dimension_numbers<[1], [0], [0], [1], [0, 0, 1, 1], [], []>, transpose_lhs_hint = false} : vector<96x96xf32>, vector<96x111xf32>, vector<96x111xf32> -> vector<96x111xf32>
    %add3A_1583 = arith.addf %add3A_1572, %dot_general3A_1582 : vector<96x111xf32>
    %get3A_1584 = arith.constant 5 : index
    %get3A_1585 = arith.constant 0 : index
    %get3A_1586 = arith.constant 0 : index
    %get3A_1587 = vector.load %arg2[%get3A_1584, %get3A_1585, %get3A_1586] : memref<9x96x96xf32, #tpu.memory_space<vmem>>, vector<1x96x96xf32>
    %get3A_1588 = vector.shape_cast %get3A_1587 : vector<1x96x96xf32> to vector<96x96xf32>
    %slice3A_1589 = vector.extract_strided_slice %slice3A_1574 {offsets = [0, 0], sizes = [96, 111], strides = [1, 1]} : vector<96x112xf32> to vector<96x111xf32>
    %dot_general3A_1590 = arith.constant dense<0.000000e+00> : vector<96x111xf32>
    %dot_general3A_1591 = tpu.matmul %get3A_1588, %slice3A_1589, %dot_general3A_1590 {dimension_numbers = #tpu.dot_dimension_numbers<[1], [0], [0], [1], [0, 0, 1, 1], [], []>, transpose_lhs_hint = false} : vector<96x96xf32>, vector<96x111xf32>, vector<96x111xf32> -> vector<96x111xf32>
    %add3A_1592 = arith.addf %add3A_1583, %dot_general3A_1591 : vector<96x111xf32>
    %get3A_1593 = arith.constant 8 : index
    %get3A_1594 = arith.constant 0 : index
    %get3A_1595 = arith.constant 0 : index
    %get3A_1596 = vector.load %arg2[%get3A_1593, %get3A_1594, %get3A_1595] : memref<9x96x96xf32, #tpu.memory_space<vmem>>, vector<1x96x96xf32>
    %get3A_1597 = vector.shape_cast %get3A_1596 : vector<1x96x96xf32> to vector<96x96xf32>
    %slice3A_1598 = vector.extract_strided_slice %slice3A_1573 {offsets = [0, 1], sizes = [96, 111], strides = [1, 1]} : vector<96x112xf32> to vector<96x111xf32>
    %dot_general3A_1599 = arith.constant dense<0.000000e+00> : vector<96x111xf32>
    %dot_general3A_1600 = tpu.matmul %get3A_1597, %slice3A_1598, %dot_general3A_1599 {dimension_numbers = #tpu.dot_dimension_numbers<[1], [0], [0], [1], [0, 0, 1, 1], [], []>, transpose_lhs_hint = false} : vector<96x96xf32>, vector<96x111xf32>, vector<96x111xf32> -> vector<96x111xf32>
    %add3A_1601 = arith.addf %add3A_1592, %dot_general3A_1600 : vector<96x111xf32>
    %swap3A_1602 = arith.constant 0 : index
    %swap3A_1603 = arith.constant 0 : index
    %swap3A_1604 = arith.constant 13 : index
    %swap3A_1605 = arith.constant 0 : index
    %swap3A_1606 = vector.load %arg5[%swap3A_1602, %swap3A_1603, %swap3A_1604, %swap3A_1605] : memref<1x96x16x111xf32, #tpu.memory_space<vmem>>, vector<1x96x1x111xf32>
    %swap3A_1607 = vector.shape_cast %swap3A_1606 : vector<1x96x1x111xf32> to vector<96x111xf32>
    %swap3A_1608 = vector.shape_cast %add3A_1601 : vector<96x111xf32> to vector<1x96x1x111xf32>
    tpu.vector_store %arg5[%swap3A_1602, %swap3A_1603, %swap3A_1604, %swap3A_1605], %swap3A_1608 {strides = array<i32>} : memref<1x96x16x111xf32, #tpu.memory_space<vmem>>, vector<1x96x1x111xf32>,
    %broadcast_in_dim3A_1609 = arith.constant 0.000000e+00 : f32
    %broadcast_in_dim3A_1610 = vector.broadcast %broadcast_in_dim3A_1609 : f32 to vector<96x111xf32>
    %slice3A_1611 = vector.extract_strided_slice %dot_general3A_236 {offsets = [0, 0], sizes = [96, 112], strides = [1, 1]} : vector<96x224xf32> to vector<96x112xf32>
    %slice3A_1612 = vector.extract_strided_slice %dot_general3A_236 {offsets = [0, 112], sizes = [96, 112], strides = [1, 1]} : vector<96x224xf32> to vector<96x112xf32>
    %get3A_1613 = arith.constant 0 : index
    %get3A_1614 = arith.constant 0 : index
    %get3A_1615 = arith.constant 0 : index
    %get3A_1616 = vector.load %arg2[%get3A_1613, %get3A_1614, %get3A_1615] : memref<9x96x96xf32, #tpu.memory_space<vmem>>, vector<1x96x96xf32>
    %get3A_1617 = vector.shape_cast %get3A_1616 : vector<1x96x96xf32> to vector<96x96xf32>
    %slice3A_1618 = vector.extract_strided_slice %slice3A_1611 {offsets = [0, 0], sizes = [96, 111], strides = [1, 1]} : vector<96x112xf32> to vector<96x111xf32>
    %dot_general3A_1619 = arith.constant dense<0.000000e+00> : vector<96x111xf32>
    %dot_general3A_1620 = tpu.matmul %get3A_1617, %slice3A_1618, %dot_general3A_1619 {dimension_numbers = #tpu.dot_dimension_numbers<[1], [0], [0], [1], [0, 0, 1, 1], [], []>, transpose_lhs_hint = false} : vector<96x96xf32>, vector<96x111xf32>, vector<96x111xf32> -> vector<96x111xf32>
    %add3A_1621 = arith.addf %broadcast_in_dim3A_1610, %dot_general3A_1620 : vector<96x111xf32>
    %get3A_1622 = arith.constant 3 : index
    %get3A_1623 = arith.constant 0 : index
    %get3A_1624 = arith.constant 0 : index
    %get3A_1625 = vector.load %arg2[%get3A_1622, %get3A_1623, %get3A_1624] : memref<9x96x96xf32, #tpu.memory_space<vmem>>, vector<1x96x96xf32>
    %get3A_1626 = vector.shape_cast %get3A_1625 : vector<1x96x96xf32> to vector<96x96xf32>
    %slice3A_1627 = vector.extract_strided_slice %slice3A_1612 {offsets = [0, 0], sizes = [96, 111], strides = [1, 1]} : vector<96x112xf32> to vector<96x111xf32>
    %dot_general3A_1628 = arith.constant dense<0.000000e+00> : vector<96x111xf32>
    %dot_general3A_1629 = tpu.matmul %get3A_1626, %slice3A_1627, %dot_general3A_1628 {dimension_numbers = #tpu.dot_dimension_numbers<[1], [0], [0], [1], [0, 0, 1, 1], [], []>, transpose_lhs_hint = false} : vector<96x96xf32>, vector<96x111xf32>, vector<96x111xf32> -> vector<96x111xf32>
    %add3A_1630 = arith.addf %add3A_1621, %dot_general3A_1629 : vector<96x111xf32>
    %get3A_1631 = arith.constant 6 : index
    %get3A_1632 = arith.constant 0 : index
    %get3A_1633 = arith.constant 0 : index
    %get3A_1634 = vector.load %arg2[%get3A_1631, %get3A_1632, %get3A_1633] : memref<9x96x96xf32, #tpu.memory_space<vmem>>, vector<1x96x96xf32>
    %get3A_1635 = vector.shape_cast %get3A_1634 : vector<1x96x96xf32> to vector<96x96xf32>
    %slice3A_1636 = vector.extract_strided_slice %slice3A_1611 {offsets = [0, 1], sizes = [96, 111], strides = [1, 1]} : vector<96x112xf32> to vector<96x111xf32>
    %dot_general3A_1637 = arith.constant dense<0.000000e+00> : vector<96x111xf32>
    %dot_general3A_1638 = tpu.matmul %get3A_1635, %slice3A_1636, %dot_general3A_1637 {dimension_numbers = #tpu.dot_dimension_numbers<[1], [0], [0], [1], [0, 0, 1, 1], [], []>, transpose_lhs_hint = false} : vector<96x96xf32>, vector<96x111xf32>, vector<96x111xf32> -> vector<96x111xf32>
    %add3A_1639 = arith.addf %add3A_1630, %dot_general3A_1638 : vector<96x111xf32>
    %slice3A_1640 = vector.extract_strided_slice %dot_general3A_244 {offsets = [0, 0], sizes = [96, 112], strides = [1, 1]} : vector<96x224xf32> to vector<96x112xf32>
    %slice3A_1641 = vector.extract_strided_slice %dot_general3A_244 {offsets = [0, 112], sizes = [96, 112], strides = [1, 1]} : vector<96x224xf32> to vector<96x112xf32>
    %get3A_1642 = arith.constant 1 : index
    %get3A_1643 = arith.constant 0 : index
    %get3A_1644 = arith.constant 0 : index
    %get3A_1645 = vector.load %arg2[%get3A_1642, %get3A_1643, %get3A_1644] : memref<9x96x96xf32, #tpu.memory_space<vmem>>, vector<1x96x96xf32>
    %get3A_1646 = vector.shape_cast %get3A_1645 : vector<1x96x96xf32> to vector<96x96xf32>
    %slice3A_1647 = vector.extract_strided_slice %slice3A_1640 {offsets = [0, 0], sizes = [96, 111], strides = [1, 1]} : vector<96x112xf32> to vector<96x111xf32>
    %dot_general3A_1648 = arith.constant dense<0.000000e+00> : vector<96x111xf32>
    %dot_general3A_1649 = tpu.matmul %get3A_1646, %slice3A_1647, %dot_general3A_1648 {dimension_numbers = #tpu.dot_dimension_numbers<[1], [0], [0], [1], [0, 0, 1, 1], [], []>, transpose_lhs_hint = false} : vector<96x96xf32>, vector<96x111xf32>, vector<96x111xf32> -> vector<96x111xf32>
    %add3A_1650 = arith.addf %add3A_1639, %dot_general3A_1649 : vector<96x111xf32>
    %get3A_1651 = arith.constant 4 : index
    %get3A_1652 = arith.constant 0 : index
    %get3A_1653 = arith.constant 0 : index
    %get3A_1654 = vector.load %arg2[%get3A_1651, %get3A_1652, %get3A_1653] : memref<9x96x96xf32, #tpu.memory_space<vmem>>, vector<1x96x96xf32>
    %get3A_1655 = vector.shape_cast %get3A_1654 : vector<1x96x96xf32> to vector<96x96xf32>
    %slice3A_1656 = vector.extract_strided_slice %slice3A_1641 {offsets = [0, 0], sizes = [96, 111], strides = [1, 1]} : vector<96x112xf32> to vector<96x111xf32>
    %dot_general3A_1657 = arith.constant dense<0.000000e+00> : vector<96x111xf32>
    %dot_general3A_1658 = tpu.matmul %get3A_1655, %slice3A_1656, %dot_general3A_1657 {dimension_numbers = #tpu.dot_dimension_numbers<[1], [0], [0], [1], [0, 0, 1, 1], [], []>, transpose_lhs_hint = false} : vector<96x96xf32>, vector<96x111xf32>, vector<96x111xf32> -> vector<96x111xf32>
    %add3A_1659 = arith.addf %add3A_1650, %dot_general3A_1658 : vector<96x111xf32>
    %get3A_1660 = arith.constant 7 : index
    %get3A_1661 = arith.constant 0 : index
    %get3A_1662 = arith.constant 0 : index
    %get3A_1663 = vector.load %arg2[%get3A_1660, %get3A_1661, %get3A_1662] : memref<9x96x96xf32, #tpu.memory_space<vmem>>, vector<1x96x96xf32>
    %get3A_1664 = vector.shape_cast %get3A_1663 : vector<1x96x96xf32> to vector<96x96xf32>
    %slice3A_1665 = vector.extract_strided_slice %slice3A_1640 {offsets = [0, 1], sizes = [96, 111], strides = [1, 1]} : vector<96x112xf32> to vector<96x111xf32>
    %dot_general3A_1666 = arith.constant dense<0.000000e+00> : vector<96x111xf32>
    %dot_general3A_1667 = tpu.matmul %get3A_1664, %slice3A_1665, %dot_general3A_1666 {dimension_numbers = #tpu.dot_dimension_numbers<[1], [0], [0], [1], [0, 0, 1, 1], [], []>, transpose_lhs_hint = false} : vector<96x96xf32>, vector<96x111xf32>, vector<96x111xf32> -> vector<96x111xf32>
    %add3A_1668 = arith.addf %add3A_1659, %dot_general3A_1667 : vector<96x111xf32>
    %slice3A_1669 = vector.extract_strided_slice %dot_general3A_252 {offsets = [0, 0], sizes = [96, 112], strides = [1, 1]} : vector<96x224xf32> to vector<96x112xf32>
    %slice3A_1670 = vector.extract_strided_slice %dot_general3A_252 {offsets = [0, 112], sizes = [96, 112], strides = [1, 1]} : vector<96x224xf32> to vector<96x112xf32>
    %get3A_1671 = arith.constant 2 : index
    %get3A_1672 = arith.constant 0 : index
    %get3A_1673 = arith.constant 0 : index
    %get3A_1674 = vector.load %arg2[%get3A_1671, %get3A_1672, %get3A_1673] : memref<9x96x96xf32, #tpu.memory_space<vmem>>, vector<1x96x96xf32>
    %get3A_1675 = vector.shape_cast %get3A_1674 : vector<1x96x96xf32> to vector<96x96xf32>
    %slice3A_1676 = vector.extract_strided_slice %slice3A_1669 {offsets = [0, 0], sizes = [96, 111], strides = [1, 1]} : vector<96x112xf32> to vector<96x111xf32>
    %dot_general3A_1677 = arith.constant dense<0.000000e+00> : vector<96x111xf32>
    %dot_general3A_1678 = tpu.matmul %get3A_1675, %slice3A_1676, %dot_general3A_1677 {dimension_numbers = #tpu.dot_dimension_numbers<[1], [0], [0], [1], [0, 0, 1, 1], [], []>, transpose_lhs_hint = false} : vector<96x96xf32>, vector<96x111xf32>, vector<96x111xf32> -> vector<96x111xf32>
    %add3A_1679 = arith.addf %add3A_1668, %dot_general3A_1678 : vector<96x111xf32>
    %get3A_1680 = arith.constant 5 : index
    %get3A_1681 = arith.constant 0 : index
    %get3A_1682 = arith.constant 0 : index
    %get3A_1683 = vector.load %arg2[%get3A_1680, %get3A_1681, %get3A_1682] : memref<9x96x96xf32, #tpu.memory_space<vmem>>, vector<1x96x96xf32>
    %get3A_1684 = vector.shape_cast %get3A_1683 : vector<1x96x96xf32> to vector<96x96xf32>
    %slice3A_1685 = vector.extract_strided_slice %slice3A_1670 {offsets = [0, 0], sizes = [96, 111], strides = [1, 1]} : vector<96x112xf32> to vector<96x111xf32>
    %dot_general3A_1686 = arith.constant dense<0.000000e+00> : vector<96x111xf32>
    %dot_general3A_1687 = tpu.matmul %get3A_1684, %slice3A_1685, %dot_general3A_1686 {dimension_numbers = #tpu.dot_dimension_numbers<[1], [0], [0], [1], [0, 0, 1, 1], [], []>, transpose_lhs_hint = false} : vector<96x96xf32>, vector<96x111xf32>, vector<96x111xf32> -> vector<96x111xf32>
    %add3A_1688 = arith.addf %add3A_1679, %dot_general3A_1687 : vector<96x111xf32>
    %get3A_1689 = arith.constant 8 : index
    %get3A_1690 = arith.constant 0 : index
    %get3A_1691 = arith.constant 0 : index
    %get3A_1692 = vector.load %arg2[%get3A_1689, %get3A_1690, %get3A_1691] : memref<9x96x96xf32, #tpu.memory_space<vmem>>, vector<1x96x96xf32>
    %get3A_1693 = vector.shape_cast %get3A_1692 : vector<1x96x96xf32> to vector<96x96xf32>
    %slice3A_1694 = vector.extract_strided_slice %slice3A_1669 {offsets = [0, 1], sizes = [96, 111], strides = [1, 1]} : vector<96x112xf32> to vector<96x111xf32>
    %dot_general3A_1695 = arith.constant dense<0.000000e+00> : vector<96x111xf32>
    %dot_general3A_1696 = tpu.matmul %get3A_1693, %slice3A_1694, %dot_general3A_1695 {dimension_numbers = #tpu.dot_dimension_numbers<[1], [0], [0], [1], [0, 0, 1, 1], [], []>, transpose_lhs_hint = false} : vector<96x96xf32>, vector<96x111xf32>, vector<96x111xf32> -> vector<96x111xf32>
    %add3A_1697 = arith.addf %add3A_1688, %dot_general3A_1696 : vector<96x111xf32>
    %swap3A_1698 = arith.constant 0 : index
    %swap3A_1699 = arith.constant 0 : index
    %swap3A_1700 = arith.constant 14 : index
    %swap3A_1701 = arith.constant 0 : index
    %swap3A_1702 = vector.load %arg5[%swap3A_1698, %swap3A_1699, %swap3A_1700, %swap3A_1701] : memref<1x96x16x111xf32, #tpu.memory_space<vmem>>, vector<1x96x1x111xf32>
    %swap3A_1703 = vector.shape_cast %swap3A_1702 : vector<1x96x1x111xf32> to vector<96x111xf32>
    %swap3A_1704 = vector.shape_cast %add3A_1697 : vector<96x111xf32> to vector<1x96x1x111xf32>
    tpu.vector_store %arg5[%swap3A_1698, %swap3A_1699, %swap3A_1700, %swap3A_1701], %swap3A_1704 {strides = array<i32>} : memref<1x96x16x111xf32, #tpu.memory_space<vmem>>, vector<1x96x1x111xf32>,
    %broadcast_in_dim3A_1705 = arith.constant 0.000000e+00 : f32
    %broadcast_in_dim3A_1706 = vector.broadcast %broadcast_in_dim3A_1705 : f32 to vector<96x111xf32>
    %slice3A_1707 = vector.extract_strided_slice %dot_general3A_252 {offsets = [0, 0], sizes = [96, 112], strides = [1, 1]} : vector<96x224xf32> to vector<96x112xf32>
    %slice3A_1708 = vector.extract_strided_slice %dot_general3A_252 {offsets = [0, 112], sizes = [96, 112], strides = [1, 1]} : vector<96x224xf32> to vector<96x112xf32>
    %get3A_1709 = arith.constant 0 : index
    %get3A_1710 = arith.constant 0 : index
    %get3A_1711 = arith.constant 0 : index
    %get3A_1712 = vector.load %arg2[%get3A_1709, %get3A_1710, %get3A_1711] : memref<9x96x96xf32, #tpu.memory_space<vmem>>, vector<1x96x96xf32>
    %get3A_1713 = vector.shape_cast %get3A_1712 : vector<1x96x96xf32> to vector<96x96xf32>
    %slice3A_1714 = vector.extract_strided_slice %slice3A_1707 {offsets = [0, 0], sizes = [96, 111], strides = [1, 1]} : vector<96x112xf32> to vector<96x111xf32>
    %dot_general3A_1715 = arith.constant dense<0.000000e+00> : vector<96x111xf32>
    %dot_general3A_1716 = tpu.matmul %get3A_1713, %slice3A_1714, %dot_general3A_1715 {dimension_numbers = #tpu.dot_dimension_numbers<[1], [0], [0], [1], [0, 0, 1, 1], [], []>, transpose_lhs_hint = false} : vector<96x96xf32>, vector<96x111xf32>, vector<96x111xf32> -> vector<96x111xf32>
    %add3A_1717 = arith.addf %broadcast_in_dim3A_1706, %dot_general3A_1716 : vector<96x111xf32>
    %get3A_1718 = arith.constant 3 : index
    %get3A_1719 = arith.constant 0 : index
    %get3A_1720 = arith.constant 0 : index
    %get3A_1721 = vector.load %arg2[%get3A_1718, %get3A_1719, %get3A_1720] : memref<9x96x96xf32, #tpu.memory_space<vmem>>, vector<1x96x96xf32>
    %get3A_1722 = vector.shape_cast %get3A_1721 : vector<1x96x96xf32> to vector<96x96xf32>
    %slice3A_1723 = vector.extract_strided_slice %slice3A_1708 {offsets = [0, 0], sizes = [96, 111], strides = [1, 1]} : vector<96x112xf32> to vector<96x111xf32>
    %dot_general3A_1724 = arith.constant dense<0.000000e+00> : vector<96x111xf32>
    %dot_general3A_1725 = tpu.matmul %get3A_1722, %slice3A_1723, %dot_general3A_1724 {dimension_numbers = #tpu.dot_dimension_numbers<[1], [0], [0], [1], [0, 0, 1, 1], [], []>, transpose_lhs_hint = false} : vector<96x96xf32>, vector<96x111xf32>, vector<96x111xf32> -> vector<96x111xf32>
    %add3A_1726 = arith.addf %add3A_1717, %dot_general3A_1725 : vector<96x111xf32>
    %get3A_1727 = arith.constant 6 : index
    %get3A_1728 = arith.constant 0 : index
    %get3A_1729 = arith.constant 0 : index
    %get3A_1730 = vector.load %arg2[%get3A_1727, %get3A_1728, %get3A_1729] : memref<9x96x96xf32, #tpu.memory_space<vmem>>, vector<1x96x96xf32>
    %get3A_1731 = vector.shape_cast %get3A_1730 : vector<1x96x96xf32> to vector<96x96xf32>
    %slice3A_1732 = vector.extract_strided_slice %slice3A_1707 {offsets = [0, 1], sizes = [96, 111], strides = [1, 1]} : vector<96x112xf32> to vector<96x111xf32>
    %dot_general3A_1733 = arith.constant dense<0.000000e+00> : vector<96x111xf32>
    %dot_general3A_1734 = tpu.matmul %get3A_1731, %slice3A_1732, %dot_general3A_1733 {dimension_numbers = #tpu.dot_dimension_numbers<[1], [0], [0], [1], [0, 0, 1, 1], [], []>, transpose_lhs_hint = false} : vector<96x96xf32>, vector<96x111xf32>, vector<96x111xf32> -> vector<96x111xf32>
    %add3A_1735 = arith.addf %add3A_1726, %dot_general3A_1734 : vector<96x111xf32>
    %slice3A_1736 = vector.extract_strided_slice %dot_general3A_260 {offsets = [0, 0], sizes = [96, 112], strides = [1, 1]} : vector<96x224xf32> to vector<96x112xf32>
    %slice3A_1737 = vector.extract_strided_slice %dot_general3A_260 {offsets = [0, 112], sizes = [96, 112], strides = [1, 1]} : vector<96x224xf32> to vector<96x112xf32>
    %get3A_1738 = arith.constant 1 : index
    %get3A_1739 = arith.constant 0 : index
    %get3A_1740 = arith.constant 0 : index
    %get3A_1741 = vector.load %arg2[%get3A_1738, %get3A_1739, %get3A_1740] : memref<9x96x96xf32, #tpu.memory_space<vmem>>, vector<1x96x96xf32>
    %get3A_1742 = vector.shape_cast %get3A_1741 : vector<1x96x96xf32> to vector<96x96xf32>
    %slice3A_1743 = vector.extract_strided_slice %slice3A_1736 {offsets = [0, 0], sizes = [96, 111], strides = [1, 1]} : vector<96x112xf32> to vector<96x111xf32>
    %dot_general3A_1744 = arith.constant dense<0.000000e+00> : vector<96x111xf32>
    %dot_general3A_1745 = tpu.matmul %get3A_1742, %slice3A_1743, %dot_general3A_1744 {dimension_numbers = #tpu.dot_dimension_numbers<[1], [0], [0], [1], [0, 0, 1, 1], [], []>, transpose_lhs_hint = false} : vector<96x96xf32>, vector<96x111xf32>, vector<96x111xf32> -> vector<96x111xf32>
    %add3A_1746 = arith.addf %add3A_1735, %dot_general3A_1745 : vector<96x111xf32>
    %get3A_1747 = arith.constant 4 : index
    %get3A_1748 = arith.constant 0 : index
    %get3A_1749 = arith.constant 0 : index
    %get3A_1750 = vector.load %arg2[%get3A_1747, %get3A_1748, %get3A_1749] : memref<9x96x96xf32, #tpu.memory_space<vmem>>, vector<1x96x96xf32>
    %get3A_1751 = vector.shape_cast %get3A_1750 : vector<1x96x96xf32> to vector<96x96xf32>
    %slice3A_1752 = vector.extract_strided_slice %slice3A_1737 {offsets = [0, 0], sizes = [96, 111], strides = [1, 1]} : vector<96x112xf32> to vector<96x111xf32>
    %dot_general3A_1753 = arith.constant dense<0.000000e+00> : vector<96x111xf32>
    %dot_general3A_1754 = tpu.matmul %get3A_1751, %slice3A_1752, %dot_general3A_1753 {dimension_numbers = #tpu.dot_dimension_numbers<[1], [0], [0], [1], [0, 0, 1, 1], [], []>, transpose_lhs_hint = false} : vector<96x96xf32>, vector<96x111xf32>, vector<96x111xf32> -> vector<96x111xf32>
    %add3A_1755 = arith.addf %add3A_1746, %dot_general3A_1754 : vector<96x111xf32>
    %get3A_1756 = arith.constant 7 : index
    %get3A_1757 = arith.constant 0 : index
    %get3A_1758 = arith.constant 0 : index
    %get3A_1759 = vector.load %arg2[%get3A_1756, %get3A_1757, %get3A_1758] : memref<9x96x96xf32, #tpu.memory_space<vmem>>, vector<1x96x96xf32>
    %get3A_1760 = vector.shape_cast %get3A_1759 : vector<1x96x96xf32> to vector<96x96xf32>
    %slice3A_1761 = vector.extract_strided_slice %slice3A_1736 {offsets = [0, 1], sizes = [96, 111], strides = [1, 1]} : vector<96x112xf32> to vector<96x111xf32>
    %dot_general3A_1762 = arith.constant dense<0.000000e+00> : vector<96x111xf32>
    %dot_general3A_1763 = tpu.matmul %get3A_1760, %slice3A_1761, %dot_general3A_1762 {dimension_numbers = #tpu.dot_dimension_numbers<[1], [0], [0], [1], [0, 0, 1, 1], [], []>, transpose_lhs_hint = false} : vector<96x96xf32>, vector<96x111xf32>, vector<96x111xf32> -> vector<96x111xf32>
    %add3A_1764 = arith.addf %add3A_1755, %dot_general3A_1763 : vector<96x111xf32>
    %slice3A_1765 = vector.extract_strided_slice %dot_general3A_268 {offsets = [0, 0], sizes = [96, 112], strides = [1, 1]} : vector<96x224xf32> to vector<96x112xf32>
    %slice3A_1766 = vector.extract_strided_slice %dot_general3A_268 {offsets = [0, 112], sizes = [96, 112], strides = [1, 1]} : vector<96x224xf32> to vector<96x112xf32>
    %get3A_1767 = arith.constant 2 : index
    %get3A_1768 = arith.constant 0 : index
    %get3A_1769 = arith.constant 0 : index
    %get3A_1770 = vector.load %arg2[%get3A_1767, %get3A_1768, %get3A_1769] : memref<9x96x96xf32, #tpu.memory_space<vmem>>, vector<1x96x96xf32>
    %get3A_1771 = vector.shape_cast %get3A_1770 : vector<1x96x96xf32> to vector<96x96xf32>
    %slice3A_1772 = vector.extract_strided_slice %slice3A_1765 {offsets = [0, 0], sizes = [96, 111], strides = [1, 1]} : vector<96x112xf32> to vector<96x111xf32>
    %dot_general3A_1773 = arith.constant dense<0.000000e+00> : vector<96x111xf32>
    %dot_general3A_1774 = tpu.matmul %get3A_1771, %slice3A_1772, %dot_general3A_1773 {dimension_numbers = #tpu.dot_dimension_numbers<[1], [0], [0], [1], [0, 0, 1, 1], [], []>, transpose_lhs_hint = false} : vector<96x96xf32>, vector<96x111xf32>, vector<96x111xf32> -> vector<96x111xf32>
    %add3A_1775 = arith.addf %add3A_1764, %dot_general3A_1774 : vector<96x111xf32>
    %get3A_1776 = arith.constant 5 : index
    %get3A_1777 = arith.constant 0 : index
    %get3A_1778 = arith.constant 0 : index
    %get3A_1779 = vector.load %arg2[%get3A_1776, %get3A_1777, %get3A_1778] : memref<9x96x96xf32, #tpu.memory_space<vmem>>, vector<1x96x96xf32>
    %get3A_1780 = vector.shape_cast %get3A_1779 : vector<1x96x96xf32> to vector<96x96xf32>
    %slice3A_1781 = vector.extract_strided_slice %slice3A_1766 {offsets = [0, 0], sizes = [96, 111], strides = [1, 1]} : vector<96x112xf32> to vector<96x111xf32>
    %dot_general3A_1782 = arith.constant dense<0.000000e+00> : vector<96x111xf32>
    %dot_general3A_1783 = tpu.matmul %get3A_1780, %slice3A_1781, %dot_general3A_1782 {dimension_numbers = #tpu.dot_dimension_numbers<[1], [0], [0], [1], [0, 0, 1, 1], [], []>, transpose_lhs_hint = false} : vector<96x96xf32>, vector<96x111xf32>, vector<96x111xf32> -> vector<96x111xf32>
    %add3A_1784 = arith.addf %add3A_1775, %dot_general3A_1783 : vector<96x111xf32>
    %get3A_1785 = arith.constant 8 : index
    %get3A_1786 = arith.constant 0 : index
    %get3A_1787 = arith.constant 0 : index
    %get3A_1788 = vector.load %arg2[%get3A_1785, %get3A_1786, %get3A_1787] : memref<9x96x96xf32, #tpu.memory_space<vmem>>, vector<1x96x96xf32>
    %get3A_1789 = vector.shape_cast %get3A_1788 : vector<1x96x96xf32> to vector<96x96xf32>
    %slice3A_1790 = vector.extract_strided_slice %slice3A_1765 {offsets = [0, 1], sizes = [96, 111], strides = [1, 1]} : vector<96x112xf32> to vector<96x111xf32>
    %dot_general3A_1791 = arith.constant dense<0.000000e+00> : vector<96x111xf32>
    %dot_general3A_1792 = tpu.matmul %get3A_1789, %slice3A_1790, %dot_general3A_1791 {dimension_numbers = #tpu.dot_dimension_numbers<[1], [0], [0], [1], [0, 0, 1, 1], [], []>, transpose_lhs_hint = false} : vector<96x96xf32>, vector<96x111xf32>, vector<96x111xf32> -> vector<96x111xf32>
    %add3A_1793 = arith.addf %add3A_1784, %dot_general3A_1792 : vector<96x111xf32>
    %swap3A_1794 = arith.constant 0 : index
    %swap3A_1795 = arith.constant 0 : index
    %swap3A_1796 = arith.constant 15 : index
    %swap3A_1797 = arith.constant 0 : index
    %swap3A_1798 = vector.load %arg5[%swap3A_1794, %swap3A_1795, %swap3A_1796, %swap3A_1797] : memref<1x96x16x111xf32, #tpu.memory_space<vmem>>, vector<1x96x1x111xf32>
    %swap3A_1799 = vector.shape_cast %swap3A_1798 : vector<1x96x1x111xf32> to vector<96x111xf32>
    %swap3A_1800 = vector.shape_cast %add3A_1793 : vector<96x111xf32> to vector<1x96x1x111xf32>
    tpu.vector_store %arg5[%swap3A_1794, %swap3A_1795, %swap3A_1796, %swap3A_1797], %swap3A_1800 {strides = array<i32>} : memref<1x96x16x111xf32, #tpu.memory_space<vmem>>, vector<1x96x1x111xf32>,
    return
  }
  func.func @transform_0(%arg0: i32, %arg1: i32) -> (i32, i32, i32) {
    %c0_i32 = arith.constant 0 : i32
    %c0_i32_0 = arith.constant 0 : i32
    %c0_i32_1 = arith.constant 0 : i32
    %c0_i32_2 = arith.constant 0 : i32
    return %c0_i32, %c0_i32_0, %c0_i32_1 : i32, i32, i32
  }
  func.func @transform_1(%arg0: i32, %arg1: i32) -> (i32, i32, i32, i32) {
    %c0_i32 = arith.constant 0 : i32
    %c0_i32_0 = arith.constant 0 : i32
    %c0_i32_1 = arith.constant 0 : i32
    return %arg0, %c0_i32, %arg1, %c0_i32_0 : i32, i32, i32, i32
  }
  func.func @transform_2(%arg0: i32, %arg1: i32) -> (i32, i32, i32, i32) {
    %mul3A = arith.constant 4 : i32
    %mul3A_0 = arith.muli %mul3A, %arg1 : i32
    %add3A = arith.constant 4 : i32
    %add3A_1 = arith.addi %mul3A_0, %add3A : i32
    %min3A = arith.constant 27 : i32
    %min3A_2 = arith.minsi %add3A_1, %min3A : i32
    %c0_i32 = arith.constant 0 : i32
    %c0_i32_3 = arith.constant 0 : i32
    %c0_i32_4 = arith.constant 0 : i32
    return %arg0, %c0_i32, %min3A_2, %c0_i32_3 : i32, i32, i32, i32
  }
  func.func @transform_3(%arg0: i32, %arg1: i32) -> (i32, i32, i32, i32) {
    %c0_i32 = arith.constant 0 : i32
    %c0_i32_0 = arith.constant 0 : i32
    %c0_i32_1 = arith.constant 0 : i32
    return %arg0, %c0_i32, %arg1, %c0_i32_0 : i32, i32, i32, i32
  }
}

</mosaic_0001>

<sc_bundles>
// kernel: kernel.4.cloned.1.call-start
scs
__scs_entry_jumppad:
0x0: {  	(pc) =	sbr.rel $0x88, $3  }
0x1: {  	(tag) =	ssettag $0x0;
	lr =	simm.s32 $0x1  }
0x2: {  	[smem:$0x3F9D] =	sst lr;
	_ =	strace $0xD0000000  }
0x3: {  	_ = 	snop  }
0x4: {  	_ = 	snop  }
0x5: {  	_ = 	snop  }
0x6: {  	_ = 	snop  }
0x7: {  	_ = 	snop  }
__scs_overlays_trampoline_lowered:
0x8: {  	[smem:$0x3FAC] =	sst s0  }
0x9: {  	[smem:$0x3FAD] =	sst s1  }
0xa: {  	[smem:$0x3FAE] =	sst s2  }
0xb: {  	[smem:$0x3FAF] =	sst s3  }
0xc: {  	[smem:$0x3FB0] =	sst s4  }
0xd: {  	[smem:$0x3FB1] =	sst s5  }
0xe: {  	[smem:$0x3FB2] =	sst s6  }
0xf: {  	[smem:$0x3FB3] =	sst s7  }
0x10: {  	[smem:$0x3FB4] =	sst s8  }
0x11: {  	[smem:$0x3FB5] =	sst s9;
	s0 =	simm.s32 @!p0 $0x0  }
0x12: {  	s1 =	sld [smem:$0x3F9B];
	s0 =	simm.s32 @p0 $0x1  }
0x13: {  	[smem:$0x3FB6] =	sst s0;
	s0 =	simm.s32 @!p1 $0x0  }
0x14: {  	s2 =	sld [smem:$0x3F9A];
	s0 =	simm.s32 @p1 $0x1  }
0x15: {  	[smem:$0x3FB7] =	sst s0;
	s0 =	simm.s32 @!p2 $0x0  }
0x16: {  	s3 =	sld [smem:$0x3FDB];
	s0 =	simm.s32 @p2 $0x1  }
0x17: {  	s4 =	simm.s32 $0x1BF5;
	[smem:$0x3FB9] =	sst s0  }
0x18: {  	s0 =	sld [smem:$0x3F9C];
	_ =	swait.ge [sflag:s4], $0x0  }
0x19: {  	s7 =	sld [smem:$0x3F9D]  }
0x1a: {  	s8 =	sadd.s32 $0xFFFFE003, lr  }
0x1b: {  	s9 =	sadd.s32 $0xFFFFFEF7, lr;
	s5 =	simm.s32 $0xFFFFFFFF;
	p2 =	slt.u32 s8, $0xFFFFF086  }
0x1c: {  	p1 =	slt.u32 s9, $0xF7A;
	s5 =	simm.s32 @!p2 $0x0  }
0x1d: {  	s5 =	simm.s32 @p1 $0x1;
	p0 =	seq.s32 s7, s2  }
0x1e: {  	s7 =	smul.u32 @!p0 $0xF7A, s2;
	p2 =	seq.s32 @!p0 s5, $0x0  }
0x1f: {  	s9 =	smul.u32 $0xF7A, s1;
	s8 =	simm.s32 @!p0 $0x1BF5;
	p2 =	por !p2, p0  }
0x20: {  	[sflag:s8] =	ssyncset.s32 @!p0 $0xFFFFF086;
	s6 =	sadd.s32 @!p0 s3, s7;
	s7 =	simm.s32 @!p0 $0x108  }
0x21: {  	s3 =	sadd.s32 s3, s9;
	s6 =	sadd.s32 @!p0 $0x88, s6;
	s7 =	simm.s32 @p2 $0x1082  }
0x22: {  	[simem:s7], [sflag:s8] =	dma.local @!p0 [hbm:s6], $0xF7A  }
0x23: {  	s9 =	sor.u32 $0xD0000000, s2;
	s6 =	simm.s32 $0x108;
	_ =	swait.ge @!p0 [sflag:s8], $0x0  }
0x24: {  	s3 =	sadd.s32 $0x88, s3;
	s6 =	simm.s32 @!p1 $0x1082;
	[sflag:s4] =	ssyncset.s32 $0xFFFFF086  }
0x25: {  	[simem:s6], [sflag:s4] =	dma.local [hbm:s3], $0xF7A  }
0x26: {  	[smem:$0x3F9D] =	sst s1;
	(tag) =	ssettag s2;
	_ =	strace s9  }
0x27: {  	s1 =	sld [smem:$0x3FAD]  }
0x28: {  	s2 =	sld [smem:$0x3FAE]  }
0x29: {  	s4 =	sld [smem:$0x3FB0]  }
0x2a: {  	p0 =	seq.s32 s5, $0x0;
	s5 =	sld [smem:$0x3FB1]  }
0x2b: {  	s6 =	sld [smem:$0x3FB2]  }
0x2c: {  	s7 =	sld [smem:$0x3FB3]  }
0x2d: {  	s3 =	simm.s32 $0x108;
	s8 =	sld [smem:$0x3FB4]  }
0x2e: {  	s3 =	simm.s32 @!p0 $0x1082;
	s9 =	sld [smem:$0x3FB5]  }
0x2f: {  	lr =	sadd.s32 s0, s3;
	s0 =	sld [smem:$0x3FAC]  }
0x30: {  	s3 =	sld [smem:$0x3FAF]  }
0x31: {  	[smem:$0x3FB8] =	sst s10  }
0x32: {  	s10 =	sld [smem:$0x3FB6];
	_ =	sdelay $0x3  }
0x33: {  	p0 =	seq.s32 s10, $0x1;
	s10 =	sld [smem:$0x3FB8];
	_ =	sdelay $0x3  }
0x34: {  	[smem:$0x3FB8] =	sst s10  }
0x35: {  	s10 =	sld [smem:$0x3FB7];
	_ =	sdelay $0x3  }
0x36: {  	p1 =	seq.s32 s10, $0x1;
	s10 =	sld [smem:$0x3FB8];
	_ =	sdelay $0x3  }
0x37: {  	[smem:$0x3FB8] =	sst s10  }
0x38: {  	s10 =	sld [smem:$0x3FB9]  }
0x39: {  	_ = 	snop;
	(pc) =	sbr.ind lr, $3  }
0x3a: {  	_ = 	snop  }
0x3b: {  	_ = 	snop  }
0x3c: {  	p2 =	seq.s32 s10, $0x1;
	s10 =	sld [smem:$0x3FB8]  }
0x3d: {  	_ =	shalt  }
0x3e: {  	_ =	shalt  }
0x3f: {  	_ =	shalt  }
0x40: {  	_ =	shalt  }
0x41: {  	_ =	shalt  }
0x42: {  	_ =	shalt  }
0x43: {  	_ =	shalt  }
0x44: {  	_ =	shalt  }
0x45: {  	_ =	shalt  }
0x46: {  	_ =	shalt  }
0x47: {  	_ =	shalt  }
0x48: {  	_ =	shalt  }
0x49: {  	_ =	shalt  }
0x4a: {  	_ =	shalt  }
0x4b: {  	_ =	shalt  }
0x4c: {  	_ =	shalt  }
0x4d: {  	_ =	shalt  }
0x4e: {  	_ =	shalt  }
0x4f: {  	_ =	shalt  }
0x50: {  	_ =	shalt  }
0x51: {  	_ =	shalt  }
0x52: {  	_ =	shalt  }
0x53: {  	_ =	shalt  }
0x54: {  	_ =	shalt  }
0x55: {  	_ =	shalt  }
0x56: {  	_ =	shalt  }
0x57: {  	_ =	shalt  }
0x58: {  	_ =	shalt  }
0x59: {  	_ =	shalt  }
0x5a: {  	_ =	shalt  }
0x5b: {  	_ =	shalt  }
0x5c: {  	_ =	shalt  }
0x5d: {  	_ =	shalt  }
0x5e: {  	_ =	shalt  }
0x5f: {  	_ =	shalt  }
0x60: {  	_ =	shalt  }
0x61: {  	_ =	shalt  }
0x62: {  	_ =	shalt  }
0x63: {  	_ =	shalt  }
0x64: {  	_ =	shalt  }
0x65: {  	_ =	shalt  }
0x66: {  	_ =	shalt  }
0x67: {  	_ =	shalt  }
0x68: {  	_ =	shalt  }
0x69: {  	_ =	shalt  }
0x6a: {  	_ =	shalt  }
0x6b: {  	_ =	shalt  }
0x6c: {  	_ =	shalt  }
0x6d: {  	_ =	shalt  }
0x6e: {  	_ =	shalt  }
0x6f: {  	_ =	shalt  }
0x70: {  	_ =	shalt  }
0x71: {  	_ =	shalt  }
0x72: {  	_ =	shalt  }
0x73: {  	_ =	shalt  }
0x74: {  	_ =	shalt  }
0x75: {  	_ =	shalt  }
0x76: {  	_ =	shalt  }
0x77: {  	_ =	shalt  }
0x78: {  	_ =	shalt  }
0x79: {  	_ =	shalt  }
0x7a: {  	_ =	shalt  }
0x7b: {  	_ =	shalt  }
0x7c: {  	_ =	shalt  }
0x7d: {  	_ =	shalt  }
0x7e: {  	_ =	shalt  }
0x7f: {  	_ =	shalt  }
0x80: {  	_ =	shalt  }
0x81: {  	_ =	shalt  }
0x82: {  	_ =	shalt  }
0x83: {  	_ =	shalt  }
0x84: {  	_ =	shalt  }
0x85: {  	_ =	shalt  }
0x86: {  	_ =	shalt  }
0x87: {  	_ =	shalt  }
.Lfunc_end0:
.L_simem_size_0:
called_computation_lowered:
.L_overlay_start_0:
0x88: {  	s2 =	sld [smem:$0x3FD9]  }
0x89: {  	s3 =	sld [smem:$0x3FFE];
	_ =	sdelay $0x1  }
0x8a: {  	s1 =	srdreg.scid  }
0x8b: {  	s0 =	sand.u32 $0x1, s1  }
0x8c: {  	s17 =	sshll.u32 s0, $0xA;
	s2 =	sadd.s32 s3, s2  }
0x8d: {  	s2 =	sadd.s32 s2, s17  }
0x8e: {  	[smem:$0x3FC4] =	sst s2  }
0x8f: {  	_ = 	snop  }
0x90: {  	s2 =	sld [smem:$0x3FD0];
	(tm) =	ssettm $0x1  }
0x91: {  	s18 =	sld [smem:$0x3FFB];
	_ =	sdelay $0x3  }
0x92: {  	_ =	strace s18  }
0x93: {  	s3 =	sld [smem:$0x3FFC];
	_ =	sdelay $0x3  }
0x94: {  	_ =	strace s3  }
0x95: {  	s3 =	sld [smem:$0x3FFD];
	_ =	sdelay $0x3  }
0x96: {  	_ =	strace s3  }
0x97: {  	_ =	strace $0x8FFFFFFF  }
0x98: {  	s19 =	sld [smem:$0x3FDB];
	_ =	sdelay $0x1  }
0x99: {  	s4 =	simm.s32 $_scs_section_size  }
0x9a: {  	s5 =	simm.s32 $_size__tile_overlayer_lowered;
	s6 =	simm.s32 $_tile_overlayer_lowered  }
0x9b: {  	s22 =	simm.s32 $0x1BFF;
	s21 =	sshll.u32 s6, $0x1;
	s3 =	sadd.s32 s4, s19  }
0x9c: {  	s7 =	simm.s32 $0x0;
	s20 =	sshll.u32 s5, $0x1;
	s5 =	sadd.s32 s21, s3  }
0x9d: {  	[timem:s7], [sflag:s22] =	dma.local [hbm:s5], s20  }
0x9e: {  	_ =	swait.ge [sflag:s22], s20  }
0x9f: {  	s4 =	ssub.s32 $0x0, s20;
	[sflag:s22] =	ssyncset.done $0x0  }
0xa0: {  	[sflag:s22] =	ssyncadd.s32 s4;
	_ =	sdelay $0x1  }
0xa1: {  	s23 =	simm.s32 $0x1B8B  }
0xa2: {  	_ =	swait.ge [sflag:s23], $0x1  }
0xa3: {  	[sflag:s23] =	ssyncset.done $0x0  }
0xa4: {  	s25 =	simm.s32 $0x1B8E;
	s24 =	sld [smem:$0x3FFE];
	[sflag:s23] =	ssyncadd.s32 $0xFFFFFFFF  }
0xa5: {  	s26 =	simm.s32 $execute0_lowered;
	[smem:$0x3FD2] =	sst s25  }
0xa6: {  	s5 =	sshll.u32 s26, $0x1;
	_ =	strace $0x80000046;
	[dreg:$0x1] =	wrdreg $0xFFFFFFFF  }
0xa7: {  	s28 =	simm.s32 $_size_execute0_lowered;
	s3 =	sadd.s32 s3, s5;
	[dreg:$0x0] =	wrdreg $0x0  }
0xa8: {  	s5 =	sshll.u32 s28, $0x1;
	[dreg:$0x2] =	wrdreg s3  }
0xa9: {  	[dreg:$0x3] =	wrdreg s5  }
0xaa: {  	[dreg:$0x4] =	wrdreg $0xC0  }
0xab: {  	_ =	task [dreg:s7], $0x5FFFF  }
0xac: {  	[dreg:$0x1] =	wrdreg $0xFFFFFFFF  }
0xad: {  	[dreg:$0x0] =	wrdreg $0x60  }
0xae: {  	[dreg:$0x2] =	wrdreg s24  }
0xaf: {  	[dreg:$0x3] =	wrdreg s2  }
0xb0: {  	[dreg:$0x4] =	wrdreg $0x16800  }
0xb1: {  	[dreg:$0x5] =	wrdreg $0x9  }
0xb2: {  	_ =	task.clear_ibuf [dreg:s7], $0x6FFFF;
	_ =	strace $0x90000046  }
0xb3: {  	s29 =	simm.s32 $0x9;
	_ =	strace $0x80000048  }
0xb4: {  	_ =	swait.ge [sflag:s29], $0x1  }
0xb5: {  	[sflag:s29] =	ssyncadd.s32 $0xFFFFFFFF  }
0xb6: {  	_ =	strace $0x90000048  }
0xb7: {  	_ =	sfence  }
0xb8: {  	s30 =	sld [smem:$0x0];
	_ =	sdelay $0x2  }
0xb9: {  	s31 =	sshll.u32 s1, $0xD;
	s1 =	sshrl.u32 s1, $0x2  }
0xba: {  	s3 =	sand.u32 $0x4000, s31;
	s1 =	sadd.s32 s1, s30  }
0xbb: {  	s0 =	sor.u32 s3, s0;
	s1 =	sshll.u32 s1, $0x11  }
0xbc: {  	s0 =	sor.u32 s1, s0  }
0xbd: {  	s0 =	sadd.s32 $0x8F2B, s0  }
0xbe: {  	[sflag:s0] =	ssyncadd.remote.s32 $0x1  }
0xbf: {  	_ =	sfence.sel $0xFFFF  }
0xc0: {  	[dreg:$0x0] =	wrdreg $0xFFFFFFFF;
	(pc) =	sbr.abs _section_cstart, $3  }
0xc1: {  	[dreg:$0x1] =	wrdreg $0xFFFFFFFF  }
0xc2: {  	_ =	task.clear_ibuf [dreg:s7], $0x2FFFF;
	_ =	strace $0x9FFFFFFF  }
0xc3: {  	(tm) =	ssettm $0x7FFFFFFF  }
tec
execute0_lowered:
.L_overlay_start_1:
0x0: {  	(tag) =	ssettag $0x1  }
0x1: {  	s1 =	srdreg.scid  }
0x2: {  	s1 =	sand.u32 $0x1, s1  }
0x3: {  	p0 =	seq.s32 s1, $0x1  }
.Ltmp0:
0x4: {  	s3 =	rddreg [dreg:$0x0];
	(pc) =	sbr.rel @p0 .LBB2_4-.Ltmp0, $4  }
0x5: {  	s4 =	rddreg [dreg:$0x1]  }
0x6: {  	s2 =	rddreg [dreg:$0x2];
	s5 =	simm.s32 $0x0  }
0x7: {  	[smem:$0x7FF] =	sst s5  }
0x8: {  	s0 =	rddreg [dreg:$0x3];
	_ =	strace $0x80000047;
	s1 =	stileid.u32  }
0x9: {  	s7 =	smul.u32 $0x1440, s1;
	s5 =	sshll.u32 s1, $0x5  }
0xa: {  	s8 =	simm.s32 $0x0;
	s5 =	sadd.s32 s5, s3  }
0xb: {  	s3 =	sadd.s32 s7, s2;
	s6 =	sadd.s32 $0x400, s5;
	s7 =	sshrl.u32 s7, $0x3  }
0xc: {  	v0 =	vimm.f32 $0.0e+00;
	s5 =	sadd.s32 $0x600, s5;
	s4 =	sadd.s32 s4, s7;
	s7 =	simm.s32 $0x40  }
.LBB2_2:
0xd: {  	p0 =	sne.s32 s7, $0x50C0;
	[tilespmem:s8+$0x200] =	vst v0;
	s8 =	smov.u32 s7;
	s7 =	sadd.s32 $0x40, s7  }
.Ltmp1:
0xe: {  	(pc) =	sbr.rel @p0 .LBB2_2-.Ltmp1, $2  }
0xf: {  	_ =	sdelay $0x2  }
0x10: {  	s8 =	sshra.s32 s8, $0x2  }
0x11: {  	[tilespmem:s8+$0x200] =	vst v0;
	s7 =	simm.s32 $0x200;
	s30 =	simm.s32 $0x1  }
0x12: {  	[spmem:s3] =	stream.linear.scatter [tilespmem:s7], [sflag:$0x1], $0x1440, $0x38;
	[tilespmem:$0x2AC0] =	vst v63  }
0x13: {  	_ =	swait.ge [sflag:s30], $0x1440  }
0x14: {  	[sflag:s30] =	ssyncset.done $0x0  }
0x15: {  	s9 =	simm.s32 $0x0;
	[sflag:s30] =	ssyncadd.s32 $0xFFFFEBC0  }
0x16: {  	[tilespmem:s9], [sflag:$0x1] =	stream.linear.gather [hbm4b:s6+s9], $0x100, $0x38;
	[tilespmem:$0x2AC0] =	vst v63  }
0x17: {  	_ =	swait.ge [sflag:s30], $0x100  }
0x18: {  	[sflag:s30] =	ssyncset.done $0x0  }
0x19: {  	s31 =	simm.s32 $0x100;
	[sflag:s30] =	ssyncadd.s32 $0xFFFFFF00  }
0x1a: {  	[tilespmem:s31], [sflag:$0x1] =	stream.linear.gather [hbm4b:s5+s9], $0x100, $0x38;
	[tilespmem:$0x2AC0] =	vst v63  }
0x1b: {  	_ =	swait.ge [sflag:s30], $0x100  }
0x1c: {  	[sflag:s30] =	ssyncset.done $0x0  }
0x1d: {  	[sflag:s30] =	ssyncadd.s32 $0xFFFFFF00  }
0x1e: {  	[bflag:$0x0] =	sbarrier.arrive $0xFFFF  }
0x1f: {  	[spmem:s2] =	stream.indirect.scatter.add.f32 [tilespmem:s9], [sflag:$0x1], $0x1, s31, s31, $0xb8;
	[tilespmem:$0x2AC0] =	vst v63  }
0x20: {  	_ =	swait.ge [sflag:s30], $0x100  }
0x21: {  	[sflag:s30] =	ssyncset.done $0x0  }
0x22: {  	[sflag:s30] =	ssyncadd.s32 $0xFFFFFF00  }
0x23: {  	[bflag:$0x0] =	sbarrier.arrive $0xFFFF  }
0x24: {  	[tilespmem:s7], [sflag:$0x1] =	stream.linear.gather [spmem:s3], $0x1440, $0x38;
	[tilespmem:$0x2AC0] =	vst v63  }
0x25: {  	_ =	swait.ge [sflag:s30], $0x1440  }
0x26: {  	[sflag:s30] =	ssyncset.done $0x0  }
0x27: {  	[sflag:s30] =	ssyncadd.s32 $0xFFFFEBC0  }
0x28: {  	[hbm4b:s4+s9] =	stream.linear.scatter [tilespmem:s7], [sflag:$0x1], $0x1440, $0x38;
	[tilespmem:$0x2AC0] =	vst v63  }
0x29: {  	_ =	swait.ge [sflag:s30], $0x1440  }
0x2a: {  	[sflag:s30] =	ssyncset.done $0x0  }
0x2b: {  	[sflag:s30] =	ssyncadd.s32 $0xFFFFEBC0  }
.LBB2_4:
0x2c: {  	_ =	sfence.sel $0x180000  }
0x2d: {  	[bflag:$0x0] =	sbarrier.arrive $0xFFFF  }
0x2e: {  	p0 =	sne.s32 s1, $0x0;
	_ =	strace $0x90000047  }
0x2f: {  	s0 =	sadd.s32 @!p0 $0x100000, s0;
	[bflag:$0x2] =	sbarrier.arrive $0xFFFF  }
0x30: {  	[sflag:s0] =	ssyncadd.tile.s32 @!p0 $0x1;
	_ =	shalt  }
.Lfunc_end2:
_tile_overlayer_lowered:
.L_overlay_start_2:
0x31: {  	(tag) =	ssettag $0x2  }
0x32: {  	s0 =	rddreg [dreg:$0x0];
	s2 =	stileid.u32  }
0x33: {  	s1 =	rddreg [dreg:$0x1];
	p0 =	sne.s32 s2, $0x0  }
0x34: {  	s3 =	rddreg [dreg:$0x2];
	[bflag:$0x3] =	sbarrier.arrive $0xFFFF;
	s2 =	simm.s32 @!p0 $0x1C01  }
0x35: {  	[timem:s3], [sflag:s2] =	dma.local @!p0 [hbm:s0], s1  }
0x36: {  	s0 =	simm.s32 @!p0 $0x1  }
0x37: {  	_ =	swait.ge @!p0 [sflag:s0], s1  }
0x38: {  	s1 =	ssub.s32 @!p0 $0x0, s1;
	[sflag:s0] =	ssyncset.done @!p0 $0x0  }
0x39: {  	[sflag:s0] =	ssyncadd.s32 @!p0 s1  }
0x3a: {  	[bflag:$0x3] =	sbarrier.arrive $0xFFFF  }
0x3b: {  	_ =	shalt  }

</sc_bundles>
